<compile_context>
chip_gen: v7x
topology: tpu7x:2x2x1
jax: 0.10.2.dev20260603
libtpu: 0.0.44.dev20260713+nightly
codegen_flags: <defaults>
</compile_context>

<pallas_src>
import jax
import jax.numpy as jnp
from jax import lax
from jax.experimental import pallas as pl
from jax.experimental.pallas import tpu as pltpu
from jax.experimental.pallas import tpu_sc as plsc

B = 1024
L = 20
C = 1000
FLAT = B * C * L
NC, NS = 2, 16
BPS = B // NS
LPC = L // NC
NSEG = 10
SEG = LPC // NSEG * C * B
SSEG = SEG // NS
NZD = 2
ZCH = SSEG // NZD


def _sc_body(t_hbm, z_hbm, out_hbm, t_v, offs_v, ones_v, zslab,
             sem_z0, sem_z1, sem_z2, sem_s):
    core = lax.axis_index("c")
    sub = lax.axis_index("s")
    zsems = (sem_z0, sem_z1, sem_z2)

    pltpu.sync_copy(z_hbm, zslab)

    def fire_seg(k):
        base = core * (NSEG * SEG) + k * SEG + sub * SSEG
        return [
            pltpu.async_copy(
                zslab, out_hbm.at[pl.ds(base + j * ZCH, ZCH)], zsems[k % 3]
            )
            for j in range(NZD)
        ]

    pending = {0: fire_seg(0), 1: fire_seg(1), 2: fire_seg(2)}

    pltpu.sync_copy(t_hbm.at[pl.ds(sub * (BPS * L), BPS * L)], t_v)
    for j in range(4):
        ones_v[pl.ds(j * 16, 16)] = jnp.ones((16,), jnp.float32)

    lane = lax.iota(jnp.int32, 16)
    for lr in range(LPC):
        l_abs = core * LPC + lr
        for k4 in range(4):
            gidx = (k4 * 16 + lane) * L + l_abs
            vals = plsc.load_gather(t_v, [gidx])
            off = (
                l_abs * (C * B)
                + (sub >> 1) * 1024
                + (sub & 1) * 64
                + k4 * 16
                + (vals >> 3) * 8192
                + (vals & 7) * 128
                + lane
            )
            offs_v[lr, pl.ds(k4 * 16, 16)] = off

    scat = []
    for k in range(NSEG):
        for cp in pending.pop(k):
            cp.wait()
        plsc.subcore_barrier()
        scat.append(
            pltpu.async_copy(ones_v, out_hbm.at[offs_v.at[k]], sem_s)
        )
        if k + 3 < NSEG:
            pending[k + 3] = fire_seg(k + 3)
    for cp in scat:
        cp.wait()


@jax.jit
def _one_hot_sc(t_flat, zeros_src):
    mesh = plsc.VectorSubcoreMesh(core_axis_name="c", subcore_axis_name="s")
    run = pl.kernel(
        _sc_body,
        out_type=jax.ShapeDtypeStruct((FLAT,), jnp.float32),
        mesh=mesh,
        scratch_types=[
            pltpu.VMEM((BPS * L,), jnp.int32),
            pltpu.VMEM((NSEG, 64), jnp.int32),
            pltpu.VMEM((64,), jnp.float32),
            pltpu.VMEM((ZCH,), jnp.float32),
            pltpu.SemaphoreType.DMA,
            pltpu.SemaphoreType.DMA,
            pltpu.SemaphoreType.DMA,
            pltpu.SemaphoreType.DMA,
        ],
        compiler_params=pltpu.CompilerParams(needs_layout_passes=False),
        name="one_hot_sc",
    )
    flat = run(t_flat, zeros_src)
    return (
        flat.reshape(L, C // 8, B // 128, 8, 128)
        .transpose(2, 4, 1, 3, 0)
        .reshape(B, C, L)
    )


def kernel(t, ones):
    del ones
    t_flat = t.reshape(-1).astype(jnp.int32)
    zeros_src = jnp.zeros((ZCH,), jnp.float32)
    return _one_hot_sc(t_flat, zeros_src)

# --- scband reference (transcript-rebuilt; emitter-appended) ---
"""Pipeline reference for scband-one-hot-encoder-15934328668642 (READ-ONLY COPY).

The authoritative reference and input builder live on the scoring server;
editing this copy changes nothing except your own understanding.
"""

import jax, jax.numpy as jnp
import numpy as np

N_CLASSES = 1000

def setup_inputs(seed: int = 0) -> dict:
    key = jax.random.key(seed)
    t = jax.random.randint(key, (1024, 20), 0, N_CLASSES)
    ones = jnp.eye(N_CLASSES, dtype=jnp.float32)
    return {"t": t, "ones": ones}

def reference(t, ones):
    # Faithful translation of OneHotEncoder.forward:
    # flatten indices, gather rows of identity matrix, reshape, permute class dim to axis 1
    n_classes = ones.shape[0]
    orig_shape = t.shape  # (B, L), n_dim = 2
    flat = t.reshape(-1)
    out = jnp.take(ones, flat, axis=0)  # [B*L, n_classes]
    out = out.reshape(orig_shape + (n_classes,))  # [B, L, n_classes]
    # permute(0, -1, *range(1, n_dim)) -> (0, 2, 1)
    out = jnp.transpose(out, (0, 2, 1)).astype(jnp.float32)  # [B, n_classes, L]
    return out

if __name__ == "__main__":
    import jax
    _d = setup_inputs()
    print(jax.jit(kernel)(*tuple(_d.values())))

</pallas_src>

<mosaic_0001>
#map = affine_map<(d0, d1) -> (0)>
module attributes {stable_mosaic.version = 14 : i64} {
  func.func @one_hot_sc(%arg0: i32, %arg1: i32, %arg2: memref<20480xi32, #tpu.memory_space<hbm>>, %arg3: memref<32000xf32, #tpu.memory_space<hbm>>, %arg4: memref<20480000xf32, #tpu.memory_space<hbm>>, %arg5: memref<1280xi32, #tpu.memory_space<vmem>>, %arg6: memref<10x64xi32, #tpu.memory_space<vmem>>, %arg7: memref<64xf32, #tpu.memory_space<vmem>>, %arg8: memref<32000xf32, #tpu.memory_space<vmem>>, %arg9: memref<!tpu.dma_semaphore, #tpu.memory_space<semaphore_mem>>, %arg10: memref<!tpu.dma_semaphore, #tpu.memory_space<semaphore_mem>>, %arg11: memref<!tpu.dma_semaphore, #tpu.memory_space<semaphore_mem>>, %arg12: memref<!tpu.dma_semaphore, #tpu.memory_space<semaphore_mem>>) attributes {dimension_semantics = [#tpu.dimension_semantics<core_parallel>, #tpu.dimension_semantics<subcore_parallel>], iteration_bounds = array<i64: 2, 16>, scalar_prefetch = 0 : i64, scratch_operands = 8 : i64, tpu.core_type = #tpu.core_type<sc_vector_subcore>, window_params = [{transform_indices = #map}, {transform_indices = #map}, {transform_indices = #map}]} {
    "tpu.region"() ({
      %run_scoped3A = tpu.sem_alloc : memref<!tpu.dma_semaphore, #tpu.memory_space<semaphore_mem>>
      tpu.enqueue_dma source(%arg3 : memref<32000xf32, #tpu.memory_space<hbm>>) target(%arg8 : memref<32000xf32, #tpu.memory_space<vmem>>) target_semaphore(%run_scoped3A : memref<!tpu.dma_semaphore, #tpu.memory_space<semaphore_mem>>)
      tpu.wait_dma2 semaphore(%run_scoped3A : memref<!tpu.dma_semaphore, #tpu.memory_space<semaphore_mem>>) src(%arg3 : memref<32000xf32, #tpu.memory_space<hbm>>) dst(%arg8 : memref<32000xf32, #tpu.memory_space<vmem>>)
      tpu.yield
    }) : () -> ()
    %mul3A = arith.constant 10240000 : i32
    %mul3A_0 = arith.muli %arg0, %mul3A : i32
    %add3A = arith.constant 0 : i32
    %add3A_1 = arith.addi %mul3A_0, %add3A : i32
    %mul3A_2 = arith.constant 64000 : i32
    %mul3A_3 = arith.muli %arg1, %mul3A_2 : i32
    %add3A_4 = arith.addi %add3A_1, %mul3A_3 : i32
    %add3A_5 = arith.constant 0 : i32
    %add3A_6 = arith.addi %add3A_4, %add3A_5 : i32
    %dma_start3A = tpu.memref_slice %arg4[%add3A_6] : memref<20480000xf32, #tpu.memory_space<hbm>> -> memref<32000xf32, #tpu.memory_space<hbm>>
    %dma_start3A_7 = tpu.memref_slice %arg4[%add3A_6] : memref<20480000xf32, #tpu.memory_space<hbm>> -> memref<32000xf32, #tpu.memory_space<hbm>>
    tpu.enqueue_dma source(%arg8 : memref<32000xf32, #tpu.memory_space<vmem>>) target(%dma_start3A_7 : memref<32000xf32, #tpu.memory_space<hbm>>) target_semaphore(%arg9 : memref<!tpu.dma_semaphore, #tpu.memory_space<semaphore_mem>>)
    %add3A_8 = arith.constant 32000 : i32
    %add3A_9 = arith.addi %add3A_4, %add3A_8 : i32
    %dma_start3A_10 = tpu.memref_slice %arg4[%add3A_9] : memref<20480000xf32, #tpu.memory_space<hbm>> -> memref<32000xf32, #tpu.memory_space<hbm>>
    %dma_start3A_11 = tpu.memref_slice %arg4[%add3A_9] : memref<20480000xf32, #tpu.memory_space<hbm>> -> memref<32000xf32, #tpu.memory_space<hbm>>
    tpu.enqueue_dma source(%arg8 : memref<32000xf32, #tpu.memory_space<vmem>>) target(%dma_start3A_11 : memref<32000xf32, #tpu.memory_space<hbm>>) target_semaphore(%arg9 : memref<!tpu.dma_semaphore, #tpu.memory_space<semaphore_mem>>)
    %mul3A_12 = arith.constant 10240000 : i32
    %mul3A_13 = arith.muli %arg0, %mul3A_12 : i32
    %add3A_14 = arith.constant 1024000 : i32
    %add3A_15 = arith.addi %mul3A_13, %add3A_14 : i32
    %mul3A_16 = arith.constant 64000 : i32
    %mul3A_17 = arith.muli %arg1, %mul3A_16 : i32
    %add3A_18 = arith.addi %add3A_15, %mul3A_17 : i32
    %add3A_19 = arith.constant 0 : i32
    %add3A_20 = arith.addi %add3A_18, %add3A_19 : i32
    %dma_start3A_21 = tpu.memref_slice %arg4[%add3A_20] : memref<20480000xf32, #tpu.memory_space<hbm>> -> memref<32000xf32, #tpu.memory_space<hbm>>
    %dma_start3A_22 = tpu.memref_slice %arg4[%add3A_20] : memref<20480000xf32, #tpu.memory_space<hbm>> -> memref<32000xf32, #tpu.memory_space<hbm>>
    tpu.enqueue_dma source(%arg8 : memref<32000xf32, #tpu.memory_space<vmem>>) target(%dma_start3A_22 : memref<32000xf32, #tpu.memory_space<hbm>>) target_semaphore(%arg10 : memref<!tpu.dma_semaphore, #tpu.memory_space<semaphore_mem>>)
    %add3A_23 = arith.constant 32000 : i32
    %add3A_24 = arith.addi %add3A_18, %add3A_23 : i32
    %dma_start3A_25 = tpu.memref_slice %arg4[%add3A_24] : memref<20480000xf32, #tpu.memory_space<hbm>> -> memref<32000xf32, #tpu.memory_space<hbm>>
    %dma_start3A_26 = tpu.memref_slice %arg4[%add3A_24] : memref<20480000xf32, #tpu.memory_space<hbm>> -> memref<32000xf32, #tpu.memory_space<hbm>>
    tpu.enqueue_dma source(%arg8 : memref<32000xf32, #tpu.memory_space<vmem>>) target(%dma_start3A_26 : memref<32000xf32, #tpu.memory_space<hbm>>) target_semaphore(%arg10 : memref<!tpu.dma_semaphore, #tpu.memory_space<semaphore_mem>>)
    %mul3A_27 = arith.constant 10240000 : i32
    %mul3A_28 = arith.muli %arg0, %mul3A_27 : i32
    %add3A_29 = arith.constant 2048000 : i32
    %add3A_30 = arith.addi %mul3A_28, %add3A_29 : i32
    %mul3A_31 = arith.constant 64000 : i32
    %mul3A_32 = arith.muli %arg1, %mul3A_31 : i32
    %add3A_33 = arith.addi %add3A_30, %mul3A_32 : i32
    %add3A_34 = arith.constant 0 : i32
    %add3A_35 = arith.addi %add3A_33, %add3A_34 : i32
    %dma_start3A_36 = tpu.memref_slice %arg4[%add3A_35] : memref<20480000xf32, #tpu.memory_space<hbm>> -> memref<32000xf32, #tpu.memory_space<hbm>>
    %dma_start3A_37 = tpu.memref_slice %arg4[%add3A_35] : memref<20480000xf32, #tpu.memory_space<hbm>> -> memref<32000xf32, #tpu.memory_space<hbm>>
    tpu.enqueue_dma source(%arg8 : memref<32000xf32, #tpu.memory_space<vmem>>) target(%dma_start3A_37 : memref<32000xf32, #tpu.memory_space<hbm>>) target_semaphore(%arg11 : memref<!tpu.dma_semaphore, #tpu.memory_space<semaphore_mem>>)
    %add3A_38 = arith.constant 32000 : i32
    %add3A_39 = arith.addi %add3A_33, %add3A_38 : i32
    %dma_start3A_40 = tpu.memref_slice %arg4[%add3A_39] : memref<20480000xf32, #tpu.memory_space<hbm>> -> memref<32000xf32, #tpu.memory_space<hbm>>
    %dma_start3A_41 = tpu.memref_slice %arg4[%add3A_39] : memref<20480000xf32, #tpu.memory_space<hbm>> -> memref<32000xf32, #tpu.memory_space<hbm>>
    tpu.enqueue_dma source(%arg8 : memref<32000xf32, #tpu.memory_space<vmem>>) target(%dma_start3A_41 : memref<32000xf32, #tpu.memory_space<hbm>>) target_semaphore(%arg11 : memref<!tpu.dma_semaphore, #tpu.memory_space<semaphore_mem>>)
    %mul3A_42 = arith.constant 1280 : i32
    %mul3A_43 = arith.muli %arg1, %mul3A_42 : i32
    "tpu.region"() ({
      %run_scoped3A = tpu.sem_alloc : memref<!tpu.dma_semaphore, #tpu.memory_space<semaphore_mem>>
      %dma_start3A_2088 = tpu.memref_slice %arg2[%mul3A_43] : memref<20480xi32, #tpu.memory_space<hbm>> -> memref<1280xi32, #tpu.memory_space<hbm>>
      %dma_start3A_2089 = tpu.memref_slice %arg2[%mul3A_43] : memref<20480xi32, #tpu.memory_space<hbm>> -> memref<1280xi32, #tpu.memory_space<hbm>>
      tpu.enqueue_dma source(%dma_start3A_2089 : memref<1280xi32, #tpu.memory_space<hbm>>) target(%arg5 : memref<1280xi32, #tpu.memory_space<vmem>>) target_semaphore(%run_scoped3A : memref<!tpu.dma_semaphore, #tpu.memory_space<semaphore_mem>>)
      %dma_wait3A_2090 = tpu.memref_slice %arg2[%mul3A_43] : memref<20480xi32, #tpu.memory_space<hbm>> -> memref<1280xi32, #tpu.memory_space<hbm>>
      %dma_wait3A_2091 = tpu.memref_slice %arg2[%mul3A_43] : memref<20480xi32, #tpu.memory_space<hbm>> -> memref<1280xi32, #tpu.memory_space<hbm>>
      tpu.wait_dma2 semaphore(%run_scoped3A : memref<!tpu.dma_semaphore, #tpu.memory_space<semaphore_mem>>) src(%dma_wait3A_2091 : memref<1280xi32, #tpu.memory_space<hbm>>) dst(%arg5 : memref<1280xi32, #tpu.memory_space<vmem>>)
      tpu.yield
    }) : () -> ()
    %broadcast_in_dim3A = arith.constant 1.000000e+00 : f32
    %broadcast_in_dim3A_44 = vector.broadcast %broadcast_in_dim3A : f32 to vector<16xf32>
    %swap3A = arith.constant 0 : index
    %swap3A_45 = tpu.vector_load %arg7[%swap3A] {strides = array<i32>} : memref<64xf32, #tpu.memory_space<vmem>>, vector<16xf32>,
    tpu.vector_store %arg7[%swap3A], %broadcast_in_dim3A_44 {strides = array<i32>} : memref<64xf32, #tpu.memory_space<vmem>>, vector<16xf32>,
    %broadcast_in_dim3A_46 = arith.constant 1.000000e+00 : f32
    %broadcast_in_dim3A_47 = vector.broadcast %broadcast_in_dim3A_46 : f32 to vector<16xf32>
    %swap3A_48 = arith.constant 16 : index
    %swap3A_49 = tpu.vector_load %arg7[%swap3A_48] {strides = array<i32>} : memref<64xf32, #tpu.memory_space<vmem>>, vector<16xf32>,
    tpu.vector_store %arg7[%swap3A_48], %broadcast_in_dim3A_47 {strides = array<i32>} : memref<64xf32, #tpu.memory_space<vmem>>, vector<16xf32>,
    %broadcast_in_dim3A_50 = arith.constant 1.000000e+00 : f32
    %broadcast_in_dim3A_51 = vector.broadcast %broadcast_in_dim3A_50 : f32 to vector<16xf32>
    %swap3A_52 = arith.constant 32 : index
    %swap3A_53 = tpu.vector_load %arg7[%swap3A_52] {strides = array<i32>} : memref<64xf32, #tpu.memory_space<vmem>>, vector<16xf32>,
    tpu.vector_store %arg7[%swap3A_52], %broadcast_in_dim3A_51 {strides = array<i32>} : memref<64xf32, #tpu.memory_space<vmem>>, vector<16xf32>,
    %broadcast_in_dim3A_54 = arith.constant 1.000000e+00 : f32
    %broadcast_in_dim3A_55 = vector.broadcast %broadcast_in_dim3A_54 : f32 to vector<16xf32>
    %swap3A_56 = arith.constant 48 : index
    %swap3A_57 = tpu.vector_load %arg7[%swap3A_56] {strides = array<i32>} : memref<64xf32, #tpu.memory_space<vmem>>, vector<16xf32>,
    tpu.vector_store %arg7[%swap3A_56], %broadcast_in_dim3A_55 {strides = array<i32>} : memref<64xf32, #tpu.memory_space<vmem>>, vector<16xf32>,
    %iota3A = tpu.iota {dimensions = array<i32: 0>} : vector<16xi32>
    %mul3A_58 = arith.constant 10 : i32
    %mul3A_59 = arith.muli %arg0, %mul3A_58 : i32
    %add3A_60 = arith.constant 0 : i32
    %add3A_61 = arith.addi %mul3A_59, %add3A_60 : i32
    %add3A_62 = arith.constant 0 : i32
    %add3A_63 = vector.broadcast %add3A_62 : i32 to vector<16xi32>
    %add3A_64 = arith.addi %add3A_63, %iota3A : vector<16xi32>
    %mul3A_65 = arith.constant 20 : i32
    %mul3A_66 = vector.broadcast %mul3A_65 : i32 to vector<16xi32>
    %mul3A_67 = arith.muli %add3A_64, %mul3A_66 : vector<16xi32>
    %add3A_68 = vector.broadcast %add3A_61 : i32 to vector<16xi32>
    %add3A_69 = arith.addi %mul3A_67, %add3A_68 : vector<16xi32>
    %gather3A = tpu.vector_load_idx %arg5[%add3A_69] : memref<1280xi32, #tpu.memory_space<vmem>>[vector<16xi32>], vector<16xi32>,
    %mul3A_70 = arith.constant 1024000 : i32
    %mul3A_71 = arith.muli %add3A_61, %mul3A_70 : i32
    %shift_right_arithmetic3A = arith.constant 1 : i32
    %shift_right_arithmetic3A_72 = arith.shrsi %arg1, %shift_right_arithmetic3A : i32
    %mul3A_73 = arith.constant 1024 : i32
    %mul3A_74 = arith.muli %shift_right_arithmetic3A_72, %mul3A_73 : i32
    %add3A_75 = arith.addi %mul3A_71, %mul3A_74 : i32
    %and3A = arith.constant 1 : i32
    %and3A_76 = arith.andi %arg1, %and3A : i32
    %mul3A_77 = arith.constant 64 : i32
    %mul3A_78 = arith.muli %and3A_76, %mul3A_77 : i32
    %add3A_79 = arith.addi %add3A_75, %mul3A_78 : i32
    %add3A_80 = arith.constant 0 : i32
    %add3A_81 = arith.addi %add3A_79, %add3A_80 : i32
    %shift_right_arithmetic3A_82 = arith.constant 3 : i32
    %shift_right_arithmetic3A_83 = vector.broadcast %shift_right_arithmetic3A_82 : i32 to vector<16xi32>
    %shift_right_arithmetic3A_84 = arith.shrsi %gather3A, %shift_right_arithmetic3A_83 : vector<16xi32>
    %mul3A_85 = arith.constant 8192 : i32
    %mul3A_86 = vector.broadcast %mul3A_85 : i32 to vector<16xi32>
    %mul3A_87 = arith.muli %shift_right_arithmetic3A_84, %mul3A_86 : vector<16xi32>
    %add3A_88 = vector.broadcast %add3A_81 : i32 to vector<16xi32>
    %add3A_89 = arith.addi %add3A_88, %mul3A_87 : vector<16xi32>
    %and3A_90 = arith.constant 7 : i32
    %and3A_91 = vector.broadcast %and3A_90 : i32 to vector<16xi32>
    %and3A_92 = arith.andi %gather3A, %and3A_91 : vector<16xi32>
    %mul3A_93 = arith.constant 128 : i32
    %mul3A_94 = vector.broadcast %mul3A_93 : i32 to vector<16xi32>
    %mul3A_95 = arith.muli %and3A_92, %mul3A_94 : vector<16xi32>
    %add3A_96 = arith.addi %add3A_89, %mul3A_95 : vector<16xi32>
    %add3A_97 = arith.addi %add3A_96, %iota3A : vector<16xi32>
    %swap3A_98 = arith.constant 0 : i32
    %swap3A_99 = arith.index_cast %swap3A_98 : i32 to index
    %swap3A_100 = arith.constant 0 : index
    %swap3A_101 = tpu.vector_load %arg6[%swap3A_99, %swap3A_100] {strides = array<i32>} : memref<10x64xi32, #tpu.memory_space<vmem>>, vector<16xi32>,
    tpu.vector_store %arg6[%swap3A_99, %swap3A_100], %add3A_97 {strides = array<i32>} : memref<10x64xi32, #tpu.memory_space<vmem>>, vector<16xi32>,
    %add3A_102 = arith.constant 16 : i32
    %add3A_103 = vector.broadcast %add3A_102 : i32 to vector<16xi32>
    %add3A_104 = arith.addi %add3A_103, %iota3A : vector<16xi32>
    %mul3A_105 = arith.constant 20 : i32
    %mul3A_106 = vector.broadcast %mul3A_105 : i32 to vector<16xi32>
    %mul3A_107 = arith.muli %add3A_104, %mul3A_106 : vector<16xi32>
    %add3A_108 = vector.broadcast %add3A_61 : i32 to vector<16xi32>
    %add3A_109 = arith.addi %mul3A_107, %add3A_108 : vector<16xi32>
    %gather3A_110 = tpu.vector_load_idx %arg5[%add3A_109] : memref<1280xi32, #tpu.memory_space<vmem>>[vector<16xi32>], vector<16xi32>,
    %mul3A_111 = arith.constant 1024000 : i32
    %mul3A_112 = arith.muli %add3A_61, %mul3A_111 : i32
    %shift_right_arithmetic3A_113 = arith.constant 1 : i32
    %shift_right_arithmetic3A_114 = arith.shrsi %arg1, %shift_right_arithmetic3A_113 : i32
    %mul3A_115 = arith.constant 1024 : i32
    %mul3A_116 = arith.muli %shift_right_arithmetic3A_114, %mul3A_115 : i32
    %add3A_117 = arith.addi %mul3A_112, %mul3A_116 : i32
    %and3A_118 = arith.constant 1 : i32
    %and3A_119 = arith.andi %arg1, %and3A_118 : i32
    %mul3A_120 = arith.constant 64 : i32
    %mul3A_121 = arith.muli %and3A_119, %mul3A_120 : i32
    %add3A_122 = arith.addi %add3A_117, %mul3A_121 : i32
    %add3A_123 = arith.constant 16 : i32
    %add3A_124 = arith.addi %add3A_122, %add3A_123 : i32
    %shift_right_arithmetic3A_125 = arith.constant 3 : i32
    %shift_right_arithmetic3A_126 = vector.broadcast %shift_right_arithmetic3A_125 : i32 to vector<16xi32>
    %shift_right_arithmetic3A_127 = arith.shrsi %gather3A_110, %shift_right_arithmetic3A_126 : vector<16xi32>
    %mul3A_128 = arith.constant 8192 : i32
    %mul3A_129 = vector.broadcast %mul3A_128 : i32 to vector<16xi32>
    %mul3A_130 = arith.muli %shift_right_arithmetic3A_127, %mul3A_129 : vector<16xi32>
    %add3A_131 = vector.broadcast %add3A_124 : i32 to vector<16xi32>
    %add3A_132 = arith.addi %add3A_131, %mul3A_130 : vector<16xi32>
    %and3A_133 = arith.constant 7 : i32
    %and3A_134 = vector.broadcast %and3A_133 : i32 to vector<16xi32>
    %and3A_135 = arith.andi %gather3A_110, %and3A_134 : vector<16xi32>
    %mul3A_136 = arith.constant 128 : i32
    %mul3A_137 = vector.broadcast %mul3A_136 : i32 to vector<16xi32>
    %mul3A_138 = arith.muli %and3A_135, %mul3A_137 : vector<16xi32>
    %add3A_139 = arith.addi %add3A_132, %mul3A_138 : vector<16xi32>
    %add3A_140 = arith.addi %add3A_139, %iota3A : vector<16xi32>
    %swap3A_141 = arith.constant 0 : i32
    %swap3A_142 = arith.index_cast %swap3A_141 : i32 to index
    %swap3A_143 = arith.constant 16 : index
    %swap3A_144 = tpu.vector_load %arg6[%swap3A_142, %swap3A_143] {strides = array<i32>} : memref<10x64xi32, #tpu.memory_space<vmem>>, vector<16xi32>,
    tpu.vector_store %arg6[%swap3A_142, %swap3A_143], %add3A_140 {strides = array<i32>} : memref<10x64xi32, #tpu.memory_space<vmem>>, vector<16xi32>,
    %add3A_145 = arith.constant 32 : i32
    %add3A_146 = vector.broadcast %add3A_145 : i32 to vector<16xi32>
    %add3A_147 = arith.addi %add3A_146, %iota3A : vector<16xi32>
    %mul3A_148 = arith.constant 20 : i32
    %mul3A_149 = vector.broadcast %mul3A_148 : i32 to vector<16xi32>
    %mul3A_150 = arith.muli %add3A_147, %mul3A_149 : vector<16xi32>
    %add3A_151 = vector.broadcast %add3A_61 : i32 to vector<16xi32>
    %add3A_152 = arith.addi %mul3A_150, %add3A_151 : vector<16xi32>
    %gather3A_153 = tpu.vector_load_idx %arg5[%add3A_152] : memref<1280xi32, #tpu.memory_space<vmem>>[vector<16xi32>], vector<16xi32>,
    %mul3A_154 = arith.constant 1024000 : i32
    %mul3A_155 = arith.muli %add3A_61, %mul3A_154 : i32
    %shift_right_arithmetic3A_156 = arith.constant 1 : i32
    %shift_right_arithmetic3A_157 = arith.shrsi %arg1, %shift_right_arithmetic3A_156 : i32
    %mul3A_158 = arith.constant 1024 : i32
    %mul3A_159 = arith.muli %shift_right_arithmetic3A_157, %mul3A_158 : i32
    %add3A_160 = arith.addi %mul3A_155, %mul3A_159 : i32
    %and3A_161 = arith.constant 1 : i32
    %and3A_162 = arith.andi %arg1, %and3A_161 : i32
    %mul3A_163 = arith.constant 64 : i32
    %mul3A_164 = arith.muli %and3A_162, %mul3A_163 : i32
    %add3A_165 = arith.addi %add3A_160, %mul3A_164 : i32
    %add3A_166 = arith.constant 32 : i32
    %add3A_167 = arith.addi %add3A_165, %add3A_166 : i32
    %shift_right_arithmetic3A_168 = arith.constant 3 : i32
    %shift_right_arithmetic3A_169 = vector.broadcast %shift_right_arithmetic3A_168 : i32 to vector<16xi32>
    %shift_right_arithmetic3A_170 = arith.shrsi %gather3A_153, %shift_right_arithmetic3A_169 : vector<16xi32>
    %mul3A_171 = arith.constant 8192 : i32
    %mul3A_172 = vector.broadcast %mul3A_171 : i32 to vector<16xi32>
    %mul3A_173 = arith.muli %shift_right_arithmetic3A_170, %mul3A_172 : vector<16xi32>
    %add3A_174 = vector.broadcast %add3A_167 : i32 to vector<16xi32>
    %add3A_175 = arith.addi %add3A_174, %mul3A_173 : vector<16xi32>
    %and3A_176 = arith.constant 7 : i32
    %and3A_177 = vector.broadcast %and3A_176 : i32 to vector<16xi32>
    %and3A_178 = arith.andi %gather3A_153, %and3A_177 : vector<16xi32>
    %mul3A_179 = arith.constant 128 : i32
    %mul3A_180 = vector.broadcast %mul3A_179 : i32 to vector<16xi32>
    %mul3A_181 = arith.muli %and3A_178, %mul3A_180 : vector<16xi32>
    %add3A_182 = arith.addi %add3A_175, %mul3A_181 : vector<16xi32>
    %add3A_183 = arith.addi %add3A_182, %iota3A : vector<16xi32>
    %swap3A_184 = arith.constant 0 : i32
    %swap3A_185 = arith.index_cast %swap3A_184 : i32 to index
    %swap3A_186 = arith.constant 32 : index
    %swap3A_187 = tpu.vector_load %arg6[%swap3A_185, %swap3A_186] {strides = array<i32>} : memref<10x64xi32, #tpu.memory_space<vmem>>, vector<16xi32>,
    tpu.vector_store %arg6[%swap3A_185, %swap3A_186], %add3A_183 {strides = array<i32>} : memref<10x64xi32, #tpu.memory_space<vmem>>, vector<16xi32>,
    %add3A_188 = arith.constant 48 : i32
    %add3A_189 = vector.broadcast %add3A_188 : i32 to vector<16xi32>
    %add3A_190 = arith.addi %add3A_189, %iota3A : vector<16xi32>
    %mul3A_191 = arith.constant 20 : i32
    %mul3A_192 = vector.broadcast %mul3A_191 : i32 to vector<16xi32>
    %mul3A_193 = arith.muli %add3A_190, %mul3A_192 : vector<16xi32>
    %add3A_194 = vector.broadcast %add3A_61 : i32 to vector<16xi32>
    %add3A_195 = arith.addi %mul3A_193, %add3A_194 : vector<16xi32>
    %gather3A_196 = tpu.vector_load_idx %arg5[%add3A_195] : memref<1280xi32, #tpu.memory_space<vmem>>[vector<16xi32>], vector<16xi32>,
    %mul3A_197 = arith.constant 1024000 : i32
    %mul3A_198 = arith.muli %add3A_61, %mul3A_197 : i32
    %shift_right_arithmetic3A_199 = arith.constant 1 : i32
    %shift_right_arithmetic3A_200 = arith.shrsi %arg1, %shift_right_arithmetic3A_199 : i32
    %mul3A_201 = arith.constant 1024 : i32
    %mul3A_202 = arith.muli %shift_right_arithmetic3A_200, %mul3A_201 : i32
    %add3A_203 = arith.addi %mul3A_198, %mul3A_202 : i32
    %and3A_204 = arith.constant 1 : i32
    %and3A_205 = arith.andi %arg1, %and3A_204 : i32
    %mul3A_206 = arith.constant 64 : i32
    %mul3A_207 = arith.muli %and3A_205, %mul3A_206 : i32
    %add3A_208 = arith.addi %add3A_203, %mul3A_207 : i32
    %add3A_209 = arith.constant 48 : i32
    %add3A_210 = arith.addi %add3A_208, %add3A_209 : i32
    %shift_right_arithmetic3A_211 = arith.constant 3 : i32
    %shift_right_arithmetic3A_212 = vector.broadcast %shift_right_arithmetic3A_211 : i32 to vector<16xi32>
    %shift_right_arithmetic3A_213 = arith.shrsi %gather3A_196, %shift_right_arithmetic3A_212 : vector<16xi32>
    %mul3A_214 = arith.constant 8192 : i32
    %mul3A_215 = vector.broadcast %mul3A_214 : i32 to vector<16xi32>
    %mul3A_216 = arith.muli %shift_right_arithmetic3A_213, %mul3A_215 : vector<16xi32>
    %add3A_217 = vector.broadcast %add3A_210 : i32 to vector<16xi32>
    %add3A_218 = arith.addi %add3A_217, %mul3A_216 : vector<16xi32>
    %and3A_219 = arith.constant 7 : i32
    %and3A_220 = vector.broadcast %and3A_219 : i32 to vector<16xi32>
    %and3A_221 = arith.andi %gather3A_196, %and3A_220 : vector<16xi32>
    %mul3A_222 = arith.constant 128 : i32
    %mul3A_223 = vector.broadcast %mul3A_222 : i32 to vector<16xi32>
    %mul3A_224 = arith.muli %and3A_221, %mul3A_223 : vector<16xi32>
    %add3A_225 = arith.addi %add3A_218, %mul3A_224 : vector<16xi32>
    %add3A_226 = arith.addi %add3A_225, %iota3A : vector<16xi32>
    %swap3A_227 = arith.constant 0 : i32
    %swap3A_228 = arith.index_cast %swap3A_227 : i32 to index
    %swap3A_229 = arith.constant 48 : index
    %swap3A_230 = tpu.vector_load %arg6[%swap3A_228, %swap3A_229] {strides = array<i32>} : memref<10x64xi32, #tpu.memory_space<vmem>>, vector<16xi32>,
    tpu.vector_store %arg6[%swap3A_228, %swap3A_229], %add3A_226 {strides = array<i32>} : memref<10x64xi32, #tpu.memory_space<vmem>>, vector<16xi32>,
    %mul3A_231 = arith.constant 10 : i32
    %mul3A_232 = arith.muli %arg0, %mul3A_231 : i32
    %add3A_233 = arith.constant 1 : i32
    %add3A_234 = arith.addi %mul3A_232, %add3A_233 : i32
    %add3A_235 = arith.constant 0 : i32
    %add3A_236 = vector.broadcast %add3A_235 : i32 to vector<16xi32>
    %add3A_237 = arith.addi %add3A_236, %iota3A : vector<16xi32>
    %mul3A_238 = arith.constant 20 : i32
    %mul3A_239 = vector.broadcast %mul3A_238 : i32 to vector<16xi32>
    %mul3A_240 = arith.muli %add3A_237, %mul3A_239 : vector<16xi32>
    %add3A_241 = vector.broadcast %add3A_234 : i32 to vector<16xi32>
    %add3A_242 = arith.addi %mul3A_240, %add3A_241 : vector<16xi32>
    %gather3A_243 = tpu.vector_load_idx %arg5[%add3A_242] : memref<1280xi32, #tpu.memory_space<vmem>>[vector<16xi32>], vector<16xi32>,
    %mul3A_244 = arith.constant 1024000 : i32
    %mul3A_245 = arith.muli %add3A_234, %mul3A_244 : i32
    %shift_right_arithmetic3A_246 = arith.constant 1 : i32
    %shift_right_arithmetic3A_247 = arith.shrsi %arg1, %shift_right_arithmetic3A_246 : i32
    %mul3A_248 = arith.constant 1024 : i32
    %mul3A_249 = arith.muli %shift_right_arithmetic3A_247, %mul3A_248 : i32
    %add3A_250 = arith.addi %mul3A_245, %mul3A_249 : i32
    %and3A_251 = arith.constant 1 : i32
    %and3A_252 = arith.andi %arg1, %and3A_251 : i32
    %mul3A_253 = arith.constant 64 : i32
    %mul3A_254 = arith.muli %and3A_252, %mul3A_253 : i32
    %add3A_255 = arith.addi %add3A_250, %mul3A_254 : i32
    %add3A_256 = arith.constant 0 : i32
    %add3A_257 = arith.addi %add3A_255, %add3A_256 : i32
    %shift_right_arithmetic3A_258 = arith.constant 3 : i32
    %shift_right_arithmetic3A_259 = vector.broadcast %shift_right_arithmetic3A_258 : i32 to vector<16xi32>
    %shift_right_arithmetic3A_260 = arith.shrsi %gather3A_243, %shift_right_arithmetic3A_259 : vector<16xi32>
    %mul3A_261 = arith.constant 8192 : i32
    %mul3A_262 = vector.broadcast %mul3A_261 : i32 to vector<16xi32>
    %mul3A_263 = arith.muli %shift_right_arithmetic3A_260, %mul3A_262 : vector<16xi32>
    %add3A_264 = vector.broadcast %add3A_257 : i32 to vector<16xi32>
    %add3A_265 = arith.addi %add3A_264, %mul3A_263 : vector<16xi32>
    %and3A_266 = arith.constant 7 : i32
    %and3A_267 = vector.broadcast %and3A_266 : i32 to vector<16xi32>
    %and3A_268 = arith.andi %gather3A_243, %and3A_267 : vector<16xi32>
    %mul3A_269 = arith.constant 128 : i32
    %mul3A_270 = vector.broadcast %mul3A_269 : i32 to vector<16xi32>
    %mul3A_271 = arith.muli %and3A_268, %mul3A_270 : vector<16xi32>
    %add3A_272 = arith.addi %add3A_265, %mul3A_271 : vector<16xi32>
    %add3A_273 = arith.addi %add3A_272, %iota3A : vector<16xi32>
    %swap3A_274 = arith.constant 1 : i32
    %swap3A_275 = arith.index_cast %swap3A_274 : i32 to index
    %swap3A_276 = arith.constant 0 : index
    %swap3A_277 = tpu.vector_load %arg6[%swap3A_275, %swap3A_276] {strides = array<i32>} : memref<10x64xi32, #tpu.memory_space<vmem>>, vector<16xi32>,
    tpu.vector_store %arg6[%swap3A_275, %swap3A_276], %add3A_273 {strides = array<i32>} : memref<10x64xi32, #tpu.memory_space<vmem>>, vector<16xi32>,
    %add3A_278 = arith.constant 16 : i32
    %add3A_279 = vector.broadcast %add3A_278 : i32 to vector<16xi32>
    %add3A_280 = arith.addi %add3A_279, %iota3A : vector<16xi32>
    %mul3A_281 = arith.constant 20 : i32
    %mul3A_282 = vector.broadcast %mul3A_281 : i32 to vector<16xi32>
    %mul3A_283 = arith.muli %add3A_280, %mul3A_282 : vector<16xi32>
    %add3A_284 = vector.broadcast %add3A_234 : i32 to vector<16xi32>
    %add3A_285 = arith.addi %mul3A_283, %add3A_284 : vector<16xi32>
    %gather3A_286 = tpu.vector_load_idx %arg5[%add3A_285] : memref<1280xi32, #tpu.memory_space<vmem>>[vector<16xi32>], vector<16xi32>,
    %mul3A_287 = arith.constant 1024000 : i32
    %mul3A_288 = arith.muli %add3A_234, %mul3A_287 : i32
    %shift_right_arithmetic3A_289 = arith.constant 1 : i32
    %shift_right_arithmetic3A_290 = arith.shrsi %arg1, %shift_right_arithmetic3A_289 : i32
    %mul3A_291 = arith.constant 1024 : i32
    %mul3A_292 = arith.muli %shift_right_arithmetic3A_290, %mul3A_291 : i32
    %add3A_293 = arith.addi %mul3A_288, %mul3A_292 : i32
    %and3A_294 = arith.constant 1 : i32
    %and3A_295 = arith.andi %arg1, %and3A_294 : i32
    %mul3A_296 = arith.constant 64 : i32
    %mul3A_297 = arith.muli %and3A_295, %mul3A_296 : i32
    %add3A_298 = arith.addi %add3A_293, %mul3A_297 : i32
    %add3A_299 = arith.constant 16 : i32
    %add3A_300 = arith.addi %add3A_298, %add3A_299 : i32
    %shift_right_arithmetic3A_301 = arith.constant 3 : i32
    %shift_right_arithmetic3A_302 = vector.broadcast %shift_right_arithmetic3A_301 : i32 to vector<16xi32>
    %shift_right_arithmetic3A_303 = arith.shrsi %gather3A_286, %shift_right_arithmetic3A_302 : vector<16xi32>
    %mul3A_304 = arith.constant 8192 : i32
    %mul3A_305 = vector.broadcast %mul3A_304 : i32 to vector<16xi32>
    %mul3A_306 = arith.muli %shift_right_arithmetic3A_303, %mul3A_305 : vector<16xi32>
    %add3A_307 = vector.broadcast %add3A_300 : i32 to vector<16xi32>
    %add3A_308 = arith.addi %add3A_307, %mul3A_306 : vector<16xi32>
    %and3A_309 = arith.constant 7 : i32
    %and3A_310 = vector.broadcast %and3A_309 : i32 to vector<16xi32>
    %and3A_311 = arith.andi %gather3A_286, %and3A_310 : vector<16xi32>
    %mul3A_312 = arith.constant 128 : i32
    %mul3A_313 = vector.broadcast %mul3A_312 : i32 to vector<16xi32>
    %mul3A_314 = arith.muli %and3A_311, %mul3A_313 : vector<16xi32>
    %add3A_315 = arith.addi %add3A_308, %mul3A_314 : vector<16xi32>
    %add3A_316 = arith.addi %add3A_315, %iota3A : vector<16xi32>
    %swap3A_317 = arith.constant 1 : i32
    %swap3A_318 = arith.index_cast %swap3A_317 : i32 to index
    %swap3A_319 = arith.constant 16 : index
    %swap3A_320 = tpu.vector_load %arg6[%swap3A_318, %swap3A_319] {strides = array<i32>} : memref<10x64xi32, #tpu.memory_space<vmem>>, vector<16xi32>,
    tpu.vector_store %arg6[%swap3A_318, %swap3A_319], %add3A_316 {strides = array<i32>} : memref<10x64xi32, #tpu.memory_space<vmem>>, vector<16xi32>,
    %add3A_321 = arith.constant 32 : i32
    %add3A_322 = vector.broadcast %add3A_321 : i32 to vector<16xi32>
    %add3A_323 = arith.addi %add3A_322, %iota3A : vector<16xi32>
    %mul3A_324 = arith.constant 20 : i32
    %mul3A_325 = vector.broadcast %mul3A_324 : i32 to vector<16xi32>
    %mul3A_326 = arith.muli %add3A_323, %mul3A_325 : vector<16xi32>
    %add3A_327 = vector.broadcast %add3A_234 : i32 to vector<16xi32>
    %add3A_328 = arith.addi %mul3A_326, %add3A_327 : vector<16xi32>
    %gather3A_329 = tpu.vector_load_idx %arg5[%add3A_328] : memref<1280xi32, #tpu.memory_space<vmem>>[vector<16xi32>], vector<16xi32>,
    %mul3A_330 = arith.constant 1024000 : i32
    %mul3A_331 = arith.muli %add3A_234, %mul3A_330 : i32
    %shift_right_arithmetic3A_332 = arith.constant 1 : i32
    %shift_right_arithmetic3A_333 = arith.shrsi %arg1, %shift_right_arithmetic3A_332 : i32
    %mul3A_334 = arith.constant 1024 : i32
    %mul3A_335 = arith.muli %shift_right_arithmetic3A_333, %mul3A_334 : i32
    %add3A_336 = arith.addi %mul3A_331, %mul3A_335 : i32
    %and3A_337 = arith.constant 1 : i32
    %and3A_338 = arith.andi %arg1, %and3A_337 : i32
    %mul3A_339 = arith.constant 64 : i32
    %mul3A_340 = arith.muli %and3A_338, %mul3A_339 : i32
    %add3A_341 = arith.addi %add3A_336, %mul3A_340 : i32
    %add3A_342 = arith.constant 32 : i32
    %add3A_343 = arith.addi %add3A_341, %add3A_342 : i32
    %shift_right_arithmetic3A_344 = arith.constant 3 : i32
    %shift_right_arithmetic3A_345 = vector.broadcast %shift_right_arithmetic3A_344 : i32 to vector<16xi32>
    %shift_right_arithmetic3A_346 = arith.shrsi %gather3A_329, %shift_right_arithmetic3A_345 : vector<16xi32>
    %mul3A_347 = arith.constant 8192 : i32
    %mul3A_348 = vector.broadcast %mul3A_347 : i32 to vector<16xi32>
    %mul3A_349 = arith.muli %shift_right_arithmetic3A_346, %mul3A_348 : vector<16xi32>
    %add3A_350 = vector.broadcast %add3A_343 : i32 to vector<16xi32>
    %add3A_351 = arith.addi %add3A_350, %mul3A_349 : vector<16xi32>
    %and3A_352 = arith.constant 7 : i32
    %and3A_353 = vector.broadcast %and3A_352 : i32 to vector<16xi32>
    %and3A_354 = arith.andi %gather3A_329, %and3A_353 : vector<16xi32>
    %mul3A_355 = arith.constant 128 : i32
    %mul3A_356 = vector.broadcast %mul3A_355 : i32 to vector<16xi32>
    %mul3A_357 = arith.muli %and3A_354, %mul3A_356 : vector<16xi32>
    %add3A_358 = arith.addi %add3A_351, %mul3A_357 : vector<16xi32>
    %add3A_359 = arith.addi %add3A_358, %iota3A : vector<16xi32>
    %swap3A_360 = arith.constant 1 : i32
    %swap3A_361 = arith.index_cast %swap3A_360 : i32 to index
    %swap3A_362 = arith.constant 32 : index
    %swap3A_363 = tpu.vector_load %arg6[%swap3A_361, %swap3A_362] {strides = array<i32>} : memref<10x64xi32, #tpu.memory_space<vmem>>, vector<16xi32>,
    tpu.vector_store %arg6[%swap3A_361, %swap3A_362], %add3A_359 {strides = array<i32>} : memref<10x64xi32, #tpu.memory_space<vmem>>, vector<16xi32>,
    %add3A_364 = arith.constant 48 : i32
    %add3A_365 = vector.broadcast %add3A_364 : i32 to vector<16xi32>
    %add3A_366 = arith.addi %add3A_365, %iota3A : vector<16xi32>
    %mul3A_367 = arith.constant 20 : i32
    %mul3A_368 = vector.broadcast %mul3A_367 : i32 to vector<16xi32>
    %mul3A_369 = arith.muli %add3A_366, %mul3A_368 : vector<16xi32>
    %add3A_370 = vector.broadcast %add3A_234 : i32 to vector<16xi32>
    %add3A_371 = arith.addi %mul3A_369, %add3A_370 : vector<16xi32>
    %gather3A_372 = tpu.vector_load_idx %arg5[%add3A_371] : memref<1280xi32, #tpu.memory_space<vmem>>[vector<16xi32>], vector<16xi32>,
    %mul3A_373 = arith.constant 1024000 : i32
    %mul3A_374 = arith.muli %add3A_234, %mul3A_373 : i32
    %shift_right_arithmetic3A_375 = arith.constant 1 : i32
    %shift_right_arithmetic3A_376 = arith.shrsi %arg1, %shift_right_arithmetic3A_375 : i32
    %mul3A_377 = arith.constant 1024 : i32
    %mul3A_378 = arith.muli %shift_right_arithmetic3A_376, %mul3A_377 : i32
    %add3A_379 = arith.addi %mul3A_374, %mul3A_378 : i32
    %and3A_380 = arith.constant 1 : i32
    %and3A_381 = arith.andi %arg1, %and3A_380 : i32
    %mul3A_382 = arith.constant 64 : i32
    %mul3A_383 = arith.muli %and3A_381, %mul3A_382 : i32
    %add3A_384 = arith.addi %add3A_379, %mul3A_383 : i32
    %add3A_385 = arith.constant 48 : i32
    %add3A_386 = arith.addi %add3A_384, %add3A_385 : i32
    %shift_right_arithmetic3A_387 = arith.constant 3 : i32
    %shift_right_arithmetic3A_388 = vector.broadcast %shift_right_arithmetic3A_387 : i32 to vector<16xi32>
    %shift_right_arithmetic3A_389 = arith.shrsi %gather3A_372, %shift_right_arithmetic3A_388 : vector<16xi32>
    %mul3A_390 = arith.constant 8192 : i32
    %mul3A_391 = vector.broadcast %mul3A_390 : i32 to vector<16xi32>
    %mul3A_392 = arith.muli %shift_right_arithmetic3A_389, %mul3A_391 : vector<16xi32>
    %add3A_393 = vector.broadcast %add3A_386 : i32 to vector<16xi32>
    %add3A_394 = arith.addi %add3A_393, %mul3A_392 : vector<16xi32>
    %and3A_395 = arith.constant 7 : i32
    %and3A_396 = vector.broadcast %and3A_395 : i32 to vector<16xi32>
    %and3A_397 = arith.andi %gather3A_372, %and3A_396 : vector<16xi32>
    %mul3A_398 = arith.constant 128 : i32
    %mul3A_399 = vector.broadcast %mul3A_398 : i32 to vector<16xi32>
    %mul3A_400 = arith.muli %and3A_397, %mul3A_399 : vector<16xi32>
    %add3A_401 = arith.addi %add3A_394, %mul3A_400 : vector<16xi32>
    %add3A_402 = arith.addi %add3A_401, %iota3A : vector<16xi32>
    %swap3A_403 = arith.constant 1 : i32
    %swap3A_404 = arith.index_cast %swap3A_403 : i32 to index
    %swap3A_405 = arith.constant 48 : index
    %swap3A_406 = tpu.vector_load %arg6[%swap3A_404, %swap3A_405] {strides = array<i32>} : memref<10x64xi32, #tpu.memory_space<vmem>>, vector<16xi32>,
    tpu.vector_store %arg6[%swap3A_404, %swap3A_405], %add3A_402 {strides = array<i32>} : memref<10x64xi32, #tpu.memory_space<vmem>>, vector<16xi32>,
    %mul3A_407 = arith.constant 10 : i32
    %mul3A_408 = arith.muli %arg0, %mul3A_407 : i32
    %add3A_409 = arith.constant 2 : i32
    %add3A_410 = arith.addi %mul3A_408, %add3A_409 : i32
    %add3A_411 = arith.constant 0 : i32
    %add3A_412 = vector.broadcast %add3A_411 : i32 to vector<16xi32>
    %add3A_413 = arith.addi %add3A_412, %iota3A : vector<16xi32>
    %mul3A_414 = arith.constant 20 : i32
    %mul3A_415 = vector.broadcast %mul3A_414 : i32 to vector<16xi32>
    %mul3A_416 = arith.muli %add3A_413, %mul3A_415 : vector<16xi32>
    %add3A_417 = vector.broadcast %add3A_410 : i32 to vector<16xi32>
    %add3A_418 = arith.addi %mul3A_416, %add3A_417 : vector<16xi32>
    %gather3A_419 = tpu.vector_load_idx %arg5[%add3A_418] : memref<1280xi32, #tpu.memory_space<vmem>>[vector<16xi32>], vector<16xi32>,
    %mul3A_420 = arith.constant 1024000 : i32
    %mul3A_421 = arith.muli %add3A_410, %mul3A_420 : i32
    %shift_right_arithmetic3A_422 = arith.constant 1 : i32
    %shift_right_arithmetic3A_423 = arith.shrsi %arg1, %shift_right_arithmetic3A_422 : i32
    %mul3A_424 = arith.constant 1024 : i32
    %mul3A_425 = arith.muli %shift_right_arithmetic3A_423, %mul3A_424 : i32
    %add3A_426 = arith.addi %mul3A_421, %mul3A_425 : i32
    %and3A_427 = arith.constant 1 : i32
    %and3A_428 = arith.andi %arg1, %and3A_427 : i32
    %mul3A_429 = arith.constant 64 : i32
    %mul3A_430 = arith.muli %and3A_428, %mul3A_429 : i32
    %add3A_431 = arith.addi %add3A_426, %mul3A_430 : i32
    %add3A_432 = arith.constant 0 : i32
    %add3A_433 = arith.addi %add3A_431, %add3A_432 : i32
    %shift_right_arithmetic3A_434 = arith.constant 3 : i32
    %shift_right_arithmetic3A_435 = vector.broadcast %shift_right_arithmetic3A_434 : i32 to vector<16xi32>
    %shift_right_arithmetic3A_436 = arith.shrsi %gather3A_419, %shift_right_arithmetic3A_435 : vector<16xi32>
    %mul3A_437 = arith.constant 8192 : i32
    %mul3A_438 = vector.broadcast %mul3A_437 : i32 to vector<16xi32>
    %mul3A_439 = arith.muli %shift_right_arithmetic3A_436, %mul3A_438 : vector<16xi32>
    %add3A_440 = vector.broadcast %add3A_433 : i32 to vector<16xi32>
    %add3A_441 = arith.addi %add3A_440, %mul3A_439 : vector<16xi32>
    %and3A_442 = arith.constant 7 : i32
    %and3A_443 = vector.broadcast %and3A_442 : i32 to vector<16xi32>
    %and3A_444 = arith.andi %gather3A_419, %and3A_443 : vector<16xi32>
    %mul3A_445 = arith.constant 128 : i32
    %mul3A_446 = vector.broadcast %mul3A_445 : i32 to vector<16xi32>
    %mul3A_447 = arith.muli %and3A_444, %mul3A_446 : vector<16xi32>
    %add3A_448 = arith.addi %add3A_441, %mul3A_447 : vector<16xi32>
    %add3A_449 = arith.addi %add3A_448, %iota3A : vector<16xi32>
    %swap3A_450 = arith.constant 2 : i32
    %swap3A_451 = arith.index_cast %swap3A_450 : i32 to index
    %swap3A_452 = arith.constant 0 : index
    %swap3A_453 = tpu.vector_load %arg6[%swap3A_451, %swap3A_452] {strides = array<i32>} : memref<10x64xi32, #tpu.memory_space<vmem>>, vector<16xi32>,
    tpu.vector_store %arg6[%swap3A_451, %swap3A_452], %add3A_449 {strides = array<i32>} : memref<10x64xi32, #tpu.memory_space<vmem>>, vector<16xi32>,
    %add3A_454 = arith.constant 16 : i32
    %add3A_455 = vector.broadcast %add3A_454 : i32 to vector<16xi32>
    %add3A_456 = arith.addi %add3A_455, %iota3A : vector<16xi32>
    %mul3A_457 = arith.constant 20 : i32
    %mul3A_458 = vector.broadcast %mul3A_457 : i32 to vector<16xi32>
    %mul3A_459 = arith.muli %add3A_456, %mul3A_458 : vector<16xi32>
    %add3A_460 = vector.broadcast %add3A_410 : i32 to vector<16xi32>
    %add3A_461 = arith.addi %mul3A_459, %add3A_460 : vector<16xi32>
    %gather3A_462 = tpu.vector_load_idx %arg5[%add3A_461] : memref<1280xi32, #tpu.memory_space<vmem>>[vector<16xi32>], vector<16xi32>,
    %mul3A_463 = arith.constant 1024000 : i32
    %mul3A_464 = arith.muli %add3A_410, %mul3A_463 : i32
    %shift_right_arithmetic3A_465 = arith.constant 1 : i32
    %shift_right_arithmetic3A_466 = arith.shrsi %arg1, %shift_right_arithmetic3A_465 : i32
    %mul3A_467 = arith.constant 1024 : i32
    %mul3A_468 = arith.muli %shift_right_arithmetic3A_466, %mul3A_467 : i32
    %add3A_469 = arith.addi %mul3A_464, %mul3A_468 : i32
    %and3A_470 = arith.constant 1 : i32
    %and3A_471 = arith.andi %arg1, %and3A_470 : i32
    %mul3A_472 = arith.constant 64 : i32
    %mul3A_473 = arith.muli %and3A_471, %mul3A_472 : i32
    %add3A_474 = arith.addi %add3A_469, %mul3A_473 : i32
    %add3A_475 = arith.constant 16 : i32
    %add3A_476 = arith.addi %add3A_474, %add3A_475 : i32
    %shift_right_arithmetic3A_477 = arith.constant 3 : i32
    %shift_right_arithmetic3A_478 = vector.broadcast %shift_right_arithmetic3A_477 : i32 to vector<16xi32>
    %shift_right_arithmetic3A_479 = arith.shrsi %gather3A_462, %shift_right_arithmetic3A_478 : vector<16xi32>
    %mul3A_480 = arith.constant 8192 : i32
    %mul3A_481 = vector.broadcast %mul3A_480 : i32 to vector<16xi32>
    %mul3A_482 = arith.muli %shift_right_arithmetic3A_479, %mul3A_481 : vector<16xi32>
    %add3A_483 = vector.broadcast %add3A_476 : i32 to vector<16xi32>
    %add3A_484 = arith.addi %add3A_483, %mul3A_482 : vector<16xi32>
    %and3A_485 = arith.constant 7 : i32
    %and3A_486 = vector.broadcast %and3A_485 : i32 to vector<16xi32>
    %and3A_487 = arith.andi %gather3A_462, %and3A_486 : vector<16xi32>
    %mul3A_488 = arith.constant 128 : i32
    %mul3A_489 = vector.broadcast %mul3A_488 : i32 to vector<16xi32>
    %mul3A_490 = arith.muli %and3A_487, %mul3A_489 : vector<16xi32>
    %add3A_491 = arith.addi %add3A_484, %mul3A_490 : vector<16xi32>
    %add3A_492 = arith.addi %add3A_491, %iota3A : vector<16xi32>
    %swap3A_493 = arith.constant 2 : i32
    %swap3A_494 = arith.index_cast %swap3A_493 : i32 to index
    %swap3A_495 = arith.constant 16 : index
    %swap3A_496 = tpu.vector_load %arg6[%swap3A_494, %swap3A_495] {strides = array<i32>} : memref<10x64xi32, #tpu.memory_space<vmem>>, vector<16xi32>,
    tpu.vector_store %arg6[%swap3A_494, %swap3A_495], %add3A_492 {strides = array<i32>} : memref<10x64xi32, #tpu.memory_space<vmem>>, vector<16xi32>,
    %add3A_497 = arith.constant 32 : i32
    %add3A_498 = vector.broadcast %add3A_497 : i32 to vector<16xi32>
    %add3A_499 = arith.addi %add3A_498, %iota3A : vector<16xi32>
    %mul3A_500 = arith.constant 20 : i32
    %mul3A_501 = vector.broadcast %mul3A_500 : i32 to vector<16xi32>
    %mul3A_502 = arith.muli %add3A_499, %mul3A_501 : vector<16xi32>
    %add3A_503 = vector.broadcast %add3A_410 : i32 to vector<16xi32>
    %add3A_504 = arith.addi %mul3A_502, %add3A_503 : vector<16xi32>
    %gather3A_505 = tpu.vector_load_idx %arg5[%add3A_504] : memref<1280xi32, #tpu.memory_space<vmem>>[vector<16xi32>], vector<16xi32>,
    %mul3A_506 = arith.constant 1024000 : i32
    %mul3A_507 = arith.muli %add3A_410, %mul3A_506 : i32
    %shift_right_arithmetic3A_508 = arith.constant 1 : i32
    %shift_right_arithmetic3A_509 = arith.shrsi %arg1, %shift_right_arithmetic3A_508 : i32
    %mul3A_510 = arith.constant 1024 : i32
    %mul3A_511 = arith.muli %shift_right_arithmetic3A_509, %mul3A_510 : i32
    %add3A_512 = arith.addi %mul3A_507, %mul3A_511 : i32
    %and3A_513 = arith.constant 1 : i32
    %and3A_514 = arith.andi %arg1, %and3A_513 : i32
    %mul3A_515 = arith.constant 64 : i32
    %mul3A_516 = arith.muli %and3A_514, %mul3A_515 : i32
    %add3A_517 = arith.addi %add3A_512, %mul3A_516 : i32
    %add3A_518 = arith.constant 32 : i32
    %add3A_519 = arith.addi %add3A_517, %add3A_518 : i32
    %shift_right_arithmetic3A_520 = arith.constant 3 : i32
    %shift_right_arithmetic3A_521 = vector.broadcast %shift_right_arithmetic3A_520 : i32 to vector<16xi32>
    %shift_right_arithmetic3A_522 = arith.shrsi %gather3A_505, %shift_right_arithmetic3A_521 : vector<16xi32>
    %mul3A_523 = arith.constant 8192 : i32
    %mul3A_524 = vector.broadcast %mul3A_523 : i32 to vector<16xi32>
    %mul3A_525 = arith.muli %shift_right_arithmetic3A_522, %mul3A_524 : vector<16xi32>
    %add3A_526 = vector.broadcast %add3A_519 : i32 to vector<16xi32>
    %add3A_527 = arith.addi %add3A_526, %mul3A_525 : vector<16xi32>
    %and3A_528 = arith.constant 7 : i32
    %and3A_529 = vector.broadcast %and3A_528 : i32 to vector<16xi32>
    %and3A_530 = arith.andi %gather3A_505, %and3A_529 : vector<16xi32>
    %mul3A_531 = arith.constant 128 : i32
    %mul3A_532 = vector.broadcast %mul3A_531 : i32 to vector<16xi32>
    %mul3A_533 = arith.muli %and3A_530, %mul3A_532 : vector<16xi32>
    %add3A_534 = arith.addi %add3A_527, %mul3A_533 : vector<16xi32>
    %add3A_535 = arith.addi %add3A_534, %iota3A : vector<16xi32>
    %swap3A_536 = arith.constant 2 : i32
    %swap3A_537 = arith.index_cast %swap3A_536 : i32 to index
    %swap3A_538 = arith.constant 32 : index
    %swap3A_539 = tpu.vector_load %arg6[%swap3A_537, %swap3A_538] {strides = array<i32>} : memref<10x64xi32, #tpu.memory_space<vmem>>, vector<16xi32>,
    tpu.vector_store %arg6[%swap3A_537, %swap3A_538], %add3A_535 {strides = array<i32>} : memref<10x64xi32, #tpu.memory_space<vmem>>, vector<16xi32>,
    %add3A_540 = arith.constant 48 : i32
    %add3A_541 = vector.broadcast %add3A_540 : i32 to vector<16xi32>
    %add3A_542 = arith.addi %add3A_541, %iota3A : vector<16xi32>
    %mul3A_543 = arith.constant 20 : i32
    %mul3A_544 = vector.broadcast %mul3A_543 : i32 to vector<16xi32>
    %mul3A_545 = arith.muli %add3A_542, %mul3A_544 : vector<16xi32>
    %add3A_546 = vector.broadcast %add3A_410 : i32 to vector<16xi32>
    %add3A_547 = arith.addi %mul3A_545, %add3A_546 : vector<16xi32>
    %gather3A_548 = tpu.vector_load_idx %arg5[%add3A_547] : memref<1280xi32, #tpu.memory_space<vmem>>[vector<16xi32>], vector<16xi32>,
    %mul3A_549 = arith.constant 1024000 : i32
    %mul3A_550 = arith.muli %add3A_410, %mul3A_549 : i32
    %shift_right_arithmetic3A_551 = arith.constant 1 : i32
    %shift_right_arithmetic3A_552 = arith.shrsi %arg1, %shift_right_arithmetic3A_551 : i32
    %mul3A_553 = arith.constant 1024 : i32
    %mul3A_554 = arith.muli %shift_right_arithmetic3A_552, %mul3A_553 : i32
    %add3A_555 = arith.addi %mul3A_550, %mul3A_554 : i32
    %and3A_556 = arith.constant 1 : i32
    %and3A_557 = arith.andi %arg1, %and3A_556 : i32
    %mul3A_558 = arith.constant 64 : i32
    %mul3A_559 = arith.muli %and3A_557, %mul3A_558 : i32
    %add3A_560 = arith.addi %add3A_555, %mul3A_559 : i32
    %add3A_561 = arith.constant 48 : i32
    %add3A_562 = arith.addi %add3A_560, %add3A_561 : i32
    %shift_right_arithmetic3A_563 = arith.constant 3 : i32
    %shift_right_arithmetic3A_564 = vector.broadcast %shift_right_arithmetic3A_563 : i32 to vector<16xi32>
    %shift_right_arithmetic3A_565 = arith.shrsi %gather3A_548, %shift_right_arithmetic3A_564 : vector<16xi32>
    %mul3A_566 = arith.constant 8192 : i32
    %mul3A_567 = vector.broadcast %mul3A_566 : i32 to vector<16xi32>
    %mul3A_568 = arith.muli %shift_right_arithmetic3A_565, %mul3A_567 : vector<16xi32>
    %add3A_569 = vector.broadcast %add3A_562 : i32 to vector<16xi32>
    %add3A_570 = arith.addi %add3A_569, %mul3A_568 : vector<16xi32>
    %and3A_571 = arith.constant 7 : i32
    %and3A_572 = vector.broadcast %and3A_571 : i32 to vector<16xi32>
    %and3A_573 = arith.andi %gather3A_548, %and3A_572 : vector<16xi32>
    %mul3A_574 = arith.constant 128 : i32
    %mul3A_575 = vector.broadcast %mul3A_574 : i32 to vector<16xi32>
    %mul3A_576 = arith.muli %and3A_573, %mul3A_575 : vector<16xi32>
    %add3A_577 = arith.addi %add3A_570, %mul3A_576 : vector<16xi32>
    %add3A_578 = arith.addi %add3A_577, %iota3A : vector<16xi32>
    %swap3A_579 = arith.constant 2 : i32
    %swap3A_580 = arith.index_cast %swap3A_579 : i32 to index
    %swap3A_581 = arith.constant 48 : index
    %swap3A_582 = tpu.vector_load %arg6[%swap3A_580, %swap3A_581] {strides = array<i32>} : memref<10x64xi32, #tpu.memory_space<vmem>>, vector<16xi32>,
    tpu.vector_store %arg6[%swap3A_580, %swap3A_581], %add3A_578 {strides = array<i32>} : memref<10x64xi32, #tpu.memory_space<vmem>>, vector<16xi32>,
    %mul3A_583 = arith.constant 10 : i32
    %mul3A_584 = arith.muli %arg0, %mul3A_583 : i32
    %add3A_585 = arith.constant 3 : i32
    %add3A_586 = arith.addi %mul3A_584, %add3A_585 : i32
    %add3A_587 = arith.constant 0 : i32
    %add3A_588 = vector.broadcast %add3A_587 : i32 to vector<16xi32>
    %add3A_589 = arith.addi %add3A_588, %iota3A : vector<16xi32>
    %mul3A_590 = arith.constant 20 : i32
    %mul3A_591 = vector.broadcast %mul3A_590 : i32 to vector<16xi32>
    %mul3A_592 = arith.muli %add3A_589, %mul3A_591 : vector<16xi32>
    %add3A_593 = vector.broadcast %add3A_586 : i32 to vector<16xi32>
    %add3A_594 = arith.addi %mul3A_592, %add3A_593 : vector<16xi32>
    %gather3A_595 = tpu.vector_load_idx %arg5[%add3A_594] : memref<1280xi32, #tpu.memory_space<vmem>>[vector<16xi32>], vector<16xi32>,
    %mul3A_596 = arith.constant 1024000 : i32
    %mul3A_597 = arith.muli %add3A_586, %mul3A_596 : i32
    %shift_right_arithmetic3A_598 = arith.constant 1 : i32
    %shift_right_arithmetic3A_599 = arith.shrsi %arg1, %shift_right_arithmetic3A_598 : i32
    %mul3A_600 = arith.constant 1024 : i32
    %mul3A_601 = arith.muli %shift_right_arithmetic3A_599, %mul3A_600 : i32
    %add3A_602 = arith.addi %mul3A_597, %mul3A_601 : i32
    %and3A_603 = arith.constant 1 : i32
    %and3A_604 = arith.andi %arg1, %and3A_603 : i32
    %mul3A_605 = arith.constant 64 : i32
    %mul3A_606 = arith.muli %and3A_604, %mul3A_605 : i32
    %add3A_607 = arith.addi %add3A_602, %mul3A_606 : i32
    %add3A_608 = arith.constant 0 : i32
    %add3A_609 = arith.addi %add3A_607, %add3A_608 : i32
    %shift_right_arithmetic3A_610 = arith.constant 3 : i32
    %shift_right_arithmetic3A_611 = vector.broadcast %shift_right_arithmetic3A_610 : i32 to vector<16xi32>
    %shift_right_arithmetic3A_612 = arith.shrsi %gather3A_595, %shift_right_arithmetic3A_611 : vector<16xi32>
    %mul3A_613 = arith.constant 8192 : i32
    %mul3A_614 = vector.broadcast %mul3A_613 : i32 to vector<16xi32>
    %mul3A_615 = arith.muli %shift_right_arithmetic3A_612, %mul3A_614 : vector<16xi32>
    %add3A_616 = vector.broadcast %add3A_609 : i32 to vector<16xi32>
    %add3A_617 = arith.addi %add3A_616, %mul3A_615 : vector<16xi32>
    %and3A_618 = arith.constant 7 : i32
    %and3A_619 = vector.broadcast %and3A_618 : i32 to vector<16xi32>
    %and3A_620 = arith.andi %gather3A_595, %and3A_619 : vector<16xi32>
    %mul3A_621 = arith.constant 128 : i32
    %mul3A_622 = vector.broadcast %mul3A_621 : i32 to vector<16xi32>
    %mul3A_623 = arith.muli %and3A_620, %mul3A_622 : vector<16xi32>
    %add3A_624 = arith.addi %add3A_617, %mul3A_623 : vector<16xi32>
    %add3A_625 = arith.addi %add3A_624, %iota3A : vector<16xi32>
    %swap3A_626 = arith.constant 3 : i32
    %swap3A_627 = arith.index_cast %swap3A_626 : i32 to index
    %swap3A_628 = arith.constant 0 : index
    %swap3A_629 = tpu.vector_load %arg6[%swap3A_627, %swap3A_628] {strides = array<i32>} : memref<10x64xi32, #tpu.memory_space<vmem>>, vector<16xi32>,
    tpu.vector_store %arg6[%swap3A_627, %swap3A_628], %add3A_625 {strides = array<i32>} : memref<10x64xi32, #tpu.memory_space<vmem>>, vector<16xi32>,
    %add3A_630 = arith.constant 16 : i32
    %add3A_631 = vector.broadcast %add3A_630 : i32 to vector<16xi32>
    %add3A_632 = arith.addi %add3A_631, %iota3A : vector<16xi32>
    %mul3A_633 = arith.constant 20 : i32
    %mul3A_634 = vector.broadcast %mul3A_633 : i32 to vector<16xi32>
    %mul3A_635 = arith.muli %add3A_632, %mul3A_634 : vector<16xi32>
    %add3A_636 = vector.broadcast %add3A_586 : i32 to vector<16xi32>
    %add3A_637 = arith.addi %mul3A_635, %add3A_636 : vector<16xi32>
    %gather3A_638 = tpu.vector_load_idx %arg5[%add3A_637] : memref<1280xi32, #tpu.memory_space<vmem>>[vector<16xi32>], vector<16xi32>,
    %mul3A_639 = arith.constant 1024000 : i32
    %mul3A_640 = arith.muli %add3A_586, %mul3A_639 : i32
    %shift_right_arithmetic3A_641 = arith.constant 1 : i32
    %shift_right_arithmetic3A_642 = arith.shrsi %arg1, %shift_right_arithmetic3A_641 : i32
    %mul3A_643 = arith.constant 1024 : i32
    %mul3A_644 = arith.muli %shift_right_arithmetic3A_642, %mul3A_643 : i32
    %add3A_645 = arith.addi %mul3A_640, %mul3A_644 : i32
    %and3A_646 = arith.constant 1 : i32
    %and3A_647 = arith.andi %arg1, %and3A_646 : i32
    %mul3A_648 = arith.constant 64 : i32
    %mul3A_649 = arith.muli %and3A_647, %mul3A_648 : i32
    %add3A_650 = arith.addi %add3A_645, %mul3A_649 : i32
    %add3A_651 = arith.constant 16 : i32
    %add3A_652 = arith.addi %add3A_650, %add3A_651 : i32
    %shift_right_arithmetic3A_653 = arith.constant 3 : i32
    %shift_right_arithmetic3A_654 = vector.broadcast %shift_right_arithmetic3A_653 : i32 to vector<16xi32>
    %shift_right_arithmetic3A_655 = arith.shrsi %gather3A_638, %shift_right_arithmetic3A_654 : vector<16xi32>
    %mul3A_656 = arith.constant 8192 : i32
    %mul3A_657 = vector.broadcast %mul3A_656 : i32 to vector<16xi32>
    %mul3A_658 = arith.muli %shift_right_arithmetic3A_655, %mul3A_657 : vector<16xi32>
    %add3A_659 = vector.broadcast %add3A_652 : i32 to vector<16xi32>
    %add3A_660 = arith.addi %add3A_659, %mul3A_658 : vector<16xi32>
    %and3A_661 = arith.constant 7 : i32
    %and3A_662 = vector.broadcast %and3A_661 : i32 to vector<16xi32>
    %and3A_663 = arith.andi %gather3A_638, %and3A_662 : vector<16xi32>
    %mul3A_664 = arith.constant 128 : i32
    %mul3A_665 = vector.broadcast %mul3A_664 : i32 to vector<16xi32>
    %mul3A_666 = arith.muli %and3A_663, %mul3A_665 : vector<16xi32>
    %add3A_667 = arith.addi %add3A_660, %mul3A_666 : vector<16xi32>
    %add3A_668 = arith.addi %add3A_667, %iota3A : vector<16xi32>
    %swap3A_669 = arith.constant 3 : i32
    %swap3A_670 = arith.index_cast %swap3A_669 : i32 to index
    %swap3A_671 = arith.constant 16 : index
    %swap3A_672 = tpu.vector_load %arg6[%swap3A_670, %swap3A_671] {strides = array<i32>} : memref<10x64xi32, #tpu.memory_space<vmem>>, vector<16xi32>,
    tpu.vector_store %arg6[%swap3A_670, %swap3A_671], %add3A_668 {strides = array<i32>} : memref<10x64xi32, #tpu.memory_space<vmem>>, vector<16xi32>,
    %add3A_673 = arith.constant 32 : i32
    %add3A_674 = vector.broadcast %add3A_673 : i32 to vector<16xi32>
    %add3A_675 = arith.addi %add3A_674, %iota3A : vector<16xi32>
    %mul3A_676 = arith.constant 20 : i32
    %mul3A_677 = vector.broadcast %mul3A_676 : i32 to vector<16xi32>
    %mul3A_678 = arith.muli %add3A_675, %mul3A_677 : vector<16xi32>
    %add3A_679 = vector.broadcast %add3A_586 : i32 to vector<16xi32>
    %add3A_680 = arith.addi %mul3A_678, %add3A_679 : vector<16xi32>
    %gather3A_681 = tpu.vector_load_idx %arg5[%add3A_680] : memref<1280xi32, #tpu.memory_space<vmem>>[vector<16xi32>], vector<16xi32>,
    %mul3A_682 = arith.constant 1024000 : i32
    %mul3A_683 = arith.muli %add3A_586, %mul3A_682 : i32
    %shift_right_arithmetic3A_684 = arith.constant 1 : i32
    %shift_right_arithmetic3A_685 = arith.shrsi %arg1, %shift_right_arithmetic3A_684 : i32
    %mul3A_686 = arith.constant 1024 : i32
    %mul3A_687 = arith.muli %shift_right_arithmetic3A_685, %mul3A_686 : i32
    %add3A_688 = arith.addi %mul3A_683, %mul3A_687 : i32
    %and3A_689 = arith.constant 1 : i32
    %and3A_690 = arith.andi %arg1, %and3A_689 : i32
    %mul3A_691 = arith.constant 64 : i32
    %mul3A_692 = arith.muli %and3A_690, %mul3A_691 : i32
    %add3A_693 = arith.addi %add3A_688, %mul3A_692 : i32
    %add3A_694 = arith.constant 32 : i32
    %add3A_695 = arith.addi %add3A_693, %add3A_694 : i32
    %shift_right_arithmetic3A_696 = arith.constant 3 : i32
    %shift_right_arithmetic3A_697 = vector.broadcast %shift_right_arithmetic3A_696 : i32 to vector<16xi32>
    %shift_right_arithmetic3A_698 = arith.shrsi %gather3A_681, %shift_right_arithmetic3A_697 : vector<16xi32>
    %mul3A_699 = arith.constant 8192 : i32
    %mul3A_700 = vector.broadcast %mul3A_699 : i32 to vector<16xi32>
    %mul3A_701 = arith.muli %shift_right_arithmetic3A_698, %mul3A_700 : vector<16xi32>
    %add3A_702 = vector.broadcast %add3A_695 : i32 to vector<16xi32>
    %add3A_703 = arith.addi %add3A_702, %mul3A_701 : vector<16xi32>
    %and3A_704 = arith.constant 7 : i32
    %and3A_705 = vector.broadcast %and3A_704 : i32 to vector<16xi32>
    %and3A_706 = arith.andi %gather3A_681, %and3A_705 : vector<16xi32>
    %mul3A_707 = arith.constant 128 : i32
    %mul3A_708 = vector.broadcast %mul3A_707 : i32 to vector<16xi32>
    %mul3A_709 = arith.muli %and3A_706, %mul3A_708 : vector<16xi32>
    %add3A_710 = arith.addi %add3A_703, %mul3A_709 : vector<16xi32>
    %add3A_711 = arith.addi %add3A_710, %iota3A : vector<16xi32>
    %swap3A_712 = arith.constant 3 : i32
    %swap3A_713 = arith.index_cast %swap3A_712 : i32 to index
    %swap3A_714 = arith.constant 32 : index
    %swap3A_715 = tpu.vector_load %arg6[%swap3A_713, %swap3A_714] {strides = array<i32>} : memref<10x64xi32, #tpu.memory_space<vmem>>, vector<16xi32>,
    tpu.vector_store %arg6[%swap3A_713, %swap3A_714], %add3A_711 {strides = array<i32>} : memref<10x64xi32, #tpu.memory_space<vmem>>, vector<16xi32>,
    %add3A_716 = arith.constant 48 : i32
    %add3A_717 = vector.broadcast %add3A_716 : i32 to vector<16xi32>
    %add3A_718 = arith.addi %add3A_717, %iota3A : vector<16xi32>
    %mul3A_719 = arith.constant 20 : i32
    %mul3A_720 = vector.broadcast %mul3A_719 : i32 to vector<16xi32>
    %mul3A_721 = arith.muli %add3A_718, %mul3A_720 : vector<16xi32>
    %add3A_722 = vector.broadcast %add3A_586 : i32 to vector<16xi32>
    %add3A_723 = arith.addi %mul3A_721, %add3A_722 : vector<16xi32>
    %gather3A_724 = tpu.vector_load_idx %arg5[%add3A_723] : memref<1280xi32, #tpu.memory_space<vmem>>[vector<16xi32>], vector<16xi32>,
    %mul3A_725 = arith.constant 1024000 : i32
    %mul3A_726 = arith.muli %add3A_586, %mul3A_725 : i32
    %shift_right_arithmetic3A_727 = arith.constant 1 : i32
    %shift_right_arithmetic3A_728 = arith.shrsi %arg1, %shift_right_arithmetic3A_727 : i32
    %mul3A_729 = arith.constant 1024 : i32
    %mul3A_730 = arith.muli %shift_right_arithmetic3A_728, %mul3A_729 : i32
    %add3A_731 = arith.addi %mul3A_726, %mul3A_730 : i32
    %and3A_732 = arith.constant 1 : i32
    %and3A_733 = arith.andi %arg1, %and3A_732 : i32
    %mul3A_734 = arith.constant 64 : i32
    %mul3A_735 = arith.muli %and3A_733, %mul3A_734 : i32
    %add3A_736 = arith.addi %add3A_731, %mul3A_735 : i32
    %add3A_737 = arith.constant 48 : i32
    %add3A_738 = arith.addi %add3A_736, %add3A_737 : i32
    %shift_right_arithmetic3A_739 = arith.constant 3 : i32
    %shift_right_arithmetic3A_740 = vector.broadcast %shift_right_arithmetic3A_739 : i32 to vector<16xi32>
    %shift_right_arithmetic3A_741 = arith.shrsi %gather3A_724, %shift_right_arithmetic3A_740 : vector<16xi32>
    %mul3A_742 = arith.constant 8192 : i32
    %mul3A_743 = vector.broadcast %mul3A_742 : i32 to vector<16xi32>
    %mul3A_744 = arith.muli %shift_right_arithmetic3A_741, %mul3A_743 : vector<16xi32>
    %add3A_745 = vector.broadcast %add3A_738 : i32 to vector<16xi32>
    %add3A_746 = arith.addi %add3A_745, %mul3A_744 : vector<16xi32>
    %and3A_747 = arith.constant 7 : i32
    %and3A_748 = vector.broadcast %and3A_747 : i32 to vector<16xi32>
    %and3A_749 = arith.andi %gather3A_724, %and3A_748 : vector<16xi32>
    %mul3A_750 = arith.constant 128 : i32
    %mul3A_751 = vector.broadcast %mul3A_750 : i32 to vector<16xi32>
    %mul3A_752 = arith.muli %and3A_749, %mul3A_751 : vector<16xi32>
    %add3A_753 = arith.addi %add3A_746, %mul3A_752 : vector<16xi32>
    %add3A_754 = arith.addi %add3A_753, %iota3A : vector<16xi32>
    %swap3A_755 = arith.constant 3 : i32
    %swap3A_756 = arith.index_cast %swap3A_755 : i32 to index
    %swap3A_757 = arith.constant 48 : index
    %swap3A_758 = tpu.vector_load %arg6[%swap3A_756, %swap3A_757] {strides = array<i32>} : memref<10x64xi32, #tpu.memory_space<vmem>>, vector<16xi32>,
    tpu.vector_store %arg6[%swap3A_756, %swap3A_757], %add3A_754 {strides = array<i32>} : memref<10x64xi32, #tpu.memory_space<vmem>>, vector<16xi32>,
    %mul3A_759 = arith.constant 10 : i32
    %mul3A_760 = arith.muli %arg0, %mul3A_759 : i32
    %add3A_761 = arith.constant 4 : i32
    %add3A_762 = arith.addi %mul3A_760, %add3A_761 : i32
    %add3A_763 = arith.constant 0 : i32
    %add3A_764 = vector.broadcast %add3A_763 : i32 to vector<16xi32>
    %add3A_765 = arith.addi %add3A_764, %iota3A : vector<16xi32>
    %mul3A_766 = arith.constant 20 : i32
    %mul3A_767 = vector.broadcast %mul3A_766 : i32 to vector<16xi32>
    %mul3A_768 = arith.muli %add3A_765, %mul3A_767 : vector<16xi32>
    %add3A_769 = vector.broadcast %add3A_762 : i32 to vector<16xi32>
    %add3A_770 = arith.addi %mul3A_768, %add3A_769 : vector<16xi32>
    %gather3A_771 = tpu.vector_load_idx %arg5[%add3A_770] : memref<1280xi32, #tpu.memory_space<vmem>>[vector<16xi32>], vector<16xi32>,
    %mul3A_772 = arith.constant 1024000 : i32
    %mul3A_773 = arith.muli %add3A_762, %mul3A_772 : i32
    %shift_right_arithmetic3A_774 = arith.constant 1 : i32
    %shift_right_arithmetic3A_775 = arith.shrsi %arg1, %shift_right_arithmetic3A_774 : i32
    %mul3A_776 = arith.constant 1024 : i32
    %mul3A_777 = arith.muli %shift_right_arithmetic3A_775, %mul3A_776 : i32
    %add3A_778 = arith.addi %mul3A_773, %mul3A_777 : i32
    %and3A_779 = arith.constant 1 : i32
    %and3A_780 = arith.andi %arg1, %and3A_779 : i32
    %mul3A_781 = arith.constant 64 : i32
    %mul3A_782 = arith.muli %and3A_780, %mul3A_781 : i32
    %add3A_783 = arith.addi %add3A_778, %mul3A_782 : i32
    %add3A_784 = arith.constant 0 : i32
    %add3A_785 = arith.addi %add3A_783, %add3A_784 : i32
    %shift_right_arithmetic3A_786 = arith.constant 3 : i32
    %shift_right_arithmetic3A_787 = vector.broadcast %shift_right_arithmetic3A_786 : i32 to vector<16xi32>
    %shift_right_arithmetic3A_788 = arith.shrsi %gather3A_771, %shift_right_arithmetic3A_787 : vector<16xi32>
    %mul3A_789 = arith.constant 8192 : i32
    %mul3A_790 = vector.broadcast %mul3A_789 : i32 to vector<16xi32>
    %mul3A_791 = arith.muli %shift_right_arithmetic3A_788, %mul3A_790 : vector<16xi32>
    %add3A_792 = vector.broadcast %add3A_785 : i32 to vector<16xi32>
    %add3A_793 = arith.addi %add3A_792, %mul3A_791 : vector<16xi32>
    %and3A_794 = arith.constant 7 : i32
    %and3A_795 = vector.broadcast %and3A_794 : i32 to vector<16xi32>
    %and3A_796 = arith.andi %gather3A_771, %and3A_795 : vector<16xi32>
    %mul3A_797 = arith.constant 128 : i32
    %mul3A_798 = vector.broadcast %mul3A_797 : i32 to vector<16xi32>
    %mul3A_799 = arith.muli %and3A_796, %mul3A_798 : vector<16xi32>
    %add3A_800 = arith.addi %add3A_793, %mul3A_799 : vector<16xi32>
    %add3A_801 = arith.addi %add3A_800, %iota3A : vector<16xi32>
    %swap3A_802 = arith.constant 4 : i32
    %swap3A_803 = arith.index_cast %swap3A_802 : i32 to index
    %swap3A_804 = arith.constant 0 : index
    %swap3A_805 = tpu.vector_load %arg6[%swap3A_803, %swap3A_804] {strides = array<i32>} : memref<10x64xi32, #tpu.memory_space<vmem>>, vector<16xi32>,
    tpu.vector_store %arg6[%swap3A_803, %swap3A_804], %add3A_801 {strides = array<i32>} : memref<10x64xi32, #tpu.memory_space<vmem>>, vector<16xi32>,
    %add3A_806 = arith.constant 16 : i32
    %add3A_807 = vector.broadcast %add3A_806 : i32 to vector<16xi32>
    %add3A_808 = arith.addi %add3A_807, %iota3A : vector<16xi32>
    %mul3A_809 = arith.constant 20 : i32
    %mul3A_810 = vector.broadcast %mul3A_809 : i32 to vector<16xi32>
    %mul3A_811 = arith.muli %add3A_808, %mul3A_810 : vector<16xi32>
    %add3A_812 = vector.broadcast %add3A_762 : i32 to vector<16xi32>
    %add3A_813 = arith.addi %mul3A_811, %add3A_812 : vector<16xi32>
    %gather3A_814 = tpu.vector_load_idx %arg5[%add3A_813] : memref<1280xi32, #tpu.memory_space<vmem>>[vector<16xi32>], vector<16xi32>,
    %mul3A_815 = arith.constant 1024000 : i32
    %mul3A_816 = arith.muli %add3A_762, %mul3A_815 : i32
    %shift_right_arithmetic3A_817 = arith.constant 1 : i32
    %shift_right_arithmetic3A_818 = arith.shrsi %arg1, %shift_right_arithmetic3A_817 : i32
    %mul3A_819 = arith.constant 1024 : i32
    %mul3A_820 = arith.muli %shift_right_arithmetic3A_818, %mul3A_819 : i32
    %add3A_821 = arith.addi %mul3A_816, %mul3A_820 : i32
    %and3A_822 = arith.constant 1 : i32
    %and3A_823 = arith.andi %arg1, %and3A_822 : i32
    %mul3A_824 = arith.constant 64 : i32
    %mul3A_825 = arith.muli %and3A_823, %mul3A_824 : i32
    %add3A_826 = arith.addi %add3A_821, %mul3A_825 : i32
    %add3A_827 = arith.constant 16 : i32
    %add3A_828 = arith.addi %add3A_826, %add3A_827 : i32
    %shift_right_arithmetic3A_829 = arith.constant 3 : i32
    %shift_right_arithmetic3A_830 = vector.broadcast %shift_right_arithmetic3A_829 : i32 to vector<16xi32>
    %shift_right_arithmetic3A_831 = arith.shrsi %gather3A_814, %shift_right_arithmetic3A_830 : vector<16xi32>
    %mul3A_832 = arith.constant 8192 : i32
    %mul3A_833 = vector.broadcast %mul3A_832 : i32 to vector<16xi32>
    %mul3A_834 = arith.muli %shift_right_arithmetic3A_831, %mul3A_833 : vector<16xi32>
    %add3A_835 = vector.broadcast %add3A_828 : i32 to vector<16xi32>
    %add3A_836 = arith.addi %add3A_835, %mul3A_834 : vector<16xi32>
    %and3A_837 = arith.constant 7 : i32
    %and3A_838 = vector.broadcast %and3A_837 : i32 to vector<16xi32>
    %and3A_839 = arith.andi %gather3A_814, %and3A_838 : vector<16xi32>
    %mul3A_840 = arith.constant 128 : i32
    %mul3A_841 = vector.broadcast %mul3A_840 : i32 to vector<16xi32>
    %mul3A_842 = arith.muli %and3A_839, %mul3A_841 : vector<16xi32>
    %add3A_843 = arith.addi %add3A_836, %mul3A_842 : vector<16xi32>
    %add3A_844 = arith.addi %add3A_843, %iota3A : vector<16xi32>
    %swap3A_845 = arith.constant 4 : i32
    %swap3A_846 = arith.index_cast %swap3A_845 : i32 to index
    %swap3A_847 = arith.constant 16 : index
    %swap3A_848 = tpu.vector_load %arg6[%swap3A_846, %swap3A_847] {strides = array<i32>} : memref<10x64xi32, #tpu.memory_space<vmem>>, vector<16xi32>,
    tpu.vector_store %arg6[%swap3A_846, %swap3A_847], %add3A_844 {strides = array<i32>} : memref<10x64xi32, #tpu.memory_space<vmem>>, vector<16xi32>,
    %add3A_849 = arith.constant 32 : i32
    %add3A_850 = vector.broadcast %add3A_849 : i32 to vector<16xi32>
    %add3A_851 = arith.addi %add3A_850, %iota3A : vector<16xi32>
    %mul3A_852 = arith.constant 20 : i32
    %mul3A_853 = vector.broadcast %mul3A_852 : i32 to vector<16xi32>
    %mul3A_854 = arith.muli %add3A_851, %mul3A_853 : vector<16xi32>
    %add3A_855 = vector.broadcast %add3A_762 : i32 to vector<16xi32>
    %add3A_856 = arith.addi %mul3A_854, %add3A_855 : vector<16xi32>
    %gather3A_857 = tpu.vector_load_idx %arg5[%add3A_856] : memref<1280xi32, #tpu.memory_space<vmem>>[vector<16xi32>], vector<16xi32>,
    %mul3A_858 = arith.constant 1024000 : i32
    %mul3A_859 = arith.muli %add3A_762, %mul3A_858 : i32
    %shift_right_arithmetic3A_860 = arith.constant 1 : i32
    %shift_right_arithmetic3A_861 = arith.shrsi %arg1, %shift_right_arithmetic3A_860 : i32
    %mul3A_862 = arith.constant 1024 : i32
    %mul3A_863 = arith.muli %shift_right_arithmetic3A_861, %mul3A_862 : i32
    %add3A_864 = arith.addi %mul3A_859, %mul3A_863 : i32
    %and3A_865 = arith.constant 1 : i32
    %and3A_866 = arith.andi %arg1, %and3A_865 : i32
    %mul3A_867 = arith.constant 64 : i32
    %mul3A_868 = arith.muli %and3A_866, %mul3A_867 : i32
    %add3A_869 = arith.addi %add3A_864, %mul3A_868 : i32
    %add3A_870 = arith.constant 32 : i32
    %add3A_871 = arith.addi %add3A_869, %add3A_870 : i32
    %shift_right_arithmetic3A_872 = arith.constant 3 : i32
    %shift_right_arithmetic3A_873 = vector.broadcast %shift_right_arithmetic3A_872 : i32 to vector<16xi32>
    %shift_right_arithmetic3A_874 = arith.shrsi %gather3A_857, %shift_right_arithmetic3A_873 : vector<16xi32>
    %mul3A_875 = arith.constant 8192 : i32
    %mul3A_876 = vector.broadcast %mul3A_875 : i32 to vector<16xi32>
    %mul3A_877 = arith.muli %shift_right_arithmetic3A_874, %mul3A_876 : vector<16xi32>
    %add3A_878 = vector.broadcast %add3A_871 : i32 to vector<16xi32>
    %add3A_879 = arith.addi %add3A_878, %mul3A_877 : vector<16xi32>
    %and3A_880 = arith.constant 7 : i32
    %and3A_881 = vector.broadcast %and3A_880 : i32 to vector<16xi32>
    %and3A_882 = arith.andi %gather3A_857, %and3A_881 : vector<16xi32>
    %mul3A_883 = arith.constant 128 : i32
    %mul3A_884 = vector.broadcast %mul3A_883 : i32 to vector<16xi32>
    %mul3A_885 = arith.muli %and3A_882, %mul3A_884 : vector<16xi32>
    %add3A_886 = arith.addi %add3A_879, %mul3A_885 : vector<16xi32>
    %add3A_887 = arith.addi %add3A_886, %iota3A : vector<16xi32>
    %swap3A_888 = arith.constant 4 : i32
    %swap3A_889 = arith.index_cast %swap3A_888 : i32 to index
    %swap3A_890 = arith.constant 32 : index
    %swap3A_891 = tpu.vector_load %arg6[%swap3A_889, %swap3A_890] {strides = array<i32>} : memref<10x64xi32, #tpu.memory_space<vmem>>, vector<16xi32>,
    tpu.vector_store %arg6[%swap3A_889, %swap3A_890], %add3A_887 {strides = array<i32>} : memref<10x64xi32, #tpu.memory_space<vmem>>, vector<16xi32>,
    %add3A_892 = arith.constant 48 : i32
    %add3A_893 = vector.broadcast %add3A_892 : i32 to vector<16xi32>
    %add3A_894 = arith.addi %add3A_893, %iota3A : vector<16xi32>
    %mul3A_895 = arith.constant 20 : i32
    %mul3A_896 = vector.broadcast %mul3A_895 : i32 to vector<16xi32>
    %mul3A_897 = arith.muli %add3A_894, %mul3A_896 : vector<16xi32>
    %add3A_898 = vector.broadcast %add3A_762 : i32 to vector<16xi32>
    %add3A_899 = arith.addi %mul3A_897, %add3A_898 : vector<16xi32>
    %gather3A_900 = tpu.vector_load_idx %arg5[%add3A_899] : memref<1280xi32, #tpu.memory_space<vmem>>[vector<16xi32>], vector<16xi32>,
    %mul3A_901 = arith.constant 1024000 : i32
    %mul3A_902 = arith.muli %add3A_762, %mul3A_901 : i32
    %shift_right_arithmetic3A_903 = arith.constant 1 : i32
    %shift_right_arithmetic3A_904 = arith.shrsi %arg1, %shift_right_arithmetic3A_903 : i32
    %mul3A_905 = arith.constant 1024 : i32
    %mul3A_906 = arith.muli %shift_right_arithmetic3A_904, %mul3A_905 : i32
    %add3A_907 = arith.addi %mul3A_902, %mul3A_906 : i32
    %and3A_908 = arith.constant 1 : i32
    %and3A_909 = arith.andi %arg1, %and3A_908 : i32
    %mul3A_910 = arith.constant 64 : i32
    %mul3A_911 = arith.muli %and3A_909, %mul3A_910 : i32
    %add3A_912 = arith.addi %add3A_907, %mul3A_911 : i32
    %add3A_913 = arith.constant 48 : i32
    %add3A_914 = arith.addi %add3A_912, %add3A_913 : i32
    %shift_right_arithmetic3A_915 = arith.constant 3 : i32
    %shift_right_arithmetic3A_916 = vector.broadcast %shift_right_arithmetic3A_915 : i32 to vector<16xi32>
    %shift_right_arithmetic3A_917 = arith.shrsi %gather3A_900, %shift_right_arithmetic3A_916 : vector<16xi32>
    %mul3A_918 = arith.constant 8192 : i32
    %mul3A_919 = vector.broadcast %mul3A_918 : i32 to vector<16xi32>
    %mul3A_920 = arith.muli %shift_right_arithmetic3A_917, %mul3A_919 : vector<16xi32>
    %add3A_921 = vector.broadcast %add3A_914 : i32 to vector<16xi32>
    %add3A_922 = arith.addi %add3A_921, %mul3A_920 : vector<16xi32>
    %and3A_923 = arith.constant 7 : i32
    %and3A_924 = vector.broadcast %and3A_923 : i32 to vector<16xi32>
    %and3A_925 = arith.andi %gather3A_900, %and3A_924 : vector<16xi32>
    %mul3A_926 = arith.constant 128 : i32
    %mul3A_927 = vector.broadcast %mul3A_926 : i32 to vector<16xi32>
    %mul3A_928 = arith.muli %and3A_925, %mul3A_927 : vector<16xi32>
    %add3A_929 = arith.addi %add3A_922, %mul3A_928 : vector<16xi32>
    %add3A_930 = arith.addi %add3A_929, %iota3A : vector<16xi32>
    %swap3A_931 = arith.constant 4 : i32
    %swap3A_932 = arith.index_cast %swap3A_931 : i32 to index
    %swap3A_933 = arith.constant 48 : index
    %swap3A_934 = tpu.vector_load %arg6[%swap3A_932, %swap3A_933] {strides = array<i32>} : memref<10x64xi32, #tpu.memory_space<vmem>>, vector<16xi32>,
    tpu.vector_store %arg6[%swap3A_932, %swap3A_933], %add3A_930 {strides = array<i32>} : memref<10x64xi32, #tpu.memory_space<vmem>>, vector<16xi32>,
    %mul3A_935 = arith.constant 10 : i32
    %mul3A_936 = arith.muli %arg0, %mul3A_935 : i32
    %add3A_937 = arith.constant 5 : i32
    %add3A_938 = arith.addi %mul3A_936, %add3A_937 : i32
    %add3A_939 = arith.constant 0 : i32
    %add3A_940 = vector.broadcast %add3A_939 : i32 to vector<16xi32>
    %add3A_941 = arith.addi %add3A_940, %iota3A : vector<16xi32>
    %mul3A_942 = arith.constant 20 : i32
    %mul3A_943 = vector.broadcast %mul3A_942 : i32 to vector<16xi32>
    %mul3A_944 = arith.muli %add3A_941, %mul3A_943 : vector<16xi32>
    %add3A_945 = vector.broadcast %add3A_938 : i32 to vector<16xi32>
    %add3A_946 = arith.addi %mul3A_944, %add3A_945 : vector<16xi32>
    %gather3A_947 = tpu.vector_load_idx %arg5[%add3A_946] : memref<1280xi32, #tpu.memory_space<vmem>>[vector<16xi32>], vector<16xi32>,
    %mul3A_948 = arith.constant 1024000 : i32
    %mul3A_949 = arith.muli %add3A_938, %mul3A_948 : i32
    %shift_right_arithmetic3A_950 = arith.constant 1 : i32
    %shift_right_arithmetic3A_951 = arith.shrsi %arg1, %shift_right_arithmetic3A_950 : i32
    %mul3A_952 = arith.constant 1024 : i32
    %mul3A_953 = arith.muli %shift_right_arithmetic3A_951, %mul3A_952 : i32
    %add3A_954 = arith.addi %mul3A_949, %mul3A_953 : i32
    %and3A_955 = arith.constant 1 : i32
    %and3A_956 = arith.andi %arg1, %and3A_955 : i32
    %mul3A_957 = arith.constant 64 : i32
    %mul3A_958 = arith.muli %and3A_956, %mul3A_957 : i32
    %add3A_959 = arith.addi %add3A_954, %mul3A_958 : i32
    %add3A_960 = arith.constant 0 : i32
    %add3A_961 = arith.addi %add3A_959, %add3A_960 : i32
    %shift_right_arithmetic3A_962 = arith.constant 3 : i32
    %shift_right_arithmetic3A_963 = vector.broadcast %shift_right_arithmetic3A_962 : i32 to vector<16xi32>
    %shift_right_arithmetic3A_964 = arith.shrsi %gather3A_947, %shift_right_arithmetic3A_963 : vector<16xi32>
    %mul3A_965 = arith.constant 8192 : i32
    %mul3A_966 = vector.broadcast %mul3A_965 : i32 to vector<16xi32>
    %mul3A_967 = arith.muli %shift_right_arithmetic3A_964, %mul3A_966 : vector<16xi32>
    %add3A_968 = vector.broadcast %add3A_961 : i32 to vector<16xi32>
    %add3A_969 = arith.addi %add3A_968, %mul3A_967 : vector<16xi32>
    %and3A_970 = arith.constant 7 : i32
    %and3A_971 = vector.broadcast %and3A_970 : i32 to vector<16xi32>
    %and3A_972 = arith.andi %gather3A_947, %and3A_971 : vector<16xi32>
    %mul3A_973 = arith.constant 128 : i32
    %mul3A_974 = vector.broadcast %mul3A_973 : i32 to vector<16xi32>
    %mul3A_975 = arith.muli %and3A_972, %mul3A_974 : vector<16xi32>
    %add3A_976 = arith.addi %add3A_969, %mul3A_975 : vector<16xi32>
    %add3A_977 = arith.addi %add3A_976, %iota3A : vector<16xi32>
    %swap3A_978 = arith.constant 5 : i32
    %swap3A_979 = arith.index_cast %swap3A_978 : i32 to index
    %swap3A_980 = arith.constant 0 : index
    %swap3A_981 = tpu.vector_load %arg6[%swap3A_979, %swap3A_980] {strides = array<i32>} : memref<10x64xi32, #tpu.memory_space<vmem>>, vector<16xi32>,
    tpu.vector_store %arg6[%swap3A_979, %swap3A_980], %add3A_977 {strides = array<i32>} : memref<10x64xi32, #tpu.memory_space<vmem>>, vector<16xi32>,
    %add3A_982 = arith.constant 16 : i32
    %add3A_983 = vector.broadcast %add3A_982 : i32 to vector<16xi32>
    %add3A_984 = arith.addi %add3A_983, %iota3A : vector<16xi32>
    %mul3A_985 = arith.constant 20 : i32
    %mul3A_986 = vector.broadcast %mul3A_985 : i32 to vector<16xi32>
    %mul3A_987 = arith.muli %add3A_984, %mul3A_986 : vector<16xi32>
    %add3A_988 = vector.broadcast %add3A_938 : i32 to vector<16xi32>
    %add3A_989 = arith.addi %mul3A_987, %add3A_988 : vector<16xi32>
    %gather3A_990 = tpu.vector_load_idx %arg5[%add3A_989] : memref<1280xi32, #tpu.memory_space<vmem>>[vector<16xi32>], vector<16xi32>,
    %mul3A_991 = arith.constant 1024000 : i32
    %mul3A_992 = arith.muli %add3A_938, %mul3A_991 : i32
    %shift_right_arithmetic3A_993 = arith.constant 1 : i32
    %shift_right_arithmetic3A_994 = arith.shrsi %arg1, %shift_right_arithmetic3A_993 : i32
    %mul3A_995 = arith.constant 1024 : i32
    %mul3A_996 = arith.muli %shift_right_arithmetic3A_994, %mul3A_995 : i32
    %add3A_997 = arith.addi %mul3A_992, %mul3A_996 : i32
    %and3A_998 = arith.constant 1 : i32
    %and3A_999 = arith.andi %arg1, %and3A_998 : i32
    %mul3A_1000 = arith.constant 64 : i32
    %mul3A_1001 = arith.muli %and3A_999, %mul3A_1000 : i32
    %add3A_1002 = arith.addi %add3A_997, %mul3A_1001 : i32
    %add3A_1003 = arith.constant 16 : i32
    %add3A_1004 = arith.addi %add3A_1002, %add3A_1003 : i32
    %shift_right_arithmetic3A_1005 = arith.constant 3 : i32
    %shift_right_arithmetic3A_1006 = vector.broadcast %shift_right_arithmetic3A_1005 : i32 to vector<16xi32>
    %shift_right_arithmetic3A_1007 = arith.shrsi %gather3A_990, %shift_right_arithmetic3A_1006 : vector<16xi32>
    %mul3A_1008 = arith.constant 8192 : i32
    %mul3A_1009 = vector.broadcast %mul3A_1008 : i32 to vector<16xi32>
    %mul3A_1010 = arith.muli %shift_right_arithmetic3A_1007, %mul3A_1009 : vector<16xi32>
    %add3A_1011 = vector.broadcast %add3A_1004 : i32 to vector<16xi32>
    %add3A_1012 = arith.addi %add3A_1011, %mul3A_1010 : vector<16xi32>
    %and3A_1013 = arith.constant 7 : i32
    %and3A_1014 = vector.broadcast %and3A_1013 : i32 to vector<16xi32>
    %and3A_1015 = arith.andi %gather3A_990, %and3A_1014 : vector<16xi32>
    %mul3A_1016 = arith.constant 128 : i32
    %mul3A_1017 = vector.broadcast %mul3A_1016 : i32 to vector<16xi32>
    %mul3A_1018 = arith.muli %and3A_1015, %mul3A_1017 : vector<16xi32>
    %add3A_1019 = arith.addi %add3A_1012, %mul3A_1018 : vector<16xi32>
    %add3A_1020 = arith.addi %add3A_1019, %iota3A : vector<16xi32>
    %swap3A_1021 = arith.constant 5 : i32
    %swap3A_1022 = arith.index_cast %swap3A_1021 : i32 to index
    %swap3A_1023 = arith.constant 16 : index
    %swap3A_1024 = tpu.vector_load %arg6[%swap3A_1022, %swap3A_1023] {strides = array<i32>} : memref<10x64xi32, #tpu.memory_space<vmem>>, vector<16xi32>,
    tpu.vector_store %arg6[%swap3A_1022, %swap3A_1023], %add3A_1020 {strides = array<i32>} : memref<10x64xi32, #tpu.memory_space<vmem>>, vector<16xi32>,
    %add3A_1025 = arith.constant 32 : i32
    %add3A_1026 = vector.broadcast %add3A_1025 : i32 to vector<16xi32>
    %add3A_1027 = arith.addi %add3A_1026, %iota3A : vector<16xi32>
    %mul3A_1028 = arith.constant 20 : i32
    %mul3A_1029 = vector.broadcast %mul3A_1028 : i32 to vector<16xi32>
    %mul3A_1030 = arith.muli %add3A_1027, %mul3A_1029 : vector<16xi32>
    %add3A_1031 = vector.broadcast %add3A_938 : i32 to vector<16xi32>
    %add3A_1032 = arith.addi %mul3A_1030, %add3A_1031 : vector<16xi32>
    %gather3A_1033 = tpu.vector_load_idx %arg5[%add3A_1032] : memref<1280xi32, #tpu.memory_space<vmem>>[vector<16xi32>], vector<16xi32>,
    %mul3A_1034 = arith.constant 1024000 : i32
    %mul3A_1035 = arith.muli %add3A_938, %mul3A_1034 : i32
    %shift_right_arithmetic3A_1036 = arith.constant 1 : i32
    %shift_right_arithmetic3A_1037 = arith.shrsi %arg1, %shift_right_arithmetic3A_1036 : i32
    %mul3A_1038 = arith.constant 1024 : i32
    %mul3A_1039 = arith.muli %shift_right_arithmetic3A_1037, %mul3A_1038 : i32
    %add3A_1040 = arith.addi %mul3A_1035, %mul3A_1039 : i32
    %and3A_1041 = arith.constant 1 : i32
    %and3A_1042 = arith.andi %arg1, %and3A_1041 : i32
    %mul3A_1043 = arith.constant 64 : i32
    %mul3A_1044 = arith.muli %and3A_1042, %mul3A_1043 : i32
    %add3A_1045 = arith.addi %add3A_1040, %mul3A_1044 : i32
    %add3A_1046 = arith.constant 32 : i32
    %add3A_1047 = arith.addi %add3A_1045, %add3A_1046 : i32
    %shift_right_arithmetic3A_1048 = arith.constant 3 : i32
    %shift_right_arithmetic3A_1049 = vector.broadcast %shift_right_arithmetic3A_1048 : i32 to vector<16xi32>
    %shift_right_arithmetic3A_1050 = arith.shrsi %gather3A_1033, %shift_right_arithmetic3A_1049 : vector<16xi32>
    %mul3A_1051 = arith.constant 8192 : i32
    %mul3A_1052 = vector.broadcast %mul3A_1051 : i32 to vector<16xi32>
    %mul3A_1053 = arith.muli %shift_right_arithmetic3A_1050, %mul3A_1052 : vector<16xi32>
    %add3A_1054 = vector.broadcast %add3A_1047 : i32 to vector<16xi32>
    %add3A_1055 = arith.addi %add3A_1054, %mul3A_1053 : vector<16xi32>
    %and3A_1056 = arith.constant 7 : i32
    %and3A_1057 = vector.broadcast %and3A_1056 : i32 to vector<16xi32>
    %and3A_1058 = arith.andi %gather3A_1033, %and3A_1057 : vector<16xi32>
    %mul3A_1059 = arith.constant 128 : i32
    %mul3A_1060 = vector.broadcast %mul3A_1059 : i32 to vector<16xi32>
    %mul3A_1061 = arith.muli %and3A_1058, %mul3A_1060 : vector<16xi32>
    %add3A_1062 = arith.addi %add3A_1055, %mul3A_1061 : vector<16xi32>
    %add3A_1063 = arith.addi %add3A_1062, %iota3A : vector<16xi32>
    %swap3A_1064 = arith.constant 5 : i32
    %swap3A_1065 = arith.index_cast %swap3A_1064 : i32 to index
    %swap3A_1066 = arith.constant 32 : index
    %swap3A_1067 = tpu.vector_load %arg6[%swap3A_1065, %swap3A_1066] {strides = array<i32>} : memref<10x64xi32, #tpu.memory_space<vmem>>, vector<16xi32>,
    tpu.vector_store %arg6[%swap3A_1065, %swap3A_1066], %add3A_1063 {strides = array<i32>} : memref<10x64xi32, #tpu.memory_space<vmem>>, vector<16xi32>,
    %add3A_1068 = arith.constant 48 : i32
    %add3A_1069 = vector.broadcast %add3A_1068 : i32 to vector<16xi32>
    %add3A_1070 = arith.addi %add3A_1069, %iota3A : vector<16xi32>
    %mul3A_1071 = arith.constant 20 : i32
    %mul3A_1072 = vector.broadcast %mul3A_1071 : i32 to vector<16xi32>
    %mul3A_1073 = arith.muli %add3A_1070, %mul3A_1072 : vector<16xi32>
    %add3A_1074 = vector.broadcast %add3A_938 : i32 to vector<16xi32>
    %add3A_1075 = arith.addi %mul3A_1073, %add3A_1074 : vector<16xi32>
    %gather3A_1076 = tpu.vector_load_idx %arg5[%add3A_1075] : memref<1280xi32, #tpu.memory_space<vmem>>[vector<16xi32>], vector<16xi32>,
    %mul3A_1077 = arith.constant 1024000 : i32
    %mul3A_1078 = arith.muli %add3A_938, %mul3A_1077 : i32
    %shift_right_arithmetic3A_1079 = arith.constant 1 : i32
    %shift_right_arithmetic3A_1080 = arith.shrsi %arg1, %shift_right_arithmetic3A_1079 : i32
    %mul3A_1081 = arith.constant 1024 : i32
    %mul3A_1082 = arith.muli %shift_right_arithmetic3A_1080, %mul3A_1081 : i32
    %add3A_1083 = arith.addi %mul3A_1078, %mul3A_1082 : i32
    %and3A_1084 = arith.constant 1 : i32
    %and3A_1085 = arith.andi %arg1, %and3A_1084 : i32
    %mul3A_1086 = arith.constant 64 : i32
    %mul3A_1087 = arith.muli %and3A_1085, %mul3A_1086 : i32
    %add3A_1088 = arith.addi %add3A_1083, %mul3A_1087 : i32
    %add3A_1089 = arith.constant 48 : i32
    %add3A_1090 = arith.addi %add3A_1088, %add3A_1089 : i32
    %shift_right_arithmetic3A_1091 = arith.constant 3 : i32
    %shift_right_arithmetic3A_1092 = vector.broadcast %shift_right_arithmetic3A_1091 : i32 to vector<16xi32>
    %shift_right_arithmetic3A_1093 = arith.shrsi %gather3A_1076, %shift_right_arithmetic3A_1092 : vector<16xi32>
    %mul3A_1094 = arith.constant 8192 : i32
    %mul3A_1095 = vector.broadcast %mul3A_1094 : i32 to vector<16xi32>
    %mul3A_1096 = arith.muli %shift_right_arithmetic3A_1093, %mul3A_1095 : vector<16xi32>
    %add3A_1097 = vector.broadcast %add3A_1090 : i32 to vector<16xi32>
    %add3A_1098 = arith.addi %add3A_1097, %mul3A_1096 : vector<16xi32>
    %and3A_1099 = arith.constant 7 : i32
    %and3A_1100 = vector.broadcast %and3A_1099 : i32 to vector<16xi32>
    %and3A_1101 = arith.andi %gather3A_1076, %and3A_1100 : vector<16xi32>
    %mul3A_1102 = arith.constant 128 : i32
    %mul3A_1103 = vector.broadcast %mul3A_1102 : i32 to vector<16xi32>
    %mul3A_1104 = arith.muli %and3A_1101, %mul3A_1103 : vector<16xi32>
    %add3A_1105 = arith.addi %add3A_1098, %mul3A_1104 : vector<16xi32>
    %add3A_1106 = arith.addi %add3A_1105, %iota3A : vector<16xi32>
    %swap3A_1107 = arith.constant 5 : i32
    %swap3A_1108 = arith.index_cast %swap3A_1107 : i32 to index
    %swap3A_1109 = arith.constant 48 : index
    %swap3A_1110 = tpu.vector_load %arg6[%swap3A_1108, %swap3A_1109] {strides = array<i32>} : memref<10x64xi32, #tpu.memory_space<vmem>>, vector<16xi32>,
    tpu.vector_store %arg6[%swap3A_1108, %swap3A_1109], %add3A_1106 {strides = array<i32>} : memref<10x64xi32, #tpu.memory_space<vmem>>, vector<16xi32>,
    %mul3A_1111 = arith.constant 10 : i32
    %mul3A_1112 = arith.muli %arg0, %mul3A_1111 : i32
    %add3A_1113 = arith.constant 6 : i32
    %add3A_1114 = arith.addi %mul3A_1112, %add3A_1113 : i32
    %add3A_1115 = arith.constant 0 : i32
    %add3A_1116 = vector.broadcast %add3A_1115 : i32 to vector<16xi32>
    %add3A_1117 = arith.addi %add3A_1116, %iota3A : vector<16xi32>
    %mul3A_1118 = arith.constant 20 : i32
    %mul3A_1119 = vector.broadcast %mul3A_1118 : i32 to vector<16xi32>
    %mul3A_1120 = arith.muli %add3A_1117, %mul3A_1119 : vector<16xi32>
    %add3A_1121 = vector.broadcast %add3A_1114 : i32 to vector<16xi32>
    %add3A_1122 = arith.addi %mul3A_1120, %add3A_1121 : vector<16xi32>
    %gather3A_1123 = tpu.vector_load_idx %arg5[%add3A_1122] : memref<1280xi32, #tpu.memory_space<vmem>>[vector<16xi32>], vector<16xi32>,
    %mul3A_1124 = arith.constant 1024000 : i32
    %mul3A_1125 = arith.muli %add3A_1114, %mul3A_1124 : i32
    %shift_right_arithmetic3A_1126 = arith.constant 1 : i32
    %shift_right_arithmetic3A_1127 = arith.shrsi %arg1, %shift_right_arithmetic3A_1126 : i32
    %mul3A_1128 = arith.constant 1024 : i32
    %mul3A_1129 = arith.muli %shift_right_arithmetic3A_1127, %mul3A_1128 : i32
    %add3A_1130 = arith.addi %mul3A_1125, %mul3A_1129 : i32
    %and3A_1131 = arith.constant 1 : i32
    %and3A_1132 = arith.andi %arg1, %and3A_1131 : i32
    %mul3A_1133 = arith.constant 64 : i32
    %mul3A_1134 = arith.muli %and3A_1132, %mul3A_1133 : i32
    %add3A_1135 = arith.addi %add3A_1130, %mul3A_1134 : i32
    %add3A_1136 = arith.constant 0 : i32
    %add3A_1137 = arith.addi %add3A_1135, %add3A_1136 : i32
    %shift_right_arithmetic3A_1138 = arith.constant 3 : i32
    %shift_right_arithmetic3A_1139 = vector.broadcast %shift_right_arithmetic3A_1138 : i32 to vector<16xi32>
    %shift_right_arithmetic3A_1140 = arith.shrsi %gather3A_1123, %shift_right_arithmetic3A_1139 : vector<16xi32>
    %mul3A_1141 = arith.constant 8192 : i32
    %mul3A_1142 = vector.broadcast %mul3A_1141 : i32 to vector<16xi32>
    %mul3A_1143 = arith.muli %shift_right_arithmetic3A_1140, %mul3A_1142 : vector<16xi32>
    %add3A_1144 = vector.broadcast %add3A_1137 : i32 to vector<16xi32>
    %add3A_1145 = arith.addi %add3A_1144, %mul3A_1143 : vector<16xi32>
    %and3A_1146 = arith.constant 7 : i32
    %and3A_1147 = vector.broadcast %and3A_1146 : i32 to vector<16xi32>
    %and3A_1148 = arith.andi %gather3A_1123, %and3A_1147 : vector<16xi32>
    %mul3A_1149 = arith.constant 128 : i32
    %mul3A_1150 = vector.broadcast %mul3A_1149 : i32 to vector<16xi32>
    %mul3A_1151 = arith.muli %and3A_1148, %mul3A_1150 : vector<16xi32>
    %add3A_1152 = arith.addi %add3A_1145, %mul3A_1151 : vector<16xi32>
    %add3A_1153 = arith.addi %add3A_1152, %iota3A : vector<16xi32>
    %swap3A_1154 = arith.constant 6 : i32
    %swap3A_1155 = arith.index_cast %swap3A_1154 : i32 to index
    %swap3A_1156 = arith.constant 0 : index
    %swap3A_1157 = tpu.vector_load %arg6[%swap3A_1155, %swap3A_1156] {strides = array<i32>} : memref<10x64xi32, #tpu.memory_space<vmem>>, vector<16xi32>,
    tpu.vector_store %arg6[%swap3A_1155, %swap3A_1156], %add3A_1153 {strides = array<i32>} : memref<10x64xi32, #tpu.memory_space<vmem>>, vector<16xi32>,
    %add3A_1158 = arith.constant 16 : i32
    %add3A_1159 = vector.broadcast %add3A_1158 : i32 to vector<16xi32>
    %add3A_1160 = arith.addi %add3A_1159, %iota3A : vector<16xi32>
    %mul3A_1161 = arith.constant 20 : i32
    %mul3A_1162 = vector.broadcast %mul3A_1161 : i32 to vector<16xi32>
    %mul3A_1163 = arith.muli %add3A_1160, %mul3A_1162 : vector<16xi32>
    %add3A_1164 = vector.broadcast %add3A_1114 : i32 to vector<16xi32>
    %add3A_1165 = arith.addi %mul3A_1163, %add3A_1164 : vector<16xi32>
    %gather3A_1166 = tpu.vector_load_idx %arg5[%add3A_1165] : memref<1280xi32, #tpu.memory_space<vmem>>[vector<16xi32>], vector<16xi32>,
    %mul3A_1167 = arith.constant 1024000 : i32
    %mul3A_1168 = arith.muli %add3A_1114, %mul3A_1167 : i32
    %shift_right_arithmetic3A_1169 = arith.constant 1 : i32
    %shift_right_arithmetic3A_1170 = arith.shrsi %arg1, %shift_right_arithmetic3A_1169 : i32
    %mul3A_1171 = arith.constant 1024 : i32
    %mul3A_1172 = arith.muli %shift_right_arithmetic3A_1170, %mul3A_1171 : i32
    %add3A_1173 = arith.addi %mul3A_1168, %mul3A_1172 : i32
    %and3A_1174 = arith.constant 1 : i32
    %and3A_1175 = arith.andi %arg1, %and3A_1174 : i32
    %mul3A_1176 = arith.constant 64 : i32
    %mul3A_1177 = arith.muli %and3A_1175, %mul3A_1176 : i32
    %add3A_1178 = arith.addi %add3A_1173, %mul3A_1177 : i32
    %add3A_1179 = arith.constant 16 : i32
    %add3A_1180 = arith.addi %add3A_1178, %add3A_1179 : i32
    %shift_right_arithmetic3A_1181 = arith.constant 3 : i32
    %shift_right_arithmetic3A_1182 = vector.broadcast %shift_right_arithmetic3A_1181 : i32 to vector<16xi32>
    %shift_right_arithmetic3A_1183 = arith.shrsi %gather3A_1166, %shift_right_arithmetic3A_1182 : vector<16xi32>
    %mul3A_1184 = arith.constant 8192 : i32
    %mul3A_1185 = vector.broadcast %mul3A_1184 : i32 to vector<16xi32>
    %mul3A_1186 = arith.muli %shift_right_arithmetic3A_1183, %mul3A_1185 : vector<16xi32>
    %add3A_1187 = vector.broadcast %add3A_1180 : i32 to vector<16xi32>
    %add3A_1188 = arith.addi %add3A_1187, %mul3A_1186 : vector<16xi32>
    %and3A_1189 = arith.constant 7 : i32
    %and3A_1190 = vector.broadcast %and3A_1189 : i32 to vector<16xi32>
    %and3A_1191 = arith.andi %gather3A_1166, %and3A_1190 : vector<16xi32>
    %mul3A_1192 = arith.constant 128 : i32
    %mul3A_1193 = vector.broadcast %mul3A_1192 : i32 to vector<16xi32>
    %mul3A_1194 = arith.muli %and3A_1191, %mul3A_1193 : vector<16xi32>
    %add3A_1195 = arith.addi %add3A_1188, %mul3A_1194 : vector<16xi32>
    %add3A_1196 = arith.addi %add3A_1195, %iota3A : vector<16xi32>
    %swap3A_1197 = arith.constant 6 : i32
    %swap3A_1198 = arith.index_cast %swap3A_1197 : i32 to index
    %swap3A_1199 = arith.constant 16 : index
    %swap3A_1200 = tpu.vector_load %arg6[%swap3A_1198, %swap3A_1199] {strides = array<i32>} : memref<10x64xi32, #tpu.memory_space<vmem>>, vector<16xi32>,
    tpu.vector_store %arg6[%swap3A_1198, %swap3A_1199], %add3A_1196 {strides = array<i32>} : memref<10x64xi32, #tpu.memory_space<vmem>>, vector<16xi32>,
    %add3A_1201 = arith.constant 32 : i32
    %add3A_1202 = vector.broadcast %add3A_1201 : i32 to vector<16xi32>
    %add3A_1203 = arith.addi %add3A_1202, %iota3A : vector<16xi32>
    %mul3A_1204 = arith.constant 20 : i32
    %mul3A_1205 = vector.broadcast %mul3A_1204 : i32 to vector<16xi32>
    %mul3A_1206 = arith.muli %add3A_1203, %mul3A_1205 : vector<16xi32>
    %add3A_1207 = vector.broadcast %add3A_1114 : i32 to vector<16xi32>
    %add3A_1208 = arith.addi %mul3A_1206, %add3A_1207 : vector<16xi32>
    %gather3A_1209 = tpu.vector_load_idx %arg5[%add3A_1208] : memref<1280xi32, #tpu.memory_space<vmem>>[vector<16xi32>], vector<16xi32>,
    %mul3A_1210 = arith.constant 1024000 : i32
    %mul3A_1211 = arith.muli %add3A_1114, %mul3A_1210 : i32
    %shift_right_arithmetic3A_1212 = arith.constant 1 : i32
    %shift_right_arithmetic3A_1213 = arith.shrsi %arg1, %shift_right_arithmetic3A_1212 : i32
    %mul3A_1214 = arith.constant 1024 : i32
    %mul3A_1215 = arith.muli %shift_right_arithmetic3A_1213, %mul3A_1214 : i32
    %add3A_1216 = arith.addi %mul3A_1211, %mul3A_1215 : i32
    %and3A_1217 = arith.constant 1 : i32
    %and3A_1218 = arith.andi %arg1, %and3A_1217 : i32
    %mul3A_1219 = arith.constant 64 : i32
    %mul3A_1220 = arith.muli %and3A_1218, %mul3A_1219 : i32
    %add3A_1221 = arith.addi %add3A_1216, %mul3A_1220 : i32
    %add3A_1222 = arith.constant 32 : i32
    %add3A_1223 = arith.addi %add3A_1221, %add3A_1222 : i32
    %shift_right_arithmetic3A_1224 = arith.constant 3 : i32
    %shift_right_arithmetic3A_1225 = vector.broadcast %shift_right_arithmetic3A_1224 : i32 to vector<16xi32>
    %shift_right_arithmetic3A_1226 = arith.shrsi %gather3A_1209, %shift_right_arithmetic3A_1225 : vector<16xi32>
    %mul3A_1227 = arith.constant 8192 : i32
    %mul3A_1228 = vector.broadcast %mul3A_1227 : i32 to vector<16xi32>
    %mul3A_1229 = arith.muli %shift_right_arithmetic3A_1226, %mul3A_1228 : vector<16xi32>
    %add3A_1230 = vector.broadcast %add3A_1223 : i32 to vector<16xi32>
    %add3A_1231 = arith.addi %add3A_1230, %mul3A_1229 : vector<16xi32>
    %and3A_1232 = arith.constant 7 : i32
    %and3A_1233 = vector.broadcast %and3A_1232 : i32 to vector<16xi32>
    %and3A_1234 = arith.andi %gather3A_1209, %and3A_1233 : vector<16xi32>
    %mul3A_1235 = arith.constant 128 : i32
    %mul3A_1236 = vector.broadcast %mul3A_1235 : i32 to vector<16xi32>
    %mul3A_1237 = arith.muli %and3A_1234, %mul3A_1236 : vector<16xi32>
    %add3A_1238 = arith.addi %add3A_1231, %mul3A_1237 : vector<16xi32>
    %add3A_1239 = arith.addi %add3A_1238, %iota3A : vector<16xi32>
    %swap3A_1240 = arith.constant 6 : i32
    %swap3A_1241 = arith.index_cast %swap3A_1240 : i32 to index
    %swap3A_1242 = arith.constant 32 : index
    %swap3A_1243 = tpu.vector_load %arg6[%swap3A_1241, %swap3A_1242] {strides = array<i32>} : memref<10x64xi32, #tpu.memory_space<vmem>>, vector<16xi32>,
    tpu.vector_store %arg6[%swap3A_1241, %swap3A_1242], %add3A_1239 {strides = array<i32>} : memref<10x64xi32, #tpu.memory_space<vmem>>, vector<16xi32>,
    %add3A_1244 = arith.constant 48 : i32
    %add3A_1245 = vector.broadcast %add3A_1244 : i32 to vector<16xi32>
    %add3A_1246 = arith.addi %add3A_1245, %iota3A : vector<16xi32>
    %mul3A_1247 = arith.constant 20 : i32
    %mul3A_1248 = vector.broadcast %mul3A_1247 : i32 to vector<16xi32>
    %mul3A_1249 = arith.muli %add3A_1246, %mul3A_1248 : vector<16xi32>
    %add3A_1250 = vector.broadcast %add3A_1114 : i32 to vector<16xi32>
    %add3A_1251 = arith.addi %mul3A_1249, %add3A_1250 : vector<16xi32>
    %gather3A_1252 = tpu.vector_load_idx %arg5[%add3A_1251] : memref<1280xi32, #tpu.memory_space<vmem>>[vector<16xi32>], vector<16xi32>,
    %mul3A_1253 = arith.constant 1024000 : i32
    %mul3A_1254 = arith.muli %add3A_1114, %mul3A_1253 : i32
    %shift_right_arithmetic3A_1255 = arith.constant 1 : i32
    %shift_right_arithmetic3A_1256 = arith.shrsi %arg1, %shift_right_arithmetic3A_1255 : i32
    %mul3A_1257 = arith.constant 1024 : i32
    %mul3A_1258 = arith.muli %shift_right_arithmetic3A_1256, %mul3A_1257 : i32
    %add3A_1259 = arith.addi %mul3A_1254, %mul3A_1258 : i32
    %and3A_1260 = arith.constant 1 : i32
    %and3A_1261 = arith.andi %arg1, %and3A_1260 : i32
    %mul3A_1262 = arith.constant 64 : i32
    %mul3A_1263 = arith.muli %and3A_1261, %mul3A_1262 : i32
    %add3A_1264 = arith.addi %add3A_1259, %mul3A_1263 : i32
    %add3A_1265 = arith.constant 48 : i32
    %add3A_1266 = arith.addi %add3A_1264, %add3A_1265 : i32
    %shift_right_arithmetic3A_1267 = arith.constant 3 : i32
    %shift_right_arithmetic3A_1268 = vector.broadcast %shift_right_arithmetic3A_1267 : i32 to vector<16xi32>
    %shift_right_arithmetic3A_1269 = arith.shrsi %gather3A_1252, %shift_right_arithmetic3A_1268 : vector<16xi32>
    %mul3A_1270 = arith.constant 8192 : i32
    %mul3A_1271 = vector.broadcast %mul3A_1270 : i32 to vector<16xi32>
    %mul3A_1272 = arith.muli %shift_right_arithmetic3A_1269, %mul3A_1271 : vector<16xi32>
    %add3A_1273 = vector.broadcast %add3A_1266 : i32 to vector<16xi32>
    %add3A_1274 = arith.addi %add3A_1273, %mul3A_1272 : vector<16xi32>
    %and3A_1275 = arith.constant 7 : i32
    %and3A_1276 = vector.broadcast %and3A_1275 : i32 to vector<16xi32>
    %and3A_1277 = arith.andi %gather3A_1252, %and3A_1276 : vector<16xi32>
    %mul3A_1278 = arith.constant 128 : i32
    %mul3A_1279 = vector.broadcast %mul3A_1278 : i32 to vector<16xi32>
    %mul3A_1280 = arith.muli %and3A_1277, %mul3A_1279 : vector<16xi32>
    %add3A_1281 = arith.addi %add3A_1274, %mul3A_1280 : vector<16xi32>
    %add3A_1282 = arith.addi %add3A_1281, %iota3A : vector<16xi32>
    %swap3A_1283 = arith.constant 6 : i32
    %swap3A_1284 = arith.index_cast %swap3A_1283 : i32 to index
    %swap3A_1285 = arith.constant 48 : index
    %swap3A_1286 = tpu.vector_load %arg6[%swap3A_1284, %swap3A_1285] {strides = array<i32>} : memref<10x64xi32, #tpu.memory_space<vmem>>, vector<16xi32>,
    tpu.vector_store %arg6[%swap3A_1284, %swap3A_1285], %add3A_1282 {strides = array<i32>} : memref<10x64xi32, #tpu.memory_space<vmem>>, vector<16xi32>,
    %mul3A_1287 = arith.constant 10 : i32
    %mul3A_1288 = arith.muli %arg0, %mul3A_1287 : i32
    %add3A_1289 = arith.constant 7 : i32
    %add3A_1290 = arith.addi %mul3A_1288, %add3A_1289 : i32
    %add3A_1291 = arith.constant 0 : i32
    %add3A_1292 = vector.broadcast %add3A_1291 : i32 to vector<16xi32>
    %add3A_1293 = arith.addi %add3A_1292, %iota3A : vector<16xi32>
    %mul3A_1294 = arith.constant 20 : i32
    %mul3A_1295 = vector.broadcast %mul3A_1294 : i32 to vector<16xi32>
    %mul3A_1296 = arith.muli %add3A_1293, %mul3A_1295 : vector<16xi32>
    %add3A_1297 = vector.broadcast %add3A_1290 : i32 to vector<16xi32>
    %add3A_1298 = arith.addi %mul3A_1296, %add3A_1297 : vector<16xi32>
    %gather3A_1299 = tpu.vector_load_idx %arg5[%add3A_1298] : memref<1280xi32, #tpu.memory_space<vmem>>[vector<16xi32>], vector<16xi32>,
    %mul3A_1300 = arith.constant 1024000 : i32
    %mul3A_1301 = arith.muli %add3A_1290, %mul3A_1300 : i32
    %shift_right_arithmetic3A_1302 = arith.constant 1 : i32
    %shift_right_arithmetic3A_1303 = arith.shrsi %arg1, %shift_right_arithmetic3A_1302 : i32
    %mul3A_1304 = arith.constant 1024 : i32
    %mul3A_1305 = arith.muli %shift_right_arithmetic3A_1303, %mul3A_1304 : i32
    %add3A_1306 = arith.addi %mul3A_1301, %mul3A_1305 : i32
    %and3A_1307 = arith.constant 1 : i32
    %and3A_1308 = arith.andi %arg1, %and3A_1307 : i32
    %mul3A_1309 = arith.constant 64 : i32
    %mul3A_1310 = arith.muli %and3A_1308, %mul3A_1309 : i32
    %add3A_1311 = arith.addi %add3A_1306, %mul3A_1310 : i32
    %add3A_1312 = arith.constant 0 : i32
    %add3A_1313 = arith.addi %add3A_1311, %add3A_1312 : i32
    %shift_right_arithmetic3A_1314 = arith.constant 3 : i32
    %shift_right_arithmetic3A_1315 = vector.broadcast %shift_right_arithmetic3A_1314 : i32 to vector<16xi32>
    %shift_right_arithmetic3A_1316 = arith.shrsi %gather3A_1299, %shift_right_arithmetic3A_1315 : vector<16xi32>
    %mul3A_1317 = arith.constant 8192 : i32
    %mul3A_1318 = vector.broadcast %mul3A_1317 : i32 to vector<16xi32>
    %mul3A_1319 = arith.muli %shift_right_arithmetic3A_1316, %mul3A_1318 : vector<16xi32>
    %add3A_1320 = vector.broadcast %add3A_1313 : i32 to vector<16xi32>
    %add3A_1321 = arith.addi %add3A_1320, %mul3A_1319 : vector<16xi32>
    %and3A_1322 = arith.constant 7 : i32
    %and3A_1323 = vector.broadcast %and3A_1322 : i32 to vector<16xi32>
    %and3A_1324 = arith.andi %gather3A_1299, %and3A_1323 : vector<16xi32>
    %mul3A_1325 = arith.constant 128 : i32
    %mul3A_1326 = vector.broadcast %mul3A_1325 : i32 to vector<16xi32>
    %mul3A_1327 = arith.muli %and3A_1324, %mul3A_1326 : vector<16xi32>
    %add3A_1328 = arith.addi %add3A_1321, %mul3A_1327 : vector<16xi32>
    %add3A_1329 = arith.addi %add3A_1328, %iota3A : vector<16xi32>
    %swap3A_1330 = arith.constant 7 : i32
    %swap3A_1331 = arith.index_cast %swap3A_1330 : i32 to index
    %swap3A_1332 = arith.constant 0 : index
    %swap3A_1333 = tpu.vector_load %arg6[%swap3A_1331, %swap3A_1332] {strides = array<i32>} : memref<10x64xi32, #tpu.memory_space<vmem>>, vector<16xi32>,
    tpu.vector_store %arg6[%swap3A_1331, %swap3A_1332], %add3A_1329 {strides = array<i32>} : memref<10x64xi32, #tpu.memory_space<vmem>>, vector<16xi32>,
    %add3A_1334 = arith.constant 16 : i32
    %add3A_1335 = vector.broadcast %add3A_1334 : i32 to vector<16xi32>
    %add3A_1336 = arith.addi %add3A_1335, %iota3A : vector<16xi32>
    %mul3A_1337 = arith.constant 20 : i32
    %mul3A_1338 = vector.broadcast %mul3A_1337 : i32 to vector<16xi32>
    %mul3A_1339 = arith.muli %add3A_1336, %mul3A_1338 : vector<16xi32>
    %add3A_1340 = vector.broadcast %add3A_1290 : i32 to vector<16xi32>
    %add3A_1341 = arith.addi %mul3A_1339, %add3A_1340 : vector<16xi32>
    %gather3A_1342 = tpu.vector_load_idx %arg5[%add3A_1341] : memref<1280xi32, #tpu.memory_space<vmem>>[vector<16xi32>], vector<16xi32>,
    %mul3A_1343 = arith.constant 1024000 : i32
    %mul3A_1344 = arith.muli %add3A_1290, %mul3A_1343 : i32
    %shift_right_arithmetic3A_1345 = arith.constant 1 : i32
    %shift_right_arithmetic3A_1346 = arith.shrsi %arg1, %shift_right_arithmetic3A_1345 : i32
    %mul3A_1347 = arith.constant 1024 : i32
    %mul3A_1348 = arith.muli %shift_right_arithmetic3A_1346, %mul3A_1347 : i32
    %add3A_1349 = arith.addi %mul3A_1344, %mul3A_1348 : i32
    %and3A_1350 = arith.constant 1 : i32
    %and3A_1351 = arith.andi %arg1, %and3A_1350 : i32
    %mul3A_1352 = arith.constant 64 : i32
    %mul3A_1353 = arith.muli %and3A_1351, %mul3A_1352 : i32
    %add3A_1354 = arith.addi %add3A_1349, %mul3A_1353 : i32
    %add3A_1355 = arith.constant 16 : i32
    %add3A_1356 = arith.addi %add3A_1354, %add3A_1355 : i32
    %shift_right_arithmetic3A_1357 = arith.constant 3 : i32
    %shift_right_arithmetic3A_1358 = vector.broadcast %shift_right_arithmetic3A_1357 : i32 to vector<16xi32>
    %shift_right_arithmetic3A_1359 = arith.shrsi %gather3A_1342, %shift_right_arithmetic3A_1358 : vector<16xi32>
    %mul3A_1360 = arith.constant 8192 : i32
    %mul3A_1361 = vector.broadcast %mul3A_1360 : i32 to vector<16xi32>
    %mul3A_1362 = arith.muli %shift_right_arithmetic3A_1359, %mul3A_1361 : vector<16xi32>
    %add3A_1363 = vector.broadcast %add3A_1356 : i32 to vector<16xi32>
    %add3A_1364 = arith.addi %add3A_1363, %mul3A_1362 : vector<16xi32>
    %and3A_1365 = arith.constant 7 : i32
    %and3A_1366 = vector.broadcast %and3A_1365 : i32 to vector<16xi32>
    %and3A_1367 = arith.andi %gather3A_1342, %and3A_1366 : vector<16xi32>
    %mul3A_1368 = arith.constant 128 : i32
    %mul3A_1369 = vector.broadcast %mul3A_1368 : i32 to vector<16xi32>
    %mul3A_1370 = arith.muli %and3A_1367, %mul3A_1369 : vector<16xi32>
    %add3A_1371 = arith.addi %add3A_1364, %mul3A_1370 : vector<16xi32>
    %add3A_1372 = arith.addi %add3A_1371, %iota3A : vector<16xi32>
    %swap3A_1373 = arith.constant 7 : i32
    %swap3A_1374 = arith.index_cast %swap3A_1373 : i32 to index
    %swap3A_1375 = arith.constant 16 : index
    %swap3A_1376 = tpu.vector_load %arg6[%swap3A_1374, %swap3A_1375] {strides = array<i32>} : memref<10x64xi32, #tpu.memory_space<vmem>>, vector<16xi32>,
    tpu.vector_store %arg6[%swap3A_1374, %swap3A_1375], %add3A_1372 {strides = array<i32>} : memref<10x64xi32, #tpu.memory_space<vmem>>, vector<16xi32>,
    %add3A_1377 = arith.constant 32 : i32
    %add3A_1378 = vector.broadcast %add3A_1377 : i32 to vector<16xi32>
    %add3A_1379 = arith.addi %add3A_1378, %iota3A : vector<16xi32>
    %mul3A_1380 = arith.constant 20 : i32
    %mul3A_1381 = vector.broadcast %mul3A_1380 : i32 to vector<16xi32>
    %mul3A_1382 = arith.muli %add3A_1379, %mul3A_1381 : vector<16xi32>
    %add3A_1383 = vector.broadcast %add3A_1290 : i32 to vector<16xi32>
    %add3A_1384 = arith.addi %mul3A_1382, %add3A_1383 : vector<16xi32>
    %gather3A_1385 = tpu.vector_load_idx %arg5[%add3A_1384] : memref<1280xi32, #tpu.memory_space<vmem>>[vector<16xi32>], vector<16xi32>,
    %mul3A_1386 = arith.constant 1024000 : i32
    %mul3A_1387 = arith.muli %add3A_1290, %mul3A_1386 : i32
    %shift_right_arithmetic3A_1388 = arith.constant 1 : i32
    %shift_right_arithmetic3A_1389 = arith.shrsi %arg1, %shift_right_arithmetic3A_1388 : i32
    %mul3A_1390 = arith.constant 1024 : i32
    %mul3A_1391 = arith.muli %shift_right_arithmetic3A_1389, %mul3A_1390 : i32
    %add3A_1392 = arith.addi %mul3A_1387, %mul3A_1391 : i32
    %and3A_1393 = arith.constant 1 : i32
    %and3A_1394 = arith.andi %arg1, %and3A_1393 : i32
    %mul3A_1395 = arith.constant 64 : i32
    %mul3A_1396 = arith.muli %and3A_1394, %mul3A_1395 : i32
    %add3A_1397 = arith.addi %add3A_1392, %mul3A_1396 : i32
    %add3A_1398 = arith.constant 32 : i32
    %add3A_1399 = arith.addi %add3A_1397, %add3A_1398 : i32
    %shift_right_arithmetic3A_1400 = arith.constant 3 : i32
    %shift_right_arithmetic3A_1401 = vector.broadcast %shift_right_arithmetic3A_1400 : i32 to vector<16xi32>
    %shift_right_arithmetic3A_1402 = arith.shrsi %gather3A_1385, %shift_right_arithmetic3A_1401 : vector<16xi32>
    %mul3A_1403 = arith.constant 8192 : i32
    %mul3A_1404 = vector.broadcast %mul3A_1403 : i32 to vector<16xi32>
    %mul3A_1405 = arith.muli %shift_right_arithmetic3A_1402, %mul3A_1404 : vector<16xi32>
    %add3A_1406 = vector.broadcast %add3A_1399 : i32 to vector<16xi32>
    %add3A_1407 = arith.addi %add3A_1406, %mul3A_1405 : vector<16xi32>
    %and3A_1408 = arith.constant 7 : i32
    %and3A_1409 = vector.broadcast %and3A_1408 : i32 to vector<16xi32>
    %and3A_1410 = arith.andi %gather3A_1385, %and3A_1409 : vector<16xi32>
    %mul3A_1411 = arith.constant 128 : i32
    %mul3A_1412 = vector.broadcast %mul3A_1411 : i32 to vector<16xi32>
    %mul3A_1413 = arith.muli %and3A_1410, %mul3A_1412 : vector<16xi32>
    %add3A_1414 = arith.addi %add3A_1407, %mul3A_1413 : vector<16xi32>
    %add3A_1415 = arith.addi %add3A_1414, %iota3A : vector<16xi32>
    %swap3A_1416 = arith.constant 7 : i32
    %swap3A_1417 = arith.index_cast %swap3A_1416 : i32 to index
    %swap3A_1418 = arith.constant 32 : index
    %swap3A_1419 = tpu.vector_load %arg6[%swap3A_1417, %swap3A_1418] {strides = array<i32>} : memref<10x64xi32, #tpu.memory_space<vmem>>, vector<16xi32>,
    tpu.vector_store %arg6[%swap3A_1417, %swap3A_1418], %add3A_1415 {strides = array<i32>} : memref<10x64xi32, #tpu.memory_space<vmem>>, vector<16xi32>,
    %add3A_1420 = arith.constant 48 : i32
    %add3A_1421 = vector.broadcast %add3A_1420 : i32 to vector<16xi32>
    %add3A_1422 = arith.addi %add3A_1421, %iota3A : vector<16xi32>
    %mul3A_1423 = arith.constant 20 : i32
    %mul3A_1424 = vector.broadcast %mul3A_1423 : i32 to vector<16xi32>
    %mul3A_1425 = arith.muli %add3A_1422, %mul3A_1424 : vector<16xi32>
    %add3A_1426 = vector.broadcast %add3A_1290 : i32 to vector<16xi32>
    %add3A_1427 = arith.addi %mul3A_1425, %add3A_1426 : vector<16xi32>
    %gather3A_1428 = tpu.vector_load_idx %arg5[%add3A_1427] : memref<1280xi32, #tpu.memory_space<vmem>>[vector<16xi32>], vector<16xi32>,
    %mul3A_1429 = arith.constant 1024000 : i32
    %mul3A_1430 = arith.muli %add3A_1290, %mul3A_1429 : i32
    %shift_right_arithmetic3A_1431 = arith.constant 1 : i32
    %shift_right_arithmetic3A_1432 = arith.shrsi %arg1, %shift_right_arithmetic3A_1431 : i32
    %mul3A_1433 = arith.constant 1024 : i32
    %mul3A_1434 = arith.muli %shift_right_arithmetic3A_1432, %mul3A_1433 : i32
    %add3A_1435 = arith.addi %mul3A_1430, %mul3A_1434 : i32
    %and3A_1436 = arith.constant 1 : i32
    %and3A_1437 = arith.andi %arg1, %and3A_1436 : i32
    %mul3A_1438 = arith.constant 64 : i32
    %mul3A_1439 = arith.muli %and3A_1437, %mul3A_1438 : i32
    %add3A_1440 = arith.addi %add3A_1435, %mul3A_1439 : i32
    %add3A_1441 = arith.constant 48 : i32
    %add3A_1442 = arith.addi %add3A_1440, %add3A_1441 : i32
    %shift_right_arithmetic3A_1443 = arith.constant 3 : i32
    %shift_right_arithmetic3A_1444 = vector.broadcast %shift_right_arithmetic3A_1443 : i32 to vector<16xi32>
    %shift_right_arithmetic3A_1445 = arith.shrsi %gather3A_1428, %shift_right_arithmetic3A_1444 : vector<16xi32>
    %mul3A_1446 = arith.constant 8192 : i32
    %mul3A_1447 = vector.broadcast %mul3A_1446 : i32 to vector<16xi32>
    %mul3A_1448 = arith.muli %shift_right_arithmetic3A_1445, %mul3A_1447 : vector<16xi32>
    %add3A_1449 = vector.broadcast %add3A_1442 : i32 to vector<16xi32>
    %add3A_1450 = arith.addi %add3A_1449, %mul3A_1448 : vector<16xi32>
    %and3A_1451 = arith.constant 7 : i32
    %and3A_1452 = vector.broadcast %and3A_1451 : i32 to vector<16xi32>
    %and3A_1453 = arith.andi %gather3A_1428, %and3A_1452 : vector<16xi32>
    %mul3A_1454 = arith.constant 128 : i32
    %mul3A_1455 = vector.broadcast %mul3A_1454 : i32 to vector<16xi32>
    %mul3A_1456 = arith.muli %and3A_1453, %mul3A_1455 : vector<16xi32>
    %add3A_1457 = arith.addi %add3A_1450, %mul3A_1456 : vector<16xi32>
    %add3A_1458 = arith.addi %add3A_1457, %iota3A : vector<16xi32>
    %swap3A_1459 = arith.constant 7 : i32
    %swap3A_1460 = arith.index_cast %swap3A_1459 : i32 to index
    %swap3A_1461 = arith.constant 48 : index
    %swap3A_1462 = tpu.vector_load %arg6[%swap3A_1460, %swap3A_1461] {strides = array<i32>} : memref<10x64xi32, #tpu.memory_space<vmem>>, vector<16xi32>,
    tpu.vector_store %arg6[%swap3A_1460, %swap3A_1461], %add3A_1458 {strides = array<i32>} : memref<10x64xi32, #tpu.memory_space<vmem>>, vector<16xi32>,
    %mul3A_1463 = arith.constant 10 : i32
    %mul3A_1464 = arith.muli %arg0, %mul3A_1463 : i32
    %add3A_1465 = arith.constant 8 : i32
    %add3A_1466 = arith.addi %mul3A_1464, %add3A_1465 : i32
    %add3A_1467 = arith.constant 0 : i32
    %add3A_1468 = vector.broadcast %add3A_1467 : i32 to vector<16xi32>
    %add3A_1469 = arith.addi %add3A_1468, %iota3A : vector<16xi32>
    %mul3A_1470 = arith.constant 20 : i32
    %mul3A_1471 = vector.broadcast %mul3A_1470 : i32 to vector<16xi32>
    %mul3A_1472 = arith.muli %add3A_1469, %mul3A_1471 : vector<16xi32>
    %add3A_1473 = vector.broadcast %add3A_1466 : i32 to vector<16xi32>
    %add3A_1474 = arith.addi %mul3A_1472, %add3A_1473 : vector<16xi32>
    %gather3A_1475 = tpu.vector_load_idx %arg5[%add3A_1474] : memref<1280xi32, #tpu.memory_space<vmem>>[vector<16xi32>], vector<16xi32>,
    %mul3A_1476 = arith.constant 1024000 : i32
    %mul3A_1477 = arith.muli %add3A_1466, %mul3A_1476 : i32
    %shift_right_arithmetic3A_1478 = arith.constant 1 : i32
    %shift_right_arithmetic3A_1479 = arith.shrsi %arg1, %shift_right_arithmetic3A_1478 : i32
    %mul3A_1480 = arith.constant 1024 : i32
    %mul3A_1481 = arith.muli %shift_right_arithmetic3A_1479, %mul3A_1480 : i32
    %add3A_1482 = arith.addi %mul3A_1477, %mul3A_1481 : i32
    %and3A_1483 = arith.constant 1 : i32
    %and3A_1484 = arith.andi %arg1, %and3A_1483 : i32
    %mul3A_1485 = arith.constant 64 : i32
    %mul3A_1486 = arith.muli %and3A_1484, %mul3A_1485 : i32
    %add3A_1487 = arith.addi %add3A_1482, %mul3A_1486 : i32
    %add3A_1488 = arith.constant 0 : i32
    %add3A_1489 = arith.addi %add3A_1487, %add3A_1488 : i32
    %shift_right_arithmetic3A_1490 = arith.constant 3 : i32
    %shift_right_arithmetic3A_1491 = vector.broadcast %shift_right_arithmetic3A_1490 : i32 to vector<16xi32>
    %shift_right_arithmetic3A_1492 = arith.shrsi %gather3A_1475, %shift_right_arithmetic3A_1491 : vector<16xi32>
    %mul3A_1493 = arith.constant 8192 : i32
    %mul3A_1494 = vector.broadcast %mul3A_1493 : i32 to vector<16xi32>
    %mul3A_1495 = arith.muli %shift_right_arithmetic3A_1492, %mul3A_1494 : vector<16xi32>
    %add3A_1496 = vector.broadcast %add3A_1489 : i32 to vector<16xi32>
    %add3A_1497 = arith.addi %add3A_1496, %mul3A_1495 : vector<16xi32>
    %and3A_1498 = arith.constant 7 : i32
    %and3A_1499 = vector.broadcast %and3A_1498 : i32 to vector<16xi32>
    %and3A_1500 = arith.andi %gather3A_1475, %and3A_1499 : vector<16xi32>
    %mul3A_1501 = arith.constant 128 : i32
    %mul3A_1502 = vector.broadcast %mul3A_1501 : i32 to vector<16xi32>
    %mul3A_1503 = arith.muli %and3A_1500, %mul3A_1502 : vector<16xi32>
    %add3A_1504 = arith.addi %add3A_1497, %mul3A_1503 : vector<16xi32>
    %add3A_1505 = arith.addi %add3A_1504, %iota3A : vector<16xi32>
    %swap3A_1506 = arith.constant 8 : i32
    %swap3A_1507 = arith.index_cast %swap3A_1506 : i32 to index
    %swap3A_1508 = arith.constant 0 : index
    %swap3A_1509 = tpu.vector_load %arg6[%swap3A_1507, %swap3A_1508] {strides = array<i32>} : memref<10x64xi32, #tpu.memory_space<vmem>>, vector<16xi32>,
    tpu.vector_store %arg6[%swap3A_1507, %swap3A_1508], %add3A_1505 {strides = array<i32>} : memref<10x64xi32, #tpu.memory_space<vmem>>, vector<16xi32>,
    %add3A_1510 = arith.constant 16 : i32
    %add3A_1511 = vector.broadcast %add3A_1510 : i32 to vector<16xi32>
    %add3A_1512 = arith.addi %add3A_1511, %iota3A : vector<16xi32>
    %mul3A_1513 = arith.constant 20 : i32
    %mul3A_1514 = vector.broadcast %mul3A_1513 : i32 to vector<16xi32>
    %mul3A_1515 = arith.muli %add3A_1512, %mul3A_1514 : vector<16xi32>
    %add3A_1516 = vector.broadcast %add3A_1466 : i32 to vector<16xi32>
    %add3A_1517 = arith.addi %mul3A_1515, %add3A_1516 : vector<16xi32>
    %gather3A_1518 = tpu.vector_load_idx %arg5[%add3A_1517] : memref<1280xi32, #tpu.memory_space<vmem>>[vector<16xi32>], vector<16xi32>,
    %mul3A_1519 = arith.constant 1024000 : i32
    %mul3A_1520 = arith.muli %add3A_1466, %mul3A_1519 : i32
    %shift_right_arithmetic3A_1521 = arith.constant 1 : i32
    %shift_right_arithmetic3A_1522 = arith.shrsi %arg1, %shift_right_arithmetic3A_1521 : i32
    %mul3A_1523 = arith.constant 1024 : i32
    %mul3A_1524 = arith.muli %shift_right_arithmetic3A_1522, %mul3A_1523 : i32
    %add3A_1525 = arith.addi %mul3A_1520, %mul3A_1524 : i32
    %and3A_1526 = arith.constant 1 : i32
    %and3A_1527 = arith.andi %arg1, %and3A_1526 : i32
    %mul3A_1528 = arith.constant 64 : i32
    %mul3A_1529 = arith.muli %and3A_1527, %mul3A_1528 : i32
    %add3A_1530 = arith.addi %add3A_1525, %mul3A_1529 : i32
    %add3A_1531 = arith.constant 16 : i32
    %add3A_1532 = arith.addi %add3A_1530, %add3A_1531 : i32
    %shift_right_arithmetic3A_1533 = arith.constant 3 : i32
    %shift_right_arithmetic3A_1534 = vector.broadcast %shift_right_arithmetic3A_1533 : i32 to vector<16xi32>
    %shift_right_arithmetic3A_1535 = arith.shrsi %gather3A_1518, %shift_right_arithmetic3A_1534 : vector<16xi32>
    %mul3A_1536 = arith.constant 8192 : i32
    %mul3A_1537 = vector.broadcast %mul3A_1536 : i32 to vector<16xi32>
    %mul3A_1538 = arith.muli %shift_right_arithmetic3A_1535, %mul3A_1537 : vector<16xi32>
    %add3A_1539 = vector.broadcast %add3A_1532 : i32 to vector<16xi32>
    %add3A_1540 = arith.addi %add3A_1539, %mul3A_1538 : vector<16xi32>
    %and3A_1541 = arith.constant 7 : i32
    %and3A_1542 = vector.broadcast %and3A_1541 : i32 to vector<16xi32>
    %and3A_1543 = arith.andi %gather3A_1518, %and3A_1542 : vector<16xi32>
    %mul3A_1544 = arith.constant 128 : i32
    %mul3A_1545 = vector.broadcast %mul3A_1544 : i32 to vector<16xi32>
    %mul3A_1546 = arith.muli %and3A_1543, %mul3A_1545 : vector<16xi32>
    %add3A_1547 = arith.addi %add3A_1540, %mul3A_1546 : vector<16xi32>
    %add3A_1548 = arith.addi %add3A_1547, %iota3A : vector<16xi32>
    %swap3A_1549 = arith.constant 8 : i32
    %swap3A_1550 = arith.index_cast %swap3A_1549 : i32 to index
    %swap3A_1551 = arith.constant 16 : index
    %swap3A_1552 = tpu.vector_load %arg6[%swap3A_1550, %swap3A_1551] {strides = array<i32>} : memref<10x64xi32, #tpu.memory_space<vmem>>, vector<16xi32>,
    tpu.vector_store %arg6[%swap3A_1550, %swap3A_1551], %add3A_1548 {strides = array<i32>} : memref<10x64xi32, #tpu.memory_space<vmem>>, vector<16xi32>,
    %add3A_1553 = arith.constant 32 : i32
    %add3A_1554 = vector.broadcast %add3A_1553 : i32 to vector<16xi32>
    %add3A_1555 = arith.addi %add3A_1554, %iota3A : vector<16xi32>
    %mul3A_1556 = arith.constant 20 : i32
    %mul3A_1557 = vector.broadcast %mul3A_1556 : i32 to vector<16xi32>
    %mul3A_1558 = arith.muli %add3A_1555, %mul3A_1557 : vector<16xi32>
    %add3A_1559 = vector.broadcast %add3A_1466 : i32 to vector<16xi32>
    %add3A_1560 = arith.addi %mul3A_1558, %add3A_1559 : vector<16xi32>
    %gather3A_1561 = tpu.vector_load_idx %arg5[%add3A_1560] : memref<1280xi32, #tpu.memory_space<vmem>>[vector<16xi32>], vector<16xi32>,
    %mul3A_1562 = arith.constant 1024000 : i32
    %mul3A_1563 = arith.muli %add3A_1466, %mul3A_1562 : i32
    %shift_right_arithmetic3A_1564 = arith.constant 1 : i32
    %shift_right_arithmetic3A_1565 = arith.shrsi %arg1, %shift_right_arithmetic3A_1564 : i32
    %mul3A_1566 = arith.constant 1024 : i32
    %mul3A_1567 = arith.muli %shift_right_arithmetic3A_1565, %mul3A_1566 : i32
    %add3A_1568 = arith.addi %mul3A_1563, %mul3A_1567 : i32
    %and3A_1569 = arith.constant 1 : i32
    %and3A_1570 = arith.andi %arg1, %and3A_1569 : i32
    %mul3A_1571 = arith.constant 64 : i32
    %mul3A_1572 = arith.muli %and3A_1570, %mul3A_1571 : i32
    %add3A_1573 = arith.addi %add3A_1568, %mul3A_1572 : i32
    %add3A_1574 = arith.constant 32 : i32
    %add3A_1575 = arith.addi %add3A_1573, %add3A_1574 : i32
    %shift_right_arithmetic3A_1576 = arith.constant 3 : i32
    %shift_right_arithmetic3A_1577 = vector.broadcast %shift_right_arithmetic3A_1576 : i32 to vector<16xi32>
    %shift_right_arithmetic3A_1578 = arith.shrsi %gather3A_1561, %shift_right_arithmetic3A_1577 : vector<16xi32>
    %mul3A_1579 = arith.constant 8192 : i32
    %mul3A_1580 = vector.broadcast %mul3A_1579 : i32 to vector<16xi32>
    %mul3A_1581 = arith.muli %shift_right_arithmetic3A_1578, %mul3A_1580 : vector<16xi32>
    %add3A_1582 = vector.broadcast %add3A_1575 : i32 to vector<16xi32>
    %add3A_1583 = arith.addi %add3A_1582, %mul3A_1581 : vector<16xi32>
    %and3A_1584 = arith.constant 7 : i32
    %and3A_1585 = vector.broadcast %and3A_1584 : i32 to vector<16xi32>
    %and3A_1586 = arith.andi %gather3A_1561, %and3A_1585 : vector<16xi32>
    %mul3A_1587 = arith.constant 128 : i32
    %mul3A_1588 = vector.broadcast %mul3A_1587 : i32 to vector<16xi32>
    %mul3A_1589 = arith.muli %and3A_1586, %mul3A_1588 : vector<16xi32>
    %add3A_1590 = arith.addi %add3A_1583, %mul3A_1589 : vector<16xi32>
    %add3A_1591 = arith.addi %add3A_1590, %iota3A : vector<16xi32>
    %swap3A_1592 = arith.constant 8 : i32
    %swap3A_1593 = arith.index_cast %swap3A_1592 : i32 to index
    %swap3A_1594 = arith.constant 32 : index
    %swap3A_1595 = tpu.vector_load %arg6[%swap3A_1593, %swap3A_1594] {strides = array<i32>} : memref<10x64xi32, #tpu.memory_space<vmem>>, vector<16xi32>,
    tpu.vector_store %arg6[%swap3A_1593, %swap3A_1594], %add3A_1591 {strides = array<i32>} : memref<10x64xi32, #tpu.memory_space<vmem>>, vector<16xi32>,
    %add3A_1596 = arith.constant 48 : i32
    %add3A_1597 = vector.broadcast %add3A_1596 : i32 to vector<16xi32>
    %add3A_1598 = arith.addi %add3A_1597, %iota3A : vector<16xi32>
    %mul3A_1599 = arith.constant 20 : i32
    %mul3A_1600 = vector.broadcast %mul3A_1599 : i32 to vector<16xi32>
    %mul3A_1601 = arith.muli %add3A_1598, %mul3A_1600 : vector<16xi32>
    %add3A_1602 = vector.broadcast %add3A_1466 : i32 to vector<16xi32>
    %add3A_1603 = arith.addi %mul3A_1601, %add3A_1602 : vector<16xi32>
    %gather3A_1604 = tpu.vector_load_idx %arg5[%add3A_1603] : memref<1280xi32, #tpu.memory_space<vmem>>[vector<16xi32>], vector<16xi32>,
    %mul3A_1605 = arith.constant 1024000 : i32
    %mul3A_1606 = arith.muli %add3A_1466, %mul3A_1605 : i32
    %shift_right_arithmetic3A_1607 = arith.constant 1 : i32
    %shift_right_arithmetic3A_1608 = arith.shrsi %arg1, %shift_right_arithmetic3A_1607 : i32
    %mul3A_1609 = arith.constant 1024 : i32
    %mul3A_1610 = arith.muli %shift_right_arithmetic3A_1608, %mul3A_1609 : i32
    %add3A_1611 = arith.addi %mul3A_1606, %mul3A_1610 : i32
    %and3A_1612 = arith.constant 1 : i32
    %and3A_1613 = arith.andi %arg1, %and3A_1612 : i32
    %mul3A_1614 = arith.constant 64 : i32
    %mul3A_1615 = arith.muli %and3A_1613, %mul3A_1614 : i32
    %add3A_1616 = arith.addi %add3A_1611, %mul3A_1615 : i32
    %add3A_1617 = arith.constant 48 : i32
    %add3A_1618 = arith.addi %add3A_1616, %add3A_1617 : i32
    %shift_right_arithmetic3A_1619 = arith.constant 3 : i32
    %shift_right_arithmetic3A_1620 = vector.broadcast %shift_right_arithmetic3A_1619 : i32 to vector<16xi32>
    %shift_right_arithmetic3A_1621 = arith.shrsi %gather3A_1604, %shift_right_arithmetic3A_1620 : vector<16xi32>
    %mul3A_1622 = arith.constant 8192 : i32
    %mul3A_1623 = vector.broadcast %mul3A_1622 : i32 to vector<16xi32>
    %mul3A_1624 = arith.muli %shift_right_arithmetic3A_1621, %mul3A_1623 : vector<16xi32>
    %add3A_1625 = vector.broadcast %add3A_1618 : i32 to vector<16xi32>
    %add3A_1626 = arith.addi %add3A_1625, %mul3A_1624 : vector<16xi32>
    %and3A_1627 = arith.constant 7 : i32
    %and3A_1628 = vector.broadcast %and3A_1627 : i32 to vector<16xi32>
    %and3A_1629 = arith.andi %gather3A_1604, %and3A_1628 : vector<16xi32>
    %mul3A_1630 = arith.constant 128 : i32
    %mul3A_1631 = vector.broadcast %mul3A_1630 : i32 to vector<16xi32>
    %mul3A_1632 = arith.muli %and3A_1629, %mul3A_1631 : vector<16xi32>
    %add3A_1633 = arith.addi %add3A_1626, %mul3A_1632 : vector<16xi32>
    %add3A_1634 = arith.addi %add3A_1633, %iota3A : vector<16xi32>
    %swap3A_1635 = arith.constant 8 : i32
    %swap3A_1636 = arith.index_cast %swap3A_1635 : i32 to index
    %swap3A_1637 = arith.constant 48 : index
    %swap3A_1638 = tpu.vector_load %arg6[%swap3A_1636, %swap3A_1637] {strides = array<i32>} : memref<10x64xi32, #tpu.memory_space<vmem>>, vector<16xi32>,
    tpu.vector_store %arg6[%swap3A_1636, %swap3A_1637], %add3A_1634 {strides = array<i32>} : memref<10x64xi32, #tpu.memory_space<vmem>>, vector<16xi32>,
    %mul3A_1639 = arith.constant 10 : i32
    %mul3A_1640 = arith.muli %arg0, %mul3A_1639 : i32
    %add3A_1641 = arith.constant 9 : i32
    %add3A_1642 = arith.addi %mul3A_1640, %add3A_1641 : i32
    %add3A_1643 = arith.constant 0 : i32
    %add3A_1644 = vector.broadcast %add3A_1643 : i32 to vector<16xi32>
    %add3A_1645 = arith.addi %add3A_1644, %iota3A : vector<16xi32>
    %mul3A_1646 = arith.constant 20 : i32
    %mul3A_1647 = vector.broadcast %mul3A_1646 : i32 to vector<16xi32>
    %mul3A_1648 = arith.muli %add3A_1645, %mul3A_1647 : vector<16xi32>
    %add3A_1649 = vector.broadcast %add3A_1642 : i32 to vector<16xi32>
    %add3A_1650 = arith.addi %mul3A_1648, %add3A_1649 : vector<16xi32>
    %gather3A_1651 = tpu.vector_load_idx %arg5[%add3A_1650] : memref<1280xi32, #tpu.memory_space<vmem>>[vector<16xi32>], vector<16xi32>,
    %mul3A_1652 = arith.constant 1024000 : i32
    %mul3A_1653 = arith.muli %add3A_1642, %mul3A_1652 : i32
    %shift_right_arithmetic3A_1654 = arith.constant 1 : i32
    %shift_right_arithmetic3A_1655 = arith.shrsi %arg1, %shift_right_arithmetic3A_1654 : i32
    %mul3A_1656 = arith.constant 1024 : i32
    %mul3A_1657 = arith.muli %shift_right_arithmetic3A_1655, %mul3A_1656 : i32
    %add3A_1658 = arith.addi %mul3A_1653, %mul3A_1657 : i32
    %and3A_1659 = arith.constant 1 : i32
    %and3A_1660 = arith.andi %arg1, %and3A_1659 : i32
    %mul3A_1661 = arith.constant 64 : i32
    %mul3A_1662 = arith.muli %and3A_1660, %mul3A_1661 : i32
    %add3A_1663 = arith.addi %add3A_1658, %mul3A_1662 : i32
    %add3A_1664 = arith.constant 0 : i32
    %add3A_1665 = arith.addi %add3A_1663, %add3A_1664 : i32
    %shift_right_arithmetic3A_1666 = arith.constant 3 : i32
    %shift_right_arithmetic3A_1667 = vector.broadcast %shift_right_arithmetic3A_1666 : i32 to vector<16xi32>
    %shift_right_arithmetic3A_1668 = arith.shrsi %gather3A_1651, %shift_right_arithmetic3A_1667 : vector<16xi32>
    %mul3A_1669 = arith.constant 8192 : i32
    %mul3A_1670 = vector.broadcast %mul3A_1669 : i32 to vector<16xi32>
    %mul3A_1671 = arith.muli %shift_right_arithmetic3A_1668, %mul3A_1670 : vector<16xi32>
    %add3A_1672 = vector.broadcast %add3A_1665 : i32 to vector<16xi32>
    %add3A_1673 = arith.addi %add3A_1672, %mul3A_1671 : vector<16xi32>
    %and3A_1674 = arith.constant 7 : i32
    %and3A_1675 = vector.broadcast %and3A_1674 : i32 to vector<16xi32>
    %and3A_1676 = arith.andi %gather3A_1651, %and3A_1675 : vector<16xi32>
    %mul3A_1677 = arith.constant 128 : i32
    %mul3A_1678 = vector.broadcast %mul3A_1677 : i32 to vector<16xi32>
    %mul3A_1679 = arith.muli %and3A_1676, %mul3A_1678 : vector<16xi32>
    %add3A_1680 = arith.addi %add3A_1673, %mul3A_1679 : vector<16xi32>
    %add3A_1681 = arith.addi %add3A_1680, %iota3A : vector<16xi32>
    %swap3A_1682 = arith.constant 9 : i32
    %swap3A_1683 = arith.index_cast %swap3A_1682 : i32 to index
    %swap3A_1684 = arith.constant 0 : index
    %swap3A_1685 = tpu.vector_load %arg6[%swap3A_1683, %swap3A_1684] {strides = array<i32>} : memref<10x64xi32, #tpu.memory_space<vmem>>, vector<16xi32>,
    tpu.vector_store %arg6[%swap3A_1683, %swap3A_1684], %add3A_1681 {strides = array<i32>} : memref<10x64xi32, #tpu.memory_space<vmem>>, vector<16xi32>,
    %add3A_1686 = arith.constant 16 : i32
    %add3A_1687 = vector.broadcast %add3A_1686 : i32 to vector<16xi32>
    %add3A_1688 = arith.addi %add3A_1687, %iota3A : vector<16xi32>
    %mul3A_1689 = arith.constant 20 : i32
    %mul3A_1690 = vector.broadcast %mul3A_1689 : i32 to vector<16xi32>
    %mul3A_1691 = arith.muli %add3A_1688, %mul3A_1690 : vector<16xi32>
    %add3A_1692 = vector.broadcast %add3A_1642 : i32 to vector<16xi32>
    %add3A_1693 = arith.addi %mul3A_1691, %add3A_1692 : vector<16xi32>
    %gather3A_1694 = tpu.vector_load_idx %arg5[%add3A_1693] : memref<1280xi32, #tpu.memory_space<vmem>>[vector<16xi32>], vector<16xi32>,
    %mul3A_1695 = arith.constant 1024000 : i32
    %mul3A_1696 = arith.muli %add3A_1642, %mul3A_1695 : i32
    %shift_right_arithmetic3A_1697 = arith.constant 1 : i32
    %shift_right_arithmetic3A_1698 = arith.shrsi %arg1, %shift_right_arithmetic3A_1697 : i32
    %mul3A_1699 = arith.constant 1024 : i32
    %mul3A_1700 = arith.muli %shift_right_arithmetic3A_1698, %mul3A_1699 : i32
    %add3A_1701 = arith.addi %mul3A_1696, %mul3A_1700 : i32
    %and3A_1702 = arith.constant 1 : i32
    %and3A_1703 = arith.andi %arg1, %and3A_1702 : i32
    %mul3A_1704 = arith.constant 64 : i32
    %mul3A_1705 = arith.muli %and3A_1703, %mul3A_1704 : i32
    %add3A_1706 = arith.addi %add3A_1701, %mul3A_1705 : i32
    %add3A_1707 = arith.constant 16 : i32
    %add3A_1708 = arith.addi %add3A_1706, %add3A_1707 : i32
    %shift_right_arithmetic3A_1709 = arith.constant 3 : i32
    %shift_right_arithmetic3A_1710 = vector.broadcast %shift_right_arithmetic3A_1709 : i32 to vector<16xi32>
    %shift_right_arithmetic3A_1711 = arith.shrsi %gather3A_1694, %shift_right_arithmetic3A_1710 : vector<16xi32>
    %mul3A_1712 = arith.constant 8192 : i32
    %mul3A_1713 = vector.broadcast %mul3A_1712 : i32 to vector<16xi32>
    %mul3A_1714 = arith.muli %shift_right_arithmetic3A_1711, %mul3A_1713 : vector<16xi32>
    %add3A_1715 = vector.broadcast %add3A_1708 : i32 to vector<16xi32>
    %add3A_1716 = arith.addi %add3A_1715, %mul3A_1714 : vector<16xi32>
    %and3A_1717 = arith.constant 7 : i32
    %and3A_1718 = vector.broadcast %and3A_1717 : i32 to vector<16xi32>
    %and3A_1719 = arith.andi %gather3A_1694, %and3A_1718 : vector<16xi32>
    %mul3A_1720 = arith.constant 128 : i32
    %mul3A_1721 = vector.broadcast %mul3A_1720 : i32 to vector<16xi32>
    %mul3A_1722 = arith.muli %and3A_1719, %mul3A_1721 : vector<16xi32>
    %add3A_1723 = arith.addi %add3A_1716, %mul3A_1722 : vector<16xi32>
    %add3A_1724 = arith.addi %add3A_1723, %iota3A : vector<16xi32>
    %swap3A_1725 = arith.constant 9 : i32
    %swap3A_1726 = arith.index_cast %swap3A_1725 : i32 to index
    %swap3A_1727 = arith.constant 16 : index
    %swap3A_1728 = tpu.vector_load %arg6[%swap3A_1726, %swap3A_1727] {strides = array<i32>} : memref<10x64xi32, #tpu.memory_space<vmem>>, vector<16xi32>,
    tpu.vector_store %arg6[%swap3A_1726, %swap3A_1727], %add3A_1724 {strides = array<i32>} : memref<10x64xi32, #tpu.memory_space<vmem>>, vector<16xi32>,
    %add3A_1729 = arith.constant 32 : i32
    %add3A_1730 = vector.broadcast %add3A_1729 : i32 to vector<16xi32>
    %add3A_1731 = arith.addi %add3A_1730, %iota3A : vector<16xi32>
    %mul3A_1732 = arith.constant 20 : i32
    %mul3A_1733 = vector.broadcast %mul3A_1732 : i32 to vector<16xi32>
    %mul3A_1734 = arith.muli %add3A_1731, %mul3A_1733 : vector<16xi32>
    %add3A_1735 = vector.broadcast %add3A_1642 : i32 to vector<16xi32>
    %add3A_1736 = arith.addi %mul3A_1734, %add3A_1735 : vector<16xi32>
    %gather3A_1737 = tpu.vector_load_idx %arg5[%add3A_1736] : memref<1280xi32, #tpu.memory_space<vmem>>[vector<16xi32>], vector<16xi32>,
    %mul3A_1738 = arith.constant 1024000 : i32
    %mul3A_1739 = arith.muli %add3A_1642, %mul3A_1738 : i32
    %shift_right_arithmetic3A_1740 = arith.constant 1 : i32
    %shift_right_arithmetic3A_1741 = arith.shrsi %arg1, %shift_right_arithmetic3A_1740 : i32
    %mul3A_1742 = arith.constant 1024 : i32
    %mul3A_1743 = arith.muli %shift_right_arithmetic3A_1741, %mul3A_1742 : i32
    %add3A_1744 = arith.addi %mul3A_1739, %mul3A_1743 : i32
    %and3A_1745 = arith.constant 1 : i32
    %and3A_1746 = arith.andi %arg1, %and3A_1745 : i32
    %mul3A_1747 = arith.constant 64 : i32
    %mul3A_1748 = arith.muli %and3A_1746, %mul3A_1747 : i32
    %add3A_1749 = arith.addi %add3A_1744, %mul3A_1748 : i32
    %add3A_1750 = arith.constant 32 : i32
    %add3A_1751 = arith.addi %add3A_1749, %add3A_1750 : i32
    %shift_right_arithmetic3A_1752 = arith.constant 3 : i32
    %shift_right_arithmetic3A_1753 = vector.broadcast %shift_right_arithmetic3A_1752 : i32 to vector<16xi32>
    %shift_right_arithmetic3A_1754 = arith.shrsi %gather3A_1737, %shift_right_arithmetic3A_1753 : vector<16xi32>
    %mul3A_1755 = arith.constant 8192 : i32
    %mul3A_1756 = vector.broadcast %mul3A_1755 : i32 to vector<16xi32>
    %mul3A_1757 = arith.muli %shift_right_arithmetic3A_1754, %mul3A_1756 : vector<16xi32>
    %add3A_1758 = vector.broadcast %add3A_1751 : i32 to vector<16xi32>
    %add3A_1759 = arith.addi %add3A_1758, %mul3A_1757 : vector<16xi32>
    %and3A_1760 = arith.constant 7 : i32
    %and3A_1761 = vector.broadcast %and3A_1760 : i32 to vector<16xi32>
    %and3A_1762 = arith.andi %gather3A_1737, %and3A_1761 : vector<16xi32>
    %mul3A_1763 = arith.constant 128 : i32
    %mul3A_1764 = vector.broadcast %mul3A_1763 : i32 to vector<16xi32>
    %mul3A_1765 = arith.muli %and3A_1762, %mul3A_1764 : vector<16xi32>
    %add3A_1766 = arith.addi %add3A_1759, %mul3A_1765 : vector<16xi32>
    %add3A_1767 = arith.addi %add3A_1766, %iota3A : vector<16xi32>
    %swap3A_1768 = arith.constant 9 : i32
    %swap3A_1769 = arith.index_cast %swap3A_1768 : i32 to index
    %swap3A_1770 = arith.constant 32 : index
    %swap3A_1771 = tpu.vector_load %arg6[%swap3A_1769, %swap3A_1770] {strides = array<i32>} : memref<10x64xi32, #tpu.memory_space<vmem>>, vector<16xi32>,
    tpu.vector_store %arg6[%swap3A_1769, %swap3A_1770], %add3A_1767 {strides = array<i32>} : memref<10x64xi32, #tpu.memory_space<vmem>>, vector<16xi32>,
    %add3A_1772 = arith.constant 48 : i32
    %add3A_1773 = vector.broadcast %add3A_1772 : i32 to vector<16xi32>
    %add3A_1774 = arith.addi %add3A_1773, %iota3A : vector<16xi32>
    %mul3A_1775 = arith.constant 20 : i32
    %mul3A_1776 = vector.broadcast %mul3A_1775 : i32 to vector<16xi32>
    %mul3A_1777 = arith.muli %add3A_1774, %mul3A_1776 : vector<16xi32>
    %add3A_1778 = vector.broadcast %add3A_1642 : i32 to vector<16xi32>
    %add3A_1779 = arith.addi %mul3A_1777, %add3A_1778 : vector<16xi32>
    %gather3A_1780 = tpu.vector_load_idx %arg5[%add3A_1779] : memref<1280xi32, #tpu.memory_space<vmem>>[vector<16xi32>], vector<16xi32>,
    %mul3A_1781 = arith.constant 1024000 : i32
    %mul3A_1782 = arith.muli %add3A_1642, %mul3A_1781 : i32
    %shift_right_arithmetic3A_1783 = arith.constant 1 : i32
    %shift_right_arithmetic3A_1784 = arith.shrsi %arg1, %shift_right_arithmetic3A_1783 : i32
    %mul3A_1785 = arith.constant 1024 : i32
    %mul3A_1786 = arith.muli %shift_right_arithmetic3A_1784, %mul3A_1785 : i32
    %add3A_1787 = arith.addi %mul3A_1782, %mul3A_1786 : i32
    %and3A_1788 = arith.constant 1 : i32
    %and3A_1789 = arith.andi %arg1, %and3A_1788 : i32
    %mul3A_1790 = arith.constant 64 : i32
    %mul3A_1791 = arith.muli %and3A_1789, %mul3A_1790 : i32
    %add3A_1792 = arith.addi %add3A_1787, %mul3A_1791 : i32
    %add3A_1793 = arith.constant 48 : i32
    %add3A_1794 = arith.addi %add3A_1792, %add3A_1793 : i32
    %shift_right_arithmetic3A_1795 = arith.constant 3 : i32
    %shift_right_arithmetic3A_1796 = vector.broadcast %shift_right_arithmetic3A_1795 : i32 to vector<16xi32>
    %shift_right_arithmetic3A_1797 = arith.shrsi %gather3A_1780, %shift_right_arithmetic3A_1796 : vector<16xi32>
    %mul3A_1798 = arith.constant 8192 : i32
    %mul3A_1799 = vector.broadcast %mul3A_1798 : i32 to vector<16xi32>
    %mul3A_1800 = arith.muli %shift_right_arithmetic3A_1797, %mul3A_1799 : vector<16xi32>
    %add3A_1801 = vector.broadcast %add3A_1794 : i32 to vector<16xi32>
    %add3A_1802 = arith.addi %add3A_1801, %mul3A_1800 : vector<16xi32>
    %and3A_1803 = arith.constant 7 : i32
    %and3A_1804 = vector.broadcast %and3A_1803 : i32 to vector<16xi32>
    %and3A_1805 = arith.andi %gather3A_1780, %and3A_1804 : vector<16xi32>
    %mul3A_1806 = arith.constant 128 : i32
    %mul3A_1807 = vector.broadcast %mul3A_1806 : i32 to vector<16xi32>
    %mul3A_1808 = arith.muli %and3A_1805, %mul3A_1807 : vector<16xi32>
    %add3A_1809 = arith.addi %add3A_1802, %mul3A_1808 : vector<16xi32>
    %add3A_1810 = arith.addi %add3A_1809, %iota3A : vector<16xi32>
    %swap3A_1811 = arith.constant 9 : i32
    %swap3A_1812 = arith.index_cast %swap3A_1811 : i32 to index
    %swap3A_1813 = arith.constant 48 : index
    %swap3A_1814 = tpu.vector_load %arg6[%swap3A_1812, %swap3A_1813] {strides = array<i32>} : memref<10x64xi32, #tpu.memory_space<vmem>>, vector<16xi32>,
    tpu.vector_store %arg6[%swap3A_1812, %swap3A_1813], %add3A_1810 {strides = array<i32>} : memref<10x64xi32, #tpu.memory_space<vmem>>, vector<16xi32>,
    %dma_wait3A = tpu.memref_slice %arg4[%add3A_6] : memref<20480000xf32, #tpu.memory_space<hbm>> -> memref<32000xf32, #tpu.memory_space<hbm>>
    %dma_wait3A_1815 = tpu.memref_slice %arg4[%add3A_6] : memref<20480000xf32, #tpu.memory_space<hbm>> -> memref<32000xf32, #tpu.memory_space<hbm>>
    tpu.wait_dma2 semaphore(%arg9 : memref<!tpu.dma_semaphore, #tpu.memory_space<semaphore_mem>>) src(%arg8 : memref<32000xf32, #tpu.memory_space<vmem>>) dst(%dma_wait3A_1815 : memref<32000xf32, #tpu.memory_space<hbm>>)
    %dma_wait3A_1816 = tpu.memref_slice %arg4[%add3A_9] : memref<20480000xf32, #tpu.memory_space<hbm>> -> memref<32000xf32, #tpu.memory_space<hbm>>
    %dma_wait3A_1817 = tpu.memref_slice %arg4[%add3A_9] : memref<20480000xf32, #tpu.memory_space<hbm>> -> memref<32000xf32, #tpu.memory_space<hbm>>
    tpu.wait_dma2 semaphore(%arg9 : memref<!tpu.dma_semaphore, #tpu.memory_space<semaphore_mem>>) src(%arg8 : memref<32000xf32, #tpu.memory_space<vmem>>) dst(%dma_wait3A_1817 : memref<32000xf32, #tpu.memory_space<hbm>>)
    %barrier3A = arith.constant 0 : index
    tpu.barrier barrier_id(%barrier3A)
    %dma_start3A_1818 = arith.constant 0 : i32
    %dma_start3A_1819 = arith.constant 0 : i32
    %dma_start3A_1820 = tpu.memref_slice %arg6[%dma_start3A_1818, %dma_start3A_1819] : memref<10x64xi32, #tpu.memory_space<vmem>> -> memref<1x64xi32, #tpu.memory_space<vmem>>
    %dma_start3A_1821 = tpu.memref_squeeze %dma_start3A_1820 : memref<1x64xi32, #tpu.memory_space<vmem>> -> memref<64xi32, #tpu.memory_space<vmem>>
    %dma_start3A_1822 = arith.constant 0 : i32
    %dma_start3A_1823 = tpu.memref_slice %arg4[%dma_start3A_1822] : memref<20480000xf32, #tpu.memory_space<hbm>> -> memref<20480000xf32, #tpu.memory_space<hbm>>
    tpu.enqueue_indirect_dma source(%arg7 : memref<64xf32, #tpu.memory_space<vmem>>) target(%dma_start3A_1823 : memref<20480000xf32, #tpu.memory_space<hbm>>) offsets(%dma_start3A_1821 : memref<64xi32, #tpu.memory_space<vmem>>) semaphore(%arg12 : memref<!tpu.dma_semaphore, #tpu.memory_space<semaphore_mem>>)
    %mul3A_1824 = arith.constant 10240000 : i32
    %mul3A_1825 = arith.muli %arg0, %mul3A_1824 : i32
    %add3A_1826 = arith.constant 3072000 : i32
    %add3A_1827 = arith.addi %mul3A_1825, %add3A_1826 : i32
    %mul3A_1828 = arith.constant 64000 : i32
    %mul3A_1829 = arith.muli %arg1, %mul3A_1828 : i32
    %add3A_1830 = arith.addi %add3A_1827, %mul3A_1829 : i32
    %add3A_1831 = arith.constant 0 : i32
    %add3A_1832 = arith.addi %add3A_1830, %add3A_1831 : i32
    %dma_start3A_1833 = tpu.memref_slice %arg4[%add3A_1832] : memref<20480000xf32, #tpu.memory_space<hbm>> -> memref<32000xf32, #tpu.memory_space<hbm>>
    %dma_start3A_1834 = tpu.memref_slice %arg4[%add3A_1832] : memref<20480000xf32, #tpu.memory_space<hbm>> -> memref<32000xf32, #tpu.memory_space<hbm>>
    tpu.enqueue_dma source(%arg8 : memref<32000xf32, #tpu.memory_space<vmem>>) target(%dma_start3A_1834 : memref<32000xf32, #tpu.memory_space<hbm>>) target_semaphore(%arg9 : memref<!tpu.dma_semaphore, #tpu.memory_space<semaphore_mem>>)
    %add3A_1835 = arith.constant 32000 : i32
    %add3A_1836 = arith.addi %add3A_1830, %add3A_1835 : i32
    %dma_start3A_1837 = tpu.memref_slice %arg4[%add3A_1836] : memref<20480000xf32, #tpu.memory_space<hbm>> -> memref<32000xf32, #tpu.memory_space<hbm>>
    %dma_start3A_1838 = tpu.memref_slice %arg4[%add3A_1836] : memref<20480000xf32, #tpu.memory_space<hbm>> -> memref<32000xf32, #tpu.memory_space<hbm>>
    tpu.enqueue_dma source(%arg8 : memref<32000xf32, #tpu.memory_space<vmem>>) target(%dma_start3A_1838 : memref<32000xf32, #tpu.memory_space<hbm>>) target_semaphore(%arg9 : memref<!tpu.dma_semaphore, #tpu.memory_space<semaphore_mem>>)
    %dma_wait3A_1839 = tpu.memref_slice %arg4[%add3A_20] : memref<20480000xf32, #tpu.memory_space<hbm>> -> memref<32000xf32, #tpu.memory_space<hbm>>
    %dma_wait3A_1840 = tpu.memref_slice %arg4[%add3A_20] : memref<20480000xf32, #tpu.memory_space<hbm>> -> memref<32000xf32, #tpu.memory_space<hbm>>
    tpu.wait_dma2 semaphore(%arg10 : memref<!tpu.dma_semaphore, #tpu.memory_space<semaphore_mem>>) src(%arg8 : memref<32000xf32, #tpu.memory_space<vmem>>) dst(%dma_wait3A_1840 : memref<32000xf32, #tpu.memory_space<hbm>>)
    %dma_wait3A_1841 = tpu.memref_slice %arg4[%add3A_24] : memref<20480000xf32, #tpu.memory_space<hbm>> -> memref<32000xf32, #tpu.memory_space<hbm>>
    %dma_wait3A_1842 = tpu.memref_slice %arg4[%add3A_24] : memref<20480000xf32, #tpu.memory_space<hbm>> -> memref<32000xf32, #tpu.memory_space<hbm>>
    tpu.wait_dma2 semaphore(%arg10 : memref<!tpu.dma_semaphore, #tpu.memory_space<semaphore_mem>>) src(%arg8 : memref<32000xf32, #tpu.memory_space<vmem>>) dst(%dma_wait3A_1842 : memref<32000xf32, #tpu.memory_space<hbm>>)
    %barrier3A_1843 = arith.constant 0 : index
    tpu.barrier barrier_id(%barrier3A_1843)
    %dma_start3A_1844 = arith.constant 1 : i32
    %dma_start3A_1845 = arith.constant 0 : i32
    %dma_start3A_1846 = tpu.memref_slice %arg6[%dma_start3A_1844, %dma_start3A_1845] : memref<10x64xi32, #tpu.memory_space<vmem>> -> memref<1x64xi32, #tpu.memory_space<vmem>>
    %dma_start3A_1847 = tpu.memref_squeeze %dma_start3A_1846 : memref<1x64xi32, #tpu.memory_space<vmem>> -> memref<64xi32, #tpu.memory_space<vmem>>
    %dma_start3A_1848 = arith.constant 0 : i32
    %dma_start3A_1849 = tpu.memref_slice %arg4[%dma_start3A_1848] : memref<20480000xf32, #tpu.memory_space<hbm>> -> memref<20480000xf32, #tpu.memory_space<hbm>>
    tpu.enqueue_indirect_dma source(%arg7 : memref<64xf32, #tpu.memory_space<vmem>>) target(%dma_start3A_1849 : memref<20480000xf32, #tpu.memory_space<hbm>>) offsets(%dma_start3A_1847 : memref<64xi32, #tpu.memory_space<vmem>>) semaphore(%arg12 : memref<!tpu.dma_semaphore, #tpu.memory_space<semaphore_mem>>)
    %mul3A_1850 = arith.constant 10240000 : i32
    %mul3A_1851 = arith.muli %arg0, %mul3A_1850 : i32
    %add3A_1852 = arith.constant 4096000 : i32
    %add3A_1853 = arith.addi %mul3A_1851, %add3A_1852 : i32
    %mul3A_1854 = arith.constant 64000 : i32
    %mul3A_1855 = arith.muli %arg1, %mul3A_1854 : i32
    %add3A_1856 = arith.addi %add3A_1853, %mul3A_1855 : i32
    %add3A_1857 = arith.constant 0 : i32
    %add3A_1858 = arith.addi %add3A_1856, %add3A_1857 : i32
    %dma_start3A_1859 = tpu.memref_slice %arg4[%add3A_1858] : memref<20480000xf32, #tpu.memory_space<hbm>> -> memref<32000xf32, #tpu.memory_space<hbm>>
    %dma_start3A_1860 = tpu.memref_slice %arg4[%add3A_1858] : memref<20480000xf32, #tpu.memory_space<hbm>> -> memref<32000xf32, #tpu.memory_space<hbm>>
    tpu.enqueue_dma source(%arg8 : memref<32000xf32, #tpu.memory_space<vmem>>) target(%dma_start3A_1860 : memref<32000xf32, #tpu.memory_space<hbm>>) target_semaphore(%arg10 : memref<!tpu.dma_semaphore, #tpu.memory_space<semaphore_mem>>)
    %add3A_1861 = arith.constant 32000 : i32
    %add3A_1862 = arith.addi %add3A_1856, %add3A_1861 : i32
    %dma_start3A_1863 = tpu.memref_slice %arg4[%add3A_1862] : memref<20480000xf32, #tpu.memory_space<hbm>> -> memref<32000xf32, #tpu.memory_space<hbm>>
    %dma_start3A_1864 = tpu.memref_slice %arg4[%add3A_1862] : memref<20480000xf32, #tpu.memory_space<hbm>> -> memref<32000xf32, #tpu.memory_space<hbm>>
    tpu.enqueue_dma source(%arg8 : memref<32000xf32, #tpu.memory_space<vmem>>) target(%dma_start3A_1864 : memref<32000xf32, #tpu.memory_space<hbm>>) target_semaphore(%arg10 : memref<!tpu.dma_semaphore, #tpu.memory_space<semaphore_mem>>)
    %dma_wait3A_1865 = tpu.memref_slice %arg4[%add3A_35] : memref<20480000xf32, #tpu.memory_space<hbm>> -> memref<32000xf32, #tpu.memory_space<hbm>>
    %dma_wait3A_1866 = tpu.memref_slice %arg4[%add3A_35] : memref<20480000xf32, #tpu.memory_space<hbm>> -> memref<32000xf32, #tpu.memory_space<hbm>>
    tpu.wait_dma2 semaphore(%arg11 : memref<!tpu.dma_semaphore, #tpu.memory_space<semaphore_mem>>) src(%arg8 : memref<32000xf32, #tpu.memory_space<vmem>>) dst(%dma_wait3A_1866 : memref<32000xf32, #tpu.memory_space<hbm>>)
    %dma_wait3A_1867 = tpu.memref_slice %arg4[%add3A_39] : memref<20480000xf32, #tpu.memory_space<hbm>> -> memref<32000xf32, #tpu.memory_space<hbm>>
    %dma_wait3A_1868 = tpu.memref_slice %arg4[%add3A_39] : memref<20480000xf32, #tpu.memory_space<hbm>> -> memref<32000xf32, #tpu.memory_space<hbm>>
    tpu.wait_dma2 semaphore(%arg11 : memref<!tpu.dma_semaphore, #tpu.memory_space<semaphore_mem>>) src(%arg8 : memref<32000xf32, #tpu.memory_space<vmem>>) dst(%dma_wait3A_1868 : memref<32000xf32, #tpu.memory_space<hbm>>)
    %barrier3A_1869 = arith.constant 0 : index
    tpu.barrier barrier_id(%barrier3A_1869)
    %dma_start3A_1870 = arith.constant 2 : i32
    %dma_start3A_1871 = arith.constant 0 : i32
    %dma_start3A_1872 = tpu.memref_slice %arg6[%dma_start3A_1870, %dma_start3A_1871] : memref<10x64xi32, #tpu.memory_space<vmem>> -> memref<1x64xi32, #tpu.memory_space<vmem>>
    %dma_start3A_1873 = tpu.memref_squeeze %dma_start3A_1872 : memref<1x64xi32, #tpu.memory_space<vmem>> -> memref<64xi32, #tpu.memory_space<vmem>>
    %dma_start3A_1874 = arith.constant 0 : i32
    %dma_start3A_1875 = tpu.memref_slice %arg4[%dma_start3A_1874] : memref<20480000xf32, #tpu.memory_space<hbm>> -> memref<20480000xf32, #tpu.memory_space<hbm>>
    tpu.enqueue_indirect_dma source(%arg7 : memref<64xf32, #tpu.memory_space<vmem>>) target(%dma_start3A_1875 : memref<20480000xf32, #tpu.memory_space<hbm>>) offsets(%dma_start3A_1873 : memref<64xi32, #tpu.memory_space<vmem>>) semaphore(%arg12 : memref<!tpu.dma_semaphore, #tpu.memory_space<semaphore_mem>>)
    %mul3A_1876 = arith.constant 10240000 : i32
    %mul3A_1877 = arith.muli %arg0, %mul3A_1876 : i32
    %add3A_1878 = arith.constant 5120000 : i32
    %add3A_1879 = arith.addi %mul3A_1877, %add3A_1878 : i32
    %mul3A_1880 = arith.constant 64000 : i32
    %mul3A_1881 = arith.muli %arg1, %mul3A_1880 : i32
    %add3A_1882 = arith.addi %add3A_1879, %mul3A_1881 : i32
    %add3A_1883 = arith.constant 0 : i32
    %add3A_1884 = arith.addi %add3A_1882, %add3A_1883 : i32
    %dma_start3A_1885 = tpu.memref_slice %arg4[%add3A_1884] : memref<20480000xf32, #tpu.memory_space<hbm>> -> memref<32000xf32, #tpu.memory_space<hbm>>
    %dma_start3A_1886 = tpu.memref_slice %arg4[%add3A_1884] : memref<20480000xf32, #tpu.memory_space<hbm>> -> memref<32000xf32, #tpu.memory_space<hbm>>
    tpu.enqueue_dma source(%arg8 : memref<32000xf32, #tpu.memory_space<vmem>>) target(%dma_start3A_1886 : memref<32000xf32, #tpu.memory_space<hbm>>) target_semaphore(%arg11 : memref<!tpu.dma_semaphore, #tpu.memory_space<semaphore_mem>>)
    %add3A_1887 = arith.constant 32000 : i32
    %add3A_1888 = arith.addi %add3A_1882, %add3A_1887 : i32
    %dma_start3A_1889 = tpu.memref_slice %arg4[%add3A_1888] : memref<20480000xf32, #tpu.memory_space<hbm>> -> memref<32000xf32, #tpu.memory_space<hbm>>
    %dma_start3A_1890 = tpu.memref_slice %arg4[%add3A_1888] : memref<20480000xf32, #tpu.memory_space<hbm>> -> memref<32000xf32, #tpu.memory_space<hbm>>
    tpu.enqueue_dma source(%arg8 : memref<32000xf32, #tpu.memory_space<vmem>>) target(%dma_start3A_1890 : memref<32000xf32, #tpu.memory_space<hbm>>) target_semaphore(%arg11 : memref<!tpu.dma_semaphore, #tpu.memory_space<semaphore_mem>>)
    %dma_wait3A_1891 = tpu.memref_slice %arg4[%add3A_1832] : memref<20480000xf32, #tpu.memory_space<hbm>> -> memref<32000xf32, #tpu.memory_space<hbm>>
    %dma_wait3A_1892 = tpu.memref_slice %arg4[%add3A_1832] : memref<20480000xf32, #tpu.memory_space<hbm>> -> memref<32000xf32, #tpu.memory_space<hbm>>
    tpu.wait_dma2 semaphore(%arg9 : memref<!tpu.dma_semaphore, #tpu.memory_space<semaphore_mem>>) src(%arg8 : memref<32000xf32, #tpu.memory_space<vmem>>) dst(%dma_wait3A_1892 : memref<32000xf32, #tpu.memory_space<hbm>>)
    %dma_wait3A_1893 = tpu.memref_slice %arg4[%add3A_1836] : memref<20480000xf32, #tpu.memory_space<hbm>> -> memref<32000xf32, #tpu.memory_space<hbm>>
    %dma_wait3A_1894 = tpu.memref_slice %arg4[%add3A_1836] : memref<20480000xf32, #tpu.memory_space<hbm>> -> memref<32000xf32, #tpu.memory_space<hbm>>
    tpu.wait_dma2 semaphore(%arg9 : memref<!tpu.dma_semaphore, #tpu.memory_space<semaphore_mem>>) src(%arg8 : memref<32000xf32, #tpu.memory_space<vmem>>) dst(%dma_wait3A_1894 : memref<32000xf32, #tpu.memory_space<hbm>>)
    %barrier3A_1895 = arith.constant 0 : index
    tpu.barrier barrier_id(%barrier3A_1895)
    %dma_start3A_1896 = arith.constant 3 : i32
    %dma_start3A_1897 = arith.constant 0 : i32
    %dma_start3A_1898 = tpu.memref_slice %arg6[%dma_start3A_1896, %dma_start3A_1897] : memref<10x64xi32, #tpu.memory_space<vmem>> -> memref<1x64xi32, #tpu.memory_space<vmem>>
    %dma_start3A_1899 = tpu.memref_squeeze %dma_start3A_1898 : memref<1x64xi32, #tpu.memory_space<vmem>> -> memref<64xi32, #tpu.memory_space<vmem>>
    %dma_start3A_1900 = arith.constant 0 : i32
    %dma_start3A_1901 = tpu.memref_slice %arg4[%dma_start3A_1900] : memref<20480000xf32, #tpu.memory_space<hbm>> -> memref<20480000xf32, #tpu.memory_space<hbm>>
    tpu.enqueue_indirect_dma source(%arg7 : memref<64xf32, #tpu.memory_space<vmem>>) target(%dma_start3A_1901 : memref<20480000xf32, #tpu.memory_space<hbm>>) offsets(%dma_start3A_1899 : memref<64xi32, #tpu.memory_space<vmem>>) semaphore(%arg12 : memref<!tpu.dma_semaphore, #tpu.memory_space<semaphore_mem>>)
    %mul3A_1902 = arith.constant 10240000 : i32
    %mul3A_1903 = arith.muli %arg0, %mul3A_1902 : i32
    %add3A_1904 = arith.constant 6144000 : i32
    %add3A_1905 = arith.addi %mul3A_1903, %add3A_1904 : i32
    %mul3A_1906 = arith.constant 64000 : i32
    %mul3A_1907 = arith.muli %arg1, %mul3A_1906 : i32
    %add3A_1908 = arith.addi %add3A_1905, %mul3A_1907 : i32
    %add3A_1909 = arith.constant 0 : i32
    %add3A_1910 = arith.addi %add3A_1908, %add3A_1909 : i32
    %dma_start3A_1911 = tpu.memref_slice %arg4[%add3A_1910] : memref<20480000xf32, #tpu.memory_space<hbm>> -> memref<32000xf32, #tpu.memory_space<hbm>>
    %dma_start3A_1912 = tpu.memref_slice %arg4[%add3A_1910] : memref<20480000xf32, #tpu.memory_space<hbm>> -> memref<32000xf32, #tpu.memory_space<hbm>>
    tpu.enqueue_dma source(%arg8 : memref<32000xf32, #tpu.memory_space<vmem>>) target(%dma_start3A_1912 : memref<32000xf32, #tpu.memory_space<hbm>>) target_semaphore(%arg9 : memref<!tpu.dma_semaphore, #tpu.memory_space<semaphore_mem>>)
    %add3A_1913 = arith.constant 32000 : i32
    %add3A_1914 = arith.addi %add3A_1908, %add3A_1913 : i32
    %dma_start3A_1915 = tpu.memref_slice %arg4[%add3A_1914] : memref<20480000xf32, #tpu.memory_space<hbm>> -> memref<32000xf32, #tpu.memory_space<hbm>>
    %dma_start3A_1916 = tpu.memref_slice %arg4[%add3A_1914] : memref<20480000xf32, #tpu.memory_space<hbm>> -> memref<32000xf32, #tpu.memory_space<hbm>>
    tpu.enqueue_dma source(%arg8 : memref<32000xf32, #tpu.memory_space<vmem>>) target(%dma_start3A_1916 : memref<32000xf32, #tpu.memory_space<hbm>>) target_semaphore(%arg9 : memref<!tpu.dma_semaphore, #tpu.memory_space<semaphore_mem>>)
    %dma_wait3A_1917 = tpu.memref_slice %arg4[%add3A_1858] : memref<20480000xf32, #tpu.memory_space<hbm>> -> memref<32000xf32, #tpu.memory_space<hbm>>
    %dma_wait3A_1918 = tpu.memref_slice %arg4[%add3A_1858] : memref<20480000xf32, #tpu.memory_space<hbm>> -> memref<32000xf32, #tpu.memory_space<hbm>>
    tpu.wait_dma2 semaphore(%arg10 : memref<!tpu.dma_semaphore, #tpu.memory_space<semaphore_mem>>) src(%arg8 : memref<32000xf32, #tpu.memory_space<vmem>>) dst(%dma_wait3A_1918 : memref<32000xf32, #tpu.memory_space<hbm>>)
    %dma_wait3A_1919 = tpu.memref_slice %arg4[%add3A_1862] : memref<20480000xf32, #tpu.memory_space<hbm>> -> memref<32000xf32, #tpu.memory_space<hbm>>
    %dma_wait3A_1920 = tpu.memref_slice %arg4[%add3A_1862] : memref<20480000xf32, #tpu.memory_space<hbm>> -> memref<32000xf32, #tpu.memory_space<hbm>>
    tpu.wait_dma2 semaphore(%arg10 : memref<!tpu.dma_semaphore, #tpu.memory_space<semaphore_mem>>) src(%arg8 : memref<32000xf32, #tpu.memory_space<vmem>>) dst(%dma_wait3A_1920 : memref<32000xf32, #tpu.memory_space<hbm>>)
    %barrier3A_1921 = arith.constant 0 : index
    tpu.barrier barrier_id(%barrier3A_1921)
    %dma_start3A_1922 = arith.constant 4 : i32
    %dma_start3A_1923 = arith.constant 0 : i32
    %dma_start3A_1924 = tpu.memref_slice %arg6[%dma_start3A_1922, %dma_start3A_1923] : memref<10x64xi32, #tpu.memory_space<vmem>> -> memref<1x64xi32, #tpu.memory_space<vmem>>
    %dma_start3A_1925 = tpu.memref_squeeze %dma_start3A_1924 : memref<1x64xi32, #tpu.memory_space<vmem>> -> memref<64xi32, #tpu.memory_space<vmem>>
    %dma_start3A_1926 = arith.constant 0 : i32
    %dma_start3A_1927 = tpu.memref_slice %arg4[%dma_start3A_1926] : memref<20480000xf32, #tpu.memory_space<hbm>> -> memref<20480000xf32, #tpu.memory_space<hbm>>
    tpu.enqueue_indirect_dma source(%arg7 : memref<64xf32, #tpu.memory_space<vmem>>) target(%dma_start3A_1927 : memref<20480000xf32, #tpu.memory_space<hbm>>) offsets(%dma_start3A_1925 : memref<64xi32, #tpu.memory_space<vmem>>) semaphore(%arg12 : memref<!tpu.dma_semaphore, #tpu.memory_space<semaphore_mem>>)
    %mul3A_1928 = arith.constant 10240000 : i32
    %mul3A_1929 = arith.muli %arg0, %mul3A_1928 : i32
    %add3A_1930 = arith.constant 7168000 : i32
    %add3A_1931 = arith.addi %mul3A_1929, %add3A_1930 : i32
    %mul3A_1932 = arith.constant 64000 : i32
    %mul3A_1933 = arith.muli %arg1, %mul3A_1932 : i32
    %add3A_1934 = arith.addi %add3A_1931, %mul3A_1933 : i32
    %add3A_1935 = arith.constant 0 : i32
    %add3A_1936 = arith.addi %add3A_1934, %add3A_1935 : i32
    %dma_start3A_1937 = tpu.memref_slice %arg4[%add3A_1936] : memref<20480000xf32, #tpu.memory_space<hbm>> -> memref<32000xf32, #tpu.memory_space<hbm>>
    %dma_start3A_1938 = tpu.memref_slice %arg4[%add3A_1936] : memref<20480000xf32, #tpu.memory_space<hbm>> -> memref<32000xf32, #tpu.memory_space<hbm>>
    tpu.enqueue_dma source(%arg8 : memref<32000xf32, #tpu.memory_space<vmem>>) target(%dma_start3A_1938 : memref<32000xf32, #tpu.memory_space<hbm>>) target_semaphore(%arg10 : memref<!tpu.dma_semaphore, #tpu.memory_space<semaphore_mem>>)
    %add3A_1939 = arith.constant 32000 : i32
    %add3A_1940 = arith.addi %add3A_1934, %add3A_1939 : i32
    %dma_start3A_1941 = tpu.memref_slice %arg4[%add3A_1940] : memref<20480000xf32, #tpu.memory_space<hbm>> -> memref<32000xf32, #tpu.memory_space<hbm>>
    %dma_start3A_1942 = tpu.memref_slice %arg4[%add3A_1940] : memref<20480000xf32, #tpu.memory_space<hbm>> -> memref<32000xf32, #tpu.memory_space<hbm>>
    tpu.enqueue_dma source(%arg8 : memref<32000xf32, #tpu.memory_space<vmem>>) target(%dma_start3A_1942 : memref<32000xf32, #tpu.memory_space<hbm>>) target_semaphore(%arg10 : memref<!tpu.dma_semaphore, #tpu.memory_space<semaphore_mem>>)
    %dma_wait3A_1943 = tpu.memref_slice %arg4[%add3A_1884] : memref<20480000xf32, #tpu.memory_space<hbm>> -> memref<32000xf32, #tpu.memory_space<hbm>>
    %dma_wait3A_1944 = tpu.memref_slice %arg4[%add3A_1884] : memref<20480000xf32, #tpu.memory_space<hbm>> -> memref<32000xf32, #tpu.memory_space<hbm>>
    tpu.wait_dma2 semaphore(%arg11 : memref<!tpu.dma_semaphore, #tpu.memory_space<semaphore_mem>>) src(%arg8 : memref<32000xf32, #tpu.memory_space<vmem>>) dst(%dma_wait3A_1944 : memref<32000xf32, #tpu.memory_space<hbm>>)
    %dma_wait3A_1945 = tpu.memref_slice %arg4[%add3A_1888] : memref<20480000xf32, #tpu.memory_space<hbm>> -> memref<32000xf32, #tpu.memory_space<hbm>>
    %dma_wait3A_1946 = tpu.memref_slice %arg4[%add3A_1888] : memref<20480000xf32, #tpu.memory_space<hbm>> -> memref<32000xf32, #tpu.memory_space<hbm>>
    tpu.wait_dma2 semaphore(%arg11 : memref<!tpu.dma_semaphore, #tpu.memory_space<semaphore_mem>>) src(%arg8 : memref<32000xf32, #tpu.memory_space<vmem>>) dst(%dma_wait3A_1946 : memref<32000xf32, #tpu.memory_space<hbm>>)
    %barrier3A_1947 = arith.constant 0 : index
    tpu.barrier barrier_id(%barrier3A_1947)
    %dma_start3A_1948 = arith.constant 5 : i32
    %dma_start3A_1949 = arith.constant 0 : i32
    %dma_start3A_1950 = tpu.memref_slice %arg6[%dma_start3A_1948, %dma_start3A_1949] : memref<10x64xi32, #tpu.memory_space<vmem>> -> memref<1x64xi32, #tpu.memory_space<vmem>>
    %dma_start3A_1951 = tpu.memref_squeeze %dma_start3A_1950 : memref<1x64xi32, #tpu.memory_space<vmem>> -> memref<64xi32, #tpu.memory_space<vmem>>
    %dma_start3A_1952 = arith.constant 0 : i32
    %dma_start3A_1953 = tpu.memref_slice %arg4[%dma_start3A_1952] : memref<20480000xf32, #tpu.memory_space<hbm>> -> memref<20480000xf32, #tpu.memory_space<hbm>>
    tpu.enqueue_indirect_dma source(%arg7 : memref<64xf32, #tpu.memory_space<vmem>>) target(%dma_start3A_1953 : memref<20480000xf32, #tpu.memory_space<hbm>>) offsets(%dma_start3A_1951 : memref<64xi32, #tpu.memory_space<vmem>>) semaphore(%arg12 : memref<!tpu.dma_semaphore, #tpu.memory_space<semaphore_mem>>)
    %mul3A_1954 = arith.constant 10240000 : i32
    %mul3A_1955 = arith.muli %arg0, %mul3A_1954 : i32
    %add3A_1956 = arith.constant 8192000 : i32
    %add3A_1957 = arith.addi %mul3A_1955, %add3A_1956 : i32
    %mul3A_1958 = arith.constant 64000 : i32
    %mul3A_1959 = arith.muli %arg1, %mul3A_1958 : i32
    %add3A_1960 = arith.addi %add3A_1957, %mul3A_1959 : i32
    %add3A_1961 = arith.constant 0 : i32
    %add3A_1962 = arith.addi %add3A_1960, %add3A_1961 : i32
    %dma_start3A_1963 = tpu.memref_slice %arg4[%add3A_1962] : memref<20480000xf32, #tpu.memory_space<hbm>> -> memref<32000xf32, #tpu.memory_space<hbm>>
    %dma_start3A_1964 = tpu.memref_slice %arg4[%add3A_1962] : memref<20480000xf32, #tpu.memory_space<hbm>> -> memref<32000xf32, #tpu.memory_space<hbm>>
    tpu.enqueue_dma source(%arg8 : memref<32000xf32, #tpu.memory_space<vmem>>) target(%dma_start3A_1964 : memref<32000xf32, #tpu.memory_space<hbm>>) target_semaphore(%arg11 : memref<!tpu.dma_semaphore, #tpu.memory_space<semaphore_mem>>)
    %add3A_1965 = arith.constant 32000 : i32
    %add3A_1966 = arith.addi %add3A_1960, %add3A_1965 : i32
    %dma_start3A_1967 = tpu.memref_slice %arg4[%add3A_1966] : memref<20480000xf32, #tpu.memory_space<hbm>> -> memref<32000xf32, #tpu.memory_space<hbm>>
    %dma_start3A_1968 = tpu.memref_slice %arg4[%add3A_1966] : memref<20480000xf32, #tpu.memory_space<hbm>> -> memref<32000xf32, #tpu.memory_space<hbm>>
    tpu.enqueue_dma source(%arg8 : memref<32000xf32, #tpu.memory_space<vmem>>) target(%dma_start3A_1968 : memref<32000xf32, #tpu.memory_space<hbm>>) target_semaphore(%arg11 : memref<!tpu.dma_semaphore, #tpu.memory_space<semaphore_mem>>)
    %dma_wait3A_1969 = tpu.memref_slice %arg4[%add3A_1910] : memref<20480000xf32, #tpu.memory_space<hbm>> -> memref<32000xf32, #tpu.memory_space<hbm>>
    %dma_wait3A_1970 = tpu.memref_slice %arg4[%add3A_1910] : memref<20480000xf32, #tpu.memory_space<hbm>> -> memref<32000xf32, #tpu.memory_space<hbm>>
    tpu.wait_dma2 semaphore(%arg9 : memref<!tpu.dma_semaphore, #tpu.memory_space<semaphore_mem>>) src(%arg8 : memref<32000xf32, #tpu.memory_space<vmem>>) dst(%dma_wait3A_1970 : memref<32000xf32, #tpu.memory_space<hbm>>)
    %dma_wait3A_1971 = tpu.memref_slice %arg4[%add3A_1914] : memref<20480000xf32, #tpu.memory_space<hbm>> -> memref<32000xf32, #tpu.memory_space<hbm>>
    %dma_wait3A_1972 = tpu.memref_slice %arg4[%add3A_1914] : memref<20480000xf32, #tpu.memory_space<hbm>> -> memref<32000xf32, #tpu.memory_space<hbm>>
    tpu.wait_dma2 semaphore(%arg9 : memref<!tpu.dma_semaphore, #tpu.memory_space<semaphore_mem>>) src(%arg8 : memref<32000xf32, #tpu.memory_space<vmem>>) dst(%dma_wait3A_1972 : memref<32000xf32, #tpu.memory_space<hbm>>)
    %barrier3A_1973 = arith.constant 0 : index
    tpu.barrier barrier_id(%barrier3A_1973)
    %dma_start3A_1974 = arith.constant 6 : i32
    %dma_start3A_1975 = arith.constant 0 : i32
    %dma_start3A_1976 = tpu.memref_slice %arg6[%dma_start3A_1974, %dma_start3A_1975] : memref<10x64xi32, #tpu.memory_space<vmem>> -> memref<1x64xi32, #tpu.memory_space<vmem>>
    %dma_start3A_1977 = tpu.memref_squeeze %dma_start3A_1976 : memref<1x64xi32, #tpu.memory_space<vmem>> -> memref<64xi32, #tpu.memory_space<vmem>>
    %dma_start3A_1978 = arith.constant 0 : i32
    %dma_start3A_1979 = tpu.memref_slice %arg4[%dma_start3A_1978] : memref<20480000xf32, #tpu.memory_space<hbm>> -> memref<20480000xf32, #tpu.memory_space<hbm>>
    tpu.enqueue_indirect_dma source(%arg7 : memref<64xf32, #tpu.memory_space<vmem>>) target(%dma_start3A_1979 : memref<20480000xf32, #tpu.memory_space<hbm>>) offsets(%dma_start3A_1977 : memref<64xi32, #tpu.memory_space<vmem>>) semaphore(%arg12 : memref<!tpu.dma_semaphore, #tpu.memory_space<semaphore_mem>>)
    %mul3A_1980 = arith.constant 10240000 : i32
    %mul3A_1981 = arith.muli %arg0, %mul3A_1980 : i32
    %add3A_1982 = arith.constant 9216000 : i32
    %add3A_1983 = arith.addi %mul3A_1981, %add3A_1982 : i32
    %mul3A_1984 = arith.constant 64000 : i32
    %mul3A_1985 = arith.muli %arg1, %mul3A_1984 : i32
    %add3A_1986 = arith.addi %add3A_1983, %mul3A_1985 : i32
    %add3A_1987 = arith.constant 0 : i32
    %add3A_1988 = arith.addi %add3A_1986, %add3A_1987 : i32
    %dma_start3A_1989 = tpu.memref_slice %arg4[%add3A_1988] : memref<20480000xf32, #tpu.memory_space<hbm>> -> memref<32000xf32, #tpu.memory_space<hbm>>
    %dma_start3A_1990 = tpu.memref_slice %arg4[%add3A_1988] : memref<20480000xf32, #tpu.memory_space<hbm>> -> memref<32000xf32, #tpu.memory_space<hbm>>
    tpu.enqueue_dma source(%arg8 : memref<32000xf32, #tpu.memory_space<vmem>>) target(%dma_start3A_1990 : memref<32000xf32, #tpu.memory_space<hbm>>) target_semaphore(%arg9 : memref<!tpu.dma_semaphore, #tpu.memory_space<semaphore_mem>>)
    %add3A_1991 = arith.constant 32000 : i32
    %add3A_1992 = arith.addi %add3A_1986, %add3A_1991 : i32
    %dma_start3A_1993 = tpu.memref_slice %arg4[%add3A_1992] : memref<20480000xf32, #tpu.memory_space<hbm>> -> memref<32000xf32, #tpu.memory_space<hbm>>
    %dma_start3A_1994 = tpu.memref_slice %arg4[%add3A_1992] : memref<20480000xf32, #tpu.memory_space<hbm>> -> memref<32000xf32, #tpu.memory_space<hbm>>
    tpu.enqueue_dma source(%arg8 : memref<32000xf32, #tpu.memory_space<vmem>>) target(%dma_start3A_1994 : memref<32000xf32, #tpu.memory_space<hbm>>) target_semaphore(%arg9 : memref<!tpu.dma_semaphore, #tpu.memory_space<semaphore_mem>>)
    %dma_wait3A_1995 = tpu.memref_slice %arg4[%add3A_1936] : memref<20480000xf32, #tpu.memory_space<hbm>> -> memref<32000xf32, #tpu.memory_space<hbm>>
    %dma_wait3A_1996 = tpu.memref_slice %arg4[%add3A_1936] : memref<20480000xf32, #tpu.memory_space<hbm>> -> memref<32000xf32, #tpu.memory_space<hbm>>
    tpu.wait_dma2 semaphore(%arg10 : memref<!tpu.dma_semaphore, #tpu.memory_space<semaphore_mem>>) src(%arg8 : memref<32000xf32, #tpu.memory_space<vmem>>) dst(%dma_wait3A_1996 : memref<32000xf32, #tpu.memory_space<hbm>>)
    %dma_wait3A_1997 = tpu.memref_slice %arg4[%add3A_1940] : memref<20480000xf32, #tpu.memory_space<hbm>> -> memref<32000xf32, #tpu.memory_space<hbm>>
    %dma_wait3A_1998 = tpu.memref_slice %arg4[%add3A_1940] : memref<20480000xf32, #tpu.memory_space<hbm>> -> memref<32000xf32, #tpu.memory_space<hbm>>
    tpu.wait_dma2 semaphore(%arg10 : memref<!tpu.dma_semaphore, #tpu.memory_space<semaphore_mem>>) src(%arg8 : memref<32000xf32, #tpu.memory_space<vmem>>) dst(%dma_wait3A_1998 : memref<32000xf32, #tpu.memory_space<hbm>>)
    %barrier3A_1999 = arith.constant 0 : index
    tpu.barrier barrier_id(%barrier3A_1999)
    %dma_start3A_2000 = arith.constant 7 : i32
    %dma_start3A_2001 = arith.constant 0 : i32
    %dma_start3A_2002 = tpu.memref_slice %arg6[%dma_start3A_2000, %dma_start3A_2001] : memref<10x64xi32, #tpu.memory_space<vmem>> -> memref<1x64xi32, #tpu.memory_space<vmem>>
    %dma_start3A_2003 = tpu.memref_squeeze %dma_start3A_2002 : memref<1x64xi32, #tpu.memory_space<vmem>> -> memref<64xi32, #tpu.memory_space<vmem>>
    %dma_start3A_2004 = arith.constant 0 : i32
    %dma_start3A_2005 = tpu.memref_slice %arg4[%dma_start3A_2004] : memref<20480000xf32, #tpu.memory_space<hbm>> -> memref<20480000xf32, #tpu.memory_space<hbm>>
    tpu.enqueue_indirect_dma source(%arg7 : memref<64xf32, #tpu.memory_space<vmem>>) target(%dma_start3A_2005 : memref<20480000xf32, #tpu.memory_space<hbm>>) offsets(%dma_start3A_2003 : memref<64xi32, #tpu.memory_space<vmem>>) semaphore(%arg12 : memref<!tpu.dma_semaphore, #tpu.memory_space<semaphore_mem>>)
    %dma_wait3A_2006 = tpu.memref_slice %arg4[%add3A_1962] : memref<20480000xf32, #tpu.memory_space<hbm>> -> memref<32000xf32, #tpu.memory_space<hbm>>
    %dma_wait3A_2007 = tpu.memref_slice %arg4[%add3A_1962] : memref<20480000xf32, #tpu.memory_space<hbm>> -> memref<32000xf32, #tpu.memory_space<hbm>>
    tpu.wait_dma2 semaphore(%arg11 : memref<!tpu.dma_semaphore, #tpu.memory_space<semaphore_mem>>) src(%arg8 : memref<32000xf32, #tpu.memory_space<vmem>>) dst(%dma_wait3A_2007 : memref<32000xf32, #tpu.memory_space<hbm>>)
    %dma_wait3A_2008 = tpu.memref_slice %arg4[%add3A_1966] : memref<20480000xf32, #tpu.memory_space<hbm>> -> memref<32000xf32, #tpu.memory_space<hbm>>
    %dma_wait3A_2009 = tpu.memref_slice %arg4[%add3A_1966] : memref<20480000xf32, #tpu.memory_space<hbm>> -> memref<32000xf32, #tpu.memory_space<hbm>>
    tpu.wait_dma2 semaphore(%arg11 : memref<!tpu.dma_semaphore, #tpu.memory_space<semaphore_mem>>) src(%arg8 : memref<32000xf32, #tpu.memory_space<vmem>>) dst(%dma_wait3A_2009 : memref<32000xf32, #tpu.memory_space<hbm>>)
    %barrier3A_2010 = arith.constant 0 : index
    tpu.barrier barrier_id(%barrier3A_2010)
    %dma_start3A_2011 = arith.constant 8 : i32
    %dma_start3A_2012 = arith.constant 0 : i32
    %dma_start3A_2013 = tpu.memref_slice %arg6[%dma_start3A_2011, %dma_start3A_2012] : memref<10x64xi32, #tpu.memory_space<vmem>> -> memref<1x64xi32, #tpu.memory_space<vmem>>
    %dma_start3A_2014 = tpu.memref_squeeze %dma_start3A_2013 : memref<1x64xi32, #tpu.memory_space<vmem>> -> memref<64xi32, #tpu.memory_space<vmem>>
    %dma_start3A_2015 = arith.constant 0 : i32
    %dma_start3A_2016 = tpu.memref_slice %arg4[%dma_start3A_2015] : memref<20480000xf32, #tpu.memory_space<hbm>> -> memref<20480000xf32, #tpu.memory_space<hbm>>
    tpu.enqueue_indirect_dma source(%arg7 : memref<64xf32, #tpu.memory_space<vmem>>) target(%dma_start3A_2016 : memref<20480000xf32, #tpu.memory_space<hbm>>) offsets(%dma_start3A_2014 : memref<64xi32, #tpu.memory_space<vmem>>) semaphore(%arg12 : memref<!tpu.dma_semaphore, #tpu.memory_space<semaphore_mem>>)
    %dma_wait3A_2017 = tpu.memref_slice %arg4[%add3A_1988] : memref<20480000xf32, #tpu.memory_space<hbm>> -> memref<32000xf32, #tpu.memory_space<hbm>>
    %dma_wait3A_2018 = tpu.memref_slice %arg4[%add3A_1988] : memref<20480000xf32, #tpu.memory_space<hbm>> -> memref<32000xf32, #tpu.memory_space<hbm>>
    tpu.wait_dma2 semaphore(%arg9 : memref<!tpu.dma_semaphore, #tpu.memory_space<semaphore_mem>>) src(%arg8 : memref<32000xf32, #tpu.memory_space<vmem>>) dst(%dma_wait3A_2018 : memref<32000xf32, #tpu.memory_space<hbm>>)
    %dma_wait3A_2019 = tpu.memref_slice %arg4[%add3A_1992] : memref<20480000xf32, #tpu.memory_space<hbm>> -> memref<32000xf32, #tpu.memory_space<hbm>>
    %dma_wait3A_2020 = tpu.memref_slice %arg4[%add3A_1992] : memref<20480000xf32, #tpu.memory_space<hbm>> -> memref<32000xf32, #tpu.memory_space<hbm>>
    tpu.wait_dma2 semaphore(%arg9 : memref<!tpu.dma_semaphore, #tpu.memory_space<semaphore_mem>>) src(%arg8 : memref<32000xf32, #tpu.memory_space<vmem>>) dst(%dma_wait3A_2020 : memref<32000xf32, #tpu.memory_space<hbm>>)
    %barrier3A_2021 = arith.constant 0 : index
    tpu.barrier barrier_id(%barrier3A_2021)
    %dma_start3A_2022 = arith.constant 9 : i32
    %dma_start3A_2023 = arith.constant 0 : i32
    %dma_start3A_2024 = tpu.memref_slice %arg6[%dma_start3A_2022, %dma_start3A_2023] : memref<10x64xi32, #tpu.memory_space<vmem>> -> memref<1x64xi32, #tpu.memory_space<vmem>>
    %dma_start3A_2025 = tpu.memref_squeeze %dma_start3A_2024 : memref<1x64xi32, #tpu.memory_space<vmem>> -> memref<64xi32, #tpu.memory_space<vmem>>
    %dma_start3A_2026 = arith.constant 0 : i32
    %dma_start3A_2027 = tpu.memref_slice %arg4[%dma_start3A_2026] : memref<20480000xf32, #tpu.memory_space<hbm>> -> memref<20480000xf32, #tpu.memory_space<hbm>>
    tpu.enqueue_indirect_dma source(%arg7 : memref<64xf32, #tpu.memory_space<vmem>>) target(%dma_start3A_2027 : memref<20480000xf32, #tpu.memory_space<hbm>>) offsets(%dma_start3A_2025 : memref<64xi32, #tpu.memory_space<vmem>>) semaphore(%arg12 : memref<!tpu.dma_semaphore, #tpu.memory_space<semaphore_mem>>)
    %dma_wait3A_2028 = arith.constant 0 : i32
    %dma_wait3A_2029 = arith.constant 0 : i32
    %dma_wait3A_2030 = tpu.memref_slice %arg6[%dma_wait3A_2028, %dma_wait3A_2029] : memref<10x64xi32, #tpu.memory_space<vmem>> -> memref<1x64xi32, #tpu.memory_space<vmem>>
    %dma_wait3A_2031 = tpu.memref_squeeze %dma_wait3A_2030 : memref<1x64xi32, #tpu.memory_space<vmem>> -> memref<64xi32, #tpu.memory_space<vmem>>
    %dma_wait3A_2032 = arith.constant 0 : i32
    %dma_wait3A_2033 = tpu.memref_slice %arg4[%dma_wait3A_2032] : memref<20480000xf32, #tpu.memory_space<hbm>> -> memref<20480000xf32, #tpu.memory_space<hbm>>
    tpu.wait_indirect_dma semaphore(%arg12 : memref<!tpu.dma_semaphore, #tpu.memory_space<semaphore_mem>>) src(%arg7 : memref<64xf32, #tpu.memory_space<vmem>>) dst(%dma_wait3A_2033 : memref<20480000xf32, #tpu.memory_space<hbm>>)
    %dma_wait3A_2034 = arith.constant 1 : i32
    %dma_wait3A_2035 = arith.constant 0 : i32
    %dma_wait3A_2036 = tpu.memref_slice %arg6[%dma_wait3A_2034, %dma_wait3A_2035] : memref<10x64xi32, #tpu.memory_space<vmem>> -> memref<1x64xi32, #tpu.memory_space<vmem>>
    %dma_wait3A_2037 = tpu.memref_squeeze %dma_wait3A_2036 : memref<1x64xi32, #tpu.memory_space<vmem>> -> memref<64xi32, #tpu.memory_space<vmem>>
    %dma_wait3A_2038 = arith.constant 0 : i32
    %dma_wait3A_2039 = tpu.memref_slice %arg4[%dma_wait3A_2038] : memref<20480000xf32, #tpu.memory_space<hbm>> -> memref<20480000xf32, #tpu.memory_space<hbm>>
    tpu.wait_indirect_dma semaphore(%arg12 : memref<!tpu.dma_semaphore, #tpu.memory_space<semaphore_mem>>) src(%arg7 : memref<64xf32, #tpu.memory_space<vmem>>) dst(%dma_wait3A_2039 : memref<20480000xf32, #tpu.memory_space<hbm>>)
    %dma_wait3A_2040 = arith.constant 2 : i32
    %dma_wait3A_2041 = arith.constant 0 : i32
    %dma_wait3A_2042 = tpu.memref_slice %arg6[%dma_wait3A_2040, %dma_wait3A_2041] : memref<10x64xi32, #tpu.memory_space<vmem>> -> memref<1x64xi32, #tpu.memory_space<vmem>>
    %dma_wait3A_2043 = tpu.memref_squeeze %dma_wait3A_2042 : memref<1x64xi32, #tpu.memory_space<vmem>> -> memref<64xi32, #tpu.memory_space<vmem>>
    %dma_wait3A_2044 = arith.constant 0 : i32
    %dma_wait3A_2045 = tpu.memref_slice %arg4[%dma_wait3A_2044] : memref<20480000xf32, #tpu.memory_space<hbm>> -> memref<20480000xf32, #tpu.memory_space<hbm>>
    tpu.wait_indirect_dma semaphore(%arg12 : memref<!tpu.dma_semaphore, #tpu.memory_space<semaphore_mem>>) src(%arg7 : memref<64xf32, #tpu.memory_space<vmem>>) dst(%dma_wait3A_2045 : memref<20480000xf32, #tpu.memory_space<hbm>>)
    %dma_wait3A_2046 = arith.constant 3 : i32
    %dma_wait3A_2047 = arith.constant 0 : i32
    %dma_wait3A_2048 = tpu.memref_slice %arg6[%dma_wait3A_2046, %dma_wait3A_2047] : memref<10x64xi32, #tpu.memory_space<vmem>> -> memref<1x64xi32, #tpu.memory_space<vmem>>
    %dma_wait3A_2049 = tpu.memref_squeeze %dma_wait3A_2048 : memref<1x64xi32, #tpu.memory_space<vmem>> -> memref<64xi32, #tpu.memory_space<vmem>>
    %dma_wait3A_2050 = arith.constant 0 : i32
    %dma_wait3A_2051 = tpu.memref_slice %arg4[%dma_wait3A_2050] : memref<20480000xf32, #tpu.memory_space<hbm>> -> memref<20480000xf32, #tpu.memory_space<hbm>>
    tpu.wait_indirect_dma semaphore(%arg12 : memref<!tpu.dma_semaphore, #tpu.memory_space<semaphore_mem>>) src(%arg7 : memref<64xf32, #tpu.memory_space<vmem>>) dst(%dma_wait3A_2051 : memref<20480000xf32, #tpu.memory_space<hbm>>)
    %dma_wait3A_2052 = arith.constant 4 : i32
    %dma_wait3A_2053 = arith.constant 0 : i32
    %dma_wait3A_2054 = tpu.memref_slice %arg6[%dma_wait3A_2052, %dma_wait3A_2053] : memref<10x64xi32, #tpu.memory_space<vmem>> -> memref<1x64xi32, #tpu.memory_space<vmem>>
    %dma_wait3A_2055 = tpu.memref_squeeze %dma_wait3A_2054 : memref<1x64xi32, #tpu.memory_space<vmem>> -> memref<64xi32, #tpu.memory_space<vmem>>
    %dma_wait3A_2056 = arith.constant 0 : i32
    %dma_wait3A_2057 = tpu.memref_slice %arg4[%dma_wait3A_2056] : memref<20480000xf32, #tpu.memory_space<hbm>> -> memref<20480000xf32, #tpu.memory_space<hbm>>
    tpu.wait_indirect_dma semaphore(%arg12 : memref<!tpu.dma_semaphore, #tpu.memory_space<semaphore_mem>>) src(%arg7 : memref<64xf32, #tpu.memory_space<vmem>>) dst(%dma_wait3A_2057 : memref<20480000xf32, #tpu.memory_space<hbm>>)
    %dma_wait3A_2058 = arith.constant 5 : i32
    %dma_wait3A_2059 = arith.constant 0 : i32
    %dma_wait3A_2060 = tpu.memref_slice %arg6[%dma_wait3A_2058, %dma_wait3A_2059] : memref<10x64xi32, #tpu.memory_space<vmem>> -> memref<1x64xi32, #tpu.memory_space<vmem>>
    %dma_wait3A_2061 = tpu.memref_squeeze %dma_wait3A_2060 : memref<1x64xi32, #tpu.memory_space<vmem>> -> memref<64xi32, #tpu.memory_space<vmem>>
    %dma_wait3A_2062 = arith.constant 0 : i32
    %dma_wait3A_2063 = tpu.memref_slice %arg4[%dma_wait3A_2062] : memref<20480000xf32, #tpu.memory_space<hbm>> -> memref<20480000xf32, #tpu.memory_space<hbm>>
    tpu.wait_indirect_dma semaphore(%arg12 : memref<!tpu.dma_semaphore, #tpu.memory_space<semaphore_mem>>) src(%arg7 : memref<64xf32, #tpu.memory_space<vmem>>) dst(%dma_wait3A_2063 : memref<20480000xf32, #tpu.memory_space<hbm>>)
    %dma_wait3A_2064 = arith.constant 6 : i32
    %dma_wait3A_2065 = arith.constant 0 : i32
    %dma_wait3A_2066 = tpu.memref_slice %arg6[%dma_wait3A_2064, %dma_wait3A_2065] : memref<10x64xi32, #tpu.memory_space<vmem>> -> memref<1x64xi32, #tpu.memory_space<vmem>>
    %dma_wait3A_2067 = tpu.memref_squeeze %dma_wait3A_2066 : memref<1x64xi32, #tpu.memory_space<vmem>> -> memref<64xi32, #tpu.memory_space<vmem>>
    %dma_wait3A_2068 = arith.constant 0 : i32
    %dma_wait3A_2069 = tpu.memref_slice %arg4[%dma_wait3A_2068] : memref<20480000xf32, #tpu.memory_space<hbm>> -> memref<20480000xf32, #tpu.memory_space<hbm>>
    tpu.wait_indirect_dma semaphore(%arg12 : memref<!tpu.dma_semaphore, #tpu.memory_space<semaphore_mem>>) src(%arg7 : memref<64xf32, #tpu.memory_space<vmem>>) dst(%dma_wait3A_2069 : memref<20480000xf32, #tpu.memory_space<hbm>>)
    %dma_wait3A_2070 = arith.constant 7 : i32
    %dma_wait3A_2071 = arith.constant 0 : i32
    %dma_wait3A_2072 = tpu.memref_slice %arg6[%dma_wait3A_2070, %dma_wait3A_2071] : memref<10x64xi32, #tpu.memory_space<vmem>> -> memref<1x64xi32, #tpu.memory_space<vmem>>
    %dma_wait3A_2073 = tpu.memref_squeeze %dma_wait3A_2072 : memref<1x64xi32, #tpu.memory_space<vmem>> -> memref<64xi32, #tpu.memory_space<vmem>>
    %dma_wait3A_2074 = arith.constant 0 : i32
    %dma_wait3A_2075 = tpu.memref_slice %arg4[%dma_wait3A_2074] : memref<20480000xf32, #tpu.memory_space<hbm>> -> memref<20480000xf32, #tpu.memory_space<hbm>>
    tpu.wait_indirect_dma semaphore(%arg12 : memref<!tpu.dma_semaphore, #tpu.memory_space<semaphore_mem>>) src(%arg7 : memref<64xf32, #tpu.memory_space<vmem>>) dst(%dma_wait3A_2075 : memref<20480000xf32, #tpu.memory_space<hbm>>)
    %dma_wait3A_2076 = arith.constant 8 : i32
    %dma_wait3A_2077 = arith.constant 0 : i32
    %dma_wait3A_2078 = tpu.memref_slice %arg6[%dma_wait3A_2076, %dma_wait3A_2077] : memref<10x64xi32, #tpu.memory_space<vmem>> -> memref<1x64xi32, #tpu.memory_space<vmem>>
    %dma_wait3A_2079 = tpu.memref_squeeze %dma_wait3A_2078 : memref<1x64xi32, #tpu.memory_space<vmem>> -> memref<64xi32, #tpu.memory_space<vmem>>
    %dma_wait3A_2080 = arith.constant 0 : i32
    %dma_wait3A_2081 = tpu.memref_slice %arg4[%dma_wait3A_2080] : memref<20480000xf32, #tpu.memory_space<hbm>> -> memref<20480000xf32, #tpu.memory_space<hbm>>
    tpu.wait_indirect_dma semaphore(%arg12 : memref<!tpu.dma_semaphore, #tpu.memory_space<semaphore_mem>>) src(%arg7 : memref<64xf32, #tpu.memory_space<vmem>>) dst(%dma_wait3A_2081 : memref<20480000xf32, #tpu.memory_space<hbm>>)
    %dma_wait3A_2082 = arith.constant 9 : i32
    %dma_wait3A_2083 = arith.constant 0 : i32
    %dma_wait3A_2084 = tpu.memref_slice %arg6[%dma_wait3A_2082, %dma_wait3A_2083] : memref<10x64xi32, #tpu.memory_space<vmem>> -> memref<1x64xi32, #tpu.memory_space<vmem>>
    %dma_wait3A_2085 = tpu.memref_squeeze %dma_wait3A_2084 : memref<1x64xi32, #tpu.memory_space<vmem>> -> memref<64xi32, #tpu.memory_space<vmem>>
    %dma_wait3A_2086 = arith.constant 0 : i32
    %dma_wait3A_2087 = tpu.memref_slice %arg4[%dma_wait3A_2086] : memref<20480000xf32, #tpu.memory_space<hbm>> -> memref<20480000xf32, #tpu.memory_space<hbm>>
    tpu.wait_indirect_dma semaphore(%arg12 : memref<!tpu.dma_semaphore, #tpu.memory_space<semaphore_mem>>) src(%arg7 : memref<64xf32, #tpu.memory_space<vmem>>) dst(%dma_wait3A_2087 : memref<20480000xf32, #tpu.memory_space<hbm>>)
    return
  }
}

</mosaic_0001>

<sc_bundles>
// kernel: one_hot_sc.3.cloned.1.call-start
scs
__scs_entry_jumppad:
0x0: {  	(pc) =	sbr.rel $0x88, $3  }
0x1: {  	(tag) =	ssettag $0x0;
	lr =	simm.s32 $0x1  }
0x2: {  	[smem:$0x3F9F] =	sst lr;
	_ =	strace $0xD0000000  }
0x3: {  	_ = 	snop  }
0x4: {  	_ = 	snop  }
0x5: {  	_ = 	snop  }
0x6: {  	_ = 	snop  }
0x7: {  	_ = 	snop  }
__scs_overlays_trampoline_lowered:
0x8: {  	[smem:$0x3FAE] =	sst s0  }
0x9: {  	[smem:$0x3FAF] =	sst s1  }
0xa: {  	[smem:$0x3FB0] =	sst s2  }
0xb: {  	[smem:$0x3FB1] =	sst s3  }
0xc: {  	[smem:$0x3FB2] =	sst s4  }
0xd: {  	[smem:$0x3FB3] =	sst s5  }
0xe: {  	[smem:$0x3FB4] =	sst s6  }
0xf: {  	[smem:$0x3FB5] =	sst s7  }
0x10: {  	[smem:$0x3FB6] =	sst s8  }
0x11: {  	[smem:$0x3FB7] =	sst s9;
	s0 =	simm.s32 @!p0 $0x0  }
0x12: {  	s1 =	sld [smem:$0x3F9D];
	s0 =	simm.s32 @p0 $0x1  }
0x13: {  	[smem:$0x3FB8] =	sst s0;
	s0 =	simm.s32 @!p1 $0x0  }
0x14: {  	s2 =	sld [smem:$0x3F9C];
	s0 =	simm.s32 @p1 $0x1  }
0x15: {  	[smem:$0x3FB9] =	sst s0;
	s0 =	simm.s32 @!p2 $0x0  }
0x16: {  	s3 =	sld [smem:$0x3FDB];
	s0 =	simm.s32 @p2 $0x1  }
0x17: {  	s4 =	simm.s32 $0x1BF5;
	[smem:$0x3FBB] =	sst s0  }
0x18: {  	s0 =	sld [smem:$0x3F9E];
	_ =	swait.ge [sflag:s4], $0x0  }
0x19: {  	s7 =	sld [smem:$0x3F9F]  }
0x1a: {  	s8 =	sadd.s32 $0xFFFFE003, lr  }
0x1b: {  	s9 =	sadd.s32 $0xFFFFFEF7, lr;
	s5 =	simm.s32 $0xFFFFFFFF;
	p2 =	slt.u32 s8, $0xFFFFF086  }
0x1c: {  	p1 =	slt.u32 s9, $0xF7A;
	s5 =	simm.s32 @!p2 $0x0  }
0x1d: {  	s5 =	simm.s32 @p1 $0x1;
	p0 =	seq.s32 s7, s2  }
0x1e: {  	s7 =	smul.u32 @!p0 $0xF7A, s2;
	p2 =	seq.s32 @!p0 s5, $0x0  }
0x1f: {  	s9 =	smul.u32 $0xF7A, s1;
	s8 =	simm.s32 @!p0 $0x1BF5;
	p2 =	por !p2, p0  }
0x20: {  	[sflag:s8] =	ssyncset.s32 @!p0 $0xFFFFF086;
	s6 =	sadd.s32 @!p0 s3, s7;
	s7 =	simm.s32 @!p0 $0x108  }
0x21: {  	s3 =	sadd.s32 s3, s9;
	s6 =	sadd.s32 @!p0 $0x88, s6;
	s7 =	simm.s32 @p2 $0x1082  }
0x22: {  	[simem:s7], [sflag:s8] =	dma.local @!p0 [hbm:s6], $0xF7A  }
0x23: {  	s9 =	sor.u32 $0xD0000000, s2;
	s6 =	simm.s32 $0x108;
	_ =	swait.ge @!p0 [sflag:s8], $0x0  }
0x24: {  	s3 =	sadd.s32 $0x88, s3;
	s6 =	simm.s32 @!p1 $0x1082;
	[sflag:s4] =	ssyncset.s32 $0xFFFFF086  }
0x25: {  	[simem:s6], [sflag:s4] =	dma.local [hbm:s3], $0xF7A  }
0x26: {  	[smem:$0x3F9F] =	sst s1;
	(tag) =	ssettag s2;
	_ =	strace s9  }
0x27: {  	s1 =	sld [smem:$0x3FAF]  }
0x28: {  	s2 =	sld [smem:$0x3FB0]  }
0x29: {  	s4 =	sld [smem:$0x3FB2]  }
0x2a: {  	p0 =	seq.s32 s5, $0x0;
	s5 =	sld [smem:$0x3FB3]  }
0x2b: {  	s6 =	sld [smem:$0x3FB4]  }
0x2c: {  	s7 =	sld [smem:$0x3FB5]  }
0x2d: {  	s3 =	simm.s32 $0x108;
	s8 =	sld [smem:$0x3FB6]  }
0x2e: {  	s3 =	simm.s32 @!p0 $0x1082;
	s9 =	sld [smem:$0x3FB7]  }
0x2f: {  	lr =	sadd.s32 s0, s3;
	s0 =	sld [smem:$0x3FAE]  }
0x30: {  	s3 =	sld [smem:$0x3FB1]  }
0x31: {  	[smem:$0x3FBA] =	sst s10  }
0x32: {  	s10 =	sld [smem:$0x3FB8];
	_ =	sdelay $0x3  }
0x33: {  	p0 =	seq.s32 s10, $0x1;
	s10 =	sld [smem:$0x3FBA];
	_ =	sdelay $0x3  }
0x34: {  	[smem:$0x3FBA] =	sst s10  }
0x35: {  	s10 =	sld [smem:$0x3FB9];
	_ =	sdelay $0x3  }
0x36: {  	p1 =	seq.s32 s10, $0x1;
	s10 =	sld [smem:$0x3FBA];
	_ =	sdelay $0x3  }
0x37: {  	[smem:$0x3FBA] =	sst s10  }
0x38: {  	s10 =	sld [smem:$0x3FBB]  }
0x39: {  	_ = 	snop;
	(pc) =	sbr.ind lr, $3  }
0x3a: {  	_ = 	snop  }
0x3b: {  	_ = 	snop  }
0x3c: {  	p2 =	seq.s32 s10, $0x1;
	s10 =	sld [smem:$0x3FBA]  }
0x3d: {  	_ =	shalt  }
0x3e: {  	_ =	shalt  }
0x3f: {  	_ =	shalt  }
0x40: {  	_ =	shalt  }
0x41: {  	_ =	shalt  }
0x42: {  	_ =	shalt  }
0x43: {  	_ =	shalt  }
0x44: {  	_ =	shalt  }
0x45: {  	_ =	shalt  }
0x46: {  	_ =	shalt  }
0x47: {  	_ =	shalt  }
0x48: {  	_ =	shalt  }
0x49: {  	_ =	shalt  }
0x4a: {  	_ =	shalt  }
0x4b: {  	_ =	shalt  }
0x4c: {  	_ =	shalt  }
0x4d: {  	_ =	shalt  }
0x4e: {  	_ =	shalt  }
0x4f: {  	_ =	shalt  }
0x50: {  	_ =	shalt  }
0x51: {  	_ =	shalt  }
0x52: {  	_ =	shalt  }
0x53: {  	_ =	shalt  }
0x54: {  	_ =	shalt  }
0x55: {  	_ =	shalt  }
0x56: {  	_ =	shalt  }
0x57: {  	_ =	shalt  }
0x58: {  	_ =	shalt  }
0x59: {  	_ =	shalt  }
0x5a: {  	_ =	shalt  }
0x5b: {  	_ =	shalt  }
0x5c: {  	_ =	shalt  }
0x5d: {  	_ =	shalt  }
0x5e: {  	_ =	shalt  }
0x5f: {  	_ =	shalt  }
0x60: {  	_ =	shalt  }
0x61: {  	_ =	shalt  }
0x62: {  	_ =	shalt  }
0x63: {  	_ =	shalt  }
0x64: {  	_ =	shalt  }
0x65: {  	_ =	shalt  }
0x66: {  	_ =	shalt  }
0x67: {  	_ =	shalt  }
0x68: {  	_ =	shalt  }
0x69: {  	_ =	shalt  }
0x6a: {  	_ =	shalt  }
0x6b: {  	_ =	shalt  }
0x6c: {  	_ =	shalt  }
0x6d: {  	_ =	shalt  }
0x6e: {  	_ =	shalt  }
0x6f: {  	_ =	shalt  }
0x70: {  	_ =	shalt  }
0x71: {  	_ =	shalt  }
0x72: {  	_ =	shalt  }
0x73: {  	_ =	shalt  }
0x74: {  	_ =	shalt  }
0x75: {  	_ =	shalt  }
0x76: {  	_ =	shalt  }
0x77: {  	_ =	shalt  }
0x78: {  	_ =	shalt  }
0x79: {  	_ =	shalt  }
0x7a: {  	_ =	shalt  }
0x7b: {  	_ =	shalt  }
0x7c: {  	_ =	shalt  }
0x7d: {  	_ =	shalt  }
0x7e: {  	_ =	shalt  }
0x7f: {  	_ =	shalt  }
0x80: {  	_ =	shalt  }
0x81: {  	_ =	shalt  }
0x82: {  	_ =	shalt  }
0x83: {  	_ =	shalt  }
0x84: {  	_ =	shalt  }
0x85: {  	_ =	shalt  }
0x86: {  	_ =	shalt  }
0x87: {  	_ =	shalt  }
.Lfunc_end0:
.L_simem_size_0:
called_computation_lowered:
.L_overlay_start_0:
0x88: {  	s2 =	sld [smem:$0x3FD9]  }
0x89: {  	s3 =	sld [smem:$0x3FFE];
	_ =	sdelay $0x1  }
0x8a: {  	s1 =	srdreg.scid  }
0x8b: {  	s0 =	sand.u32 $0x1, s1  }
0x8c: {  	s18 =	sshll.u32 s0, $0xA;
	s2 =	sadd.s32 s3, s2  }
0x8d: {  	s2 =	sadd.s32 s2, s18  }
0x8e: {  	[smem:$0x3FC6] =	sst s2  }
0x8f: {  	_ = 	snop  }
0x90: {  	s2 =	sld [smem:$0x3FC9]  }
0x91: {  	s19 =	sld [smem:$0x3FC8]  }
0x92: {  	s4 =	sld [smem:$0x3FD0];
	(tm) =	ssettm $0x1  }
0x93: {  	s5 =	sld [smem:$0x3FFB];
	_ =	sdelay $0x3  }
0x94: {  	_ =	strace s5  }
0x95: {  	s5 =	sld [smem:$0x3FFC];
	_ =	sdelay $0x3  }
0x96: {  	_ =	strace s5  }
0x97: {  	s5 =	sld [smem:$0x3FFD];
	_ =	sdelay $0x3  }
0x98: {  	_ =	strace s5  }
0x99: {  	_ =	strace $0x8FFFFFFF  }
0x9a: {  	s20 =	sld [smem:$0x3FDB];
	_ =	sdelay $0x1  }
0x9b: {  	s6 =	simm.s32 $_scs_section_size  }
0x9c: {  	s7 =	simm.s32 $_size__tile_overlayer_lowered;
	s8 =	simm.s32 $_tile_overlayer_lowered  }
0x9d: {  	s23 =	simm.s32 $0x1BFF;
	s22 =	sshll.u32 s8, $0x1;
	s5 =	sadd.s32 s6, s20  }
0x9e: {  	s9 =	simm.s32 $0x0;
	s21 =	sshll.u32 s7, $0x1;
	s7 =	sadd.s32 s22, s5  }
0x9f: {  	[timem:s9], [sflag:s23] =	dma.local [hbm:s7], s21  }
0xa0: {  	_ =	swait.ge [sflag:s23], s21  }
0xa1: {  	s6 =	ssub.s32 $0x0, s21;
	[sflag:s23] =	ssyncset.done $0x0  }
0xa2: {  	[sflag:s23] =	ssyncadd.s32 s6;
	_ =	sdelay $0x1  }
0xa3: {  	s24 =	simm.s32 $0x1B8B  }
0xa4: {  	_ =	swait.ge [sflag:s24], $0x1  }
0xa5: {  	[sflag:s24] =	ssyncset.done $0x0  }
0xa6: {  	s25 =	simm.s32 $0x1B8E;
	[sflag:s24] =	ssyncadd.s32 $0xFFFFFFFF  }
0xa7: {  	s26 =	simm.s32 $execute0_lowered;
	[smem:$0x3FD2] =	sst s25  }
0xa8: {  	s6 =	sshll.u32 s26, $0x1;
	_ =	strace $0x80000046;
	[dreg:$0x1] =	wrdreg $0xFFFFFFFF  }
0xa9: {  	s28 =	simm.s32 $_size_execute0_lowered;
	s5 =	sadd.s32 s5, s6;
	[dreg:$0x0] =	wrdreg $0x0  }
0xaa: {  	s6 =	sshll.u32 s28, $0x1;
	[dreg:$0x2] =	wrdreg s5  }
0xab: {  	[dreg:$0x3] =	wrdreg s6  }
0xac: {  	[dreg:$0x4] =	wrdreg $0xC0  }
0xad: {  	_ =	task [dreg:s9], $0x5FFFF  }
0xae: {  	[dreg:$0x1] =	wrdreg $0xFFFFFFFF  }
0xaf: {  	[dreg:$0x0] =	wrdreg $0x60  }
0xb0: {  	[dreg:$0x2] =	wrdreg s2  }
0xb1: {  	[dreg:$0x3] =	wrdreg s19  }
0xb2: {  	[dreg:$0x4] =	wrdreg s4  }
0xb3: {  	[dreg:$0x5] =	wrdreg $0x9  }
0xb4: {  	_ =	task.clear_ibuf [dreg:s9], $0x6FFFF;
	_ =	strace $0x90000046  }
0xb5: {  	s29 =	simm.s32 $0x9;
	_ =	strace $0x80000048  }
0xb6: {  	_ =	swait.ge [sflag:s29], $0x1  }
0xb7: {  	[sflag:s29] =	ssyncadd.s32 $0xFFFFFFFF  }
0xb8: {  	_ =	strace $0x90000048  }
0xb9: {  	_ =	sfence  }
0xba: {  	s30 =	sld [smem:$0x0];
	_ =	sdelay $0x2  }
0xbb: {  	s31 =	sshll.u32 s1, $0xD;
	s1 =	sshrl.u32 s1, $0x2  }
0xbc: {  	s3 =	sand.u32 $0x4000, s31;
	s1 =	sadd.s32 s1, s30  }
0xbd: {  	s0 =	sor.u32 s3, s0;
	s1 =	sshll.u32 s1, $0x11  }
0xbe: {  	s0 =	sor.u32 s1, s0  }
0xbf: {  	s0 =	sadd.s32 $0x8F2B, s0  }
0xc0: {  	[sflag:s0] =	ssyncadd.remote.s32 $0x1  }
0xc1: {  	_ =	sfence.sel $0xFFFF  }
0xc2: {  	[dreg:$0x0] =	wrdreg $0xFFFFFFFF;
	(pc) =	sbr.abs _section_cstart, $3  }
0xc3: {  	[dreg:$0x1] =	wrdreg $0xFFFFFFFF  }
0xc4: {  	_ =	task.clear_ibuf [dreg:s9], $0x2FFFF;
	_ =	strace $0x9FFFFFFF  }
0xc5: {  	(tm) =	ssettm $0x7FFFFFFF  }
tec
execute0_lowered:
.L_overlay_start_1:
0x0: {  	(tag) =	ssettag $0x1  }
0x1: {  	s0 =	srdreg.scid  }
0x2: {  	s6 =	rddreg [dreg:$0x0];
	s14 =	stileid.u32  }
0x3: {  	s1 =	rddreg [dreg:$0x1];
	s5 =	sand.u32 $0x1, s0;
	s3 =	smul.u32 $0xFA00, s14  }
0x4: {  	s2 =	rddreg [dreg:$0x2];
	s7 =	smul.u32 $0x9C4000, s5  }
0x5: {  	[dreg:$0x4] =	wrdreg s1;
	s19 =	smul.u32 $0xA0, s14  }
0x6: {  	s20 =	sshll.u32 s14, $0x9;
	s21 =	sshll.u32 s14, $0x6;
	s15 =	sadd.s32 s3, s7  }
0x7: {  	s8 =	ssub.s32 $0x2, s5;
	s3 =	simm.s32 $0x0;
	s1 =	sshrl.u32 s15, $0x3  }
0x8: {  	s6 =	sadd.s32 s6, s19;
	[smem:$0x7FF] =	sst s3;
	s4 =	sadd.s32 s2, s1  }
0x9: {  	_ =	strace $0x80000047;
	[dreg:$0xa] =	wrdreg s6;
	s1 =	sadd.s32 $0xFA0, s4  }
0xa: {  	s5 =	smul.u32 $0xA, s5;
	s16 =	sadd.s32 $0x1F400, s4;
	[dreg:$0x5] =	wrdreg s1  }
0xb: {  	s9 =	sshrl.u32 s8, $0x1;
	s17 =	sadd.s32 $0x203A0, s4;
	[dreg:$0x6] =	wrdreg s16  }
0xc: {  	s11 =	sor.u32 $0x1, s5;
	s18 =	sadd.s32 $0x3E800, s4;
	[dreg:$0x7] =	wrdreg s17  }
0xd: {  	s30 =	sadd.s32 $0x9, s5;
	s10 =	sadd.s32 $0x3F7A0, s4;
	[dreg:$0x8] =	wrdreg s18  }
0xe: {  	s12 =	smul.u32 $0xFA000, s11;
	s1 =	ssub.s32 s8, s9;
	[dreg:$0x9] =	wrdreg s10  }
0xf: {  	v0 =	vlaneseq.u32;
	s9 =	sand.u32 $0x1C00, s20;
	s10 =	sand.u32 $0x40, s21;
	s8 =	sadd.s32 $0x2, s5  }
0x10: {  	v13 =	vmul.u32 $0x14, v0;
	s22 =	sor.u32 s9, s10;
	s12 =	sor.u32 s9, s12;
	s14 =	smul.u32 $0xFA000, s8  }
0x11: {  	s18 =	sor.u32 s9, s7;
	s23 =	sor.u32 s7, s22;
	s12 =	sor.u32 s10, s12  }
0x12: {  	v18 =	vimm.f32 $1.000000000e+00;
	v14 =	vadd.s32 $0x140, v13;
	v15 =	vadd.s32 $0x280, v13;
	s6 =	sor.u32 s10, s18;
	s7 =	sadd.s32 $0xDAC00, s4;
	s13 =	sor.u32 $0x10, s23  }
0x13: {  	v16 =	vadd.s32 $0x3C0, v13;
	v38 =	vadd.s32 s5, v13;
	s15 =	sor.u32 $0x20, s23;
	v1 =	vmov s23;
	s25 =	sor.u32 s9, s14;
	s14 =	sadd.s32 $0x2EE000, s6  }
0x14: {  	v40 =	vadd.s32 s5, v14;
	s16 =	sor.u32 $0x30, s23;
	s23 =	sadd.s32 $0x2EE010, s6;
	s9 =	sadd.s32 $0x4, s5;
	[tilespmem:$0x1FEB0] =	vst v1;
	v1 =	vor.u32 s13, v0;
	v22 =	vmov s14  }
0x15: {  	s24 =	sor.u32 $0x10, s12;
	s20 =	sadd.s32 $0x3E8010, s6;
	s18 =	sadd.s32 $0x3E8020, s6;
	v24 =	vor.u32 s23, v0;
	v29 =	vadd.s32 s9, v13;
	v31 =	vadd.s32 s9, v14  }
0x16: {  	s17 =	sor.u32 $0x20, s12;
	s28 =	sadd.s32 $0x7D0030, s6;
	s29 =	sadd.s32 $0x8CA000, s6;
	v32 =	vor.u32 s20, v0;
	v33 =	vor.u32 s18, v0;
	v34 =	vadd.s32 s9, v15  }
0x17: {  	s31 =	sadd.s32 $0x8CA010, s6;
	s0 =	sor.u32 s10, s25;
	s25 =	sadd.s32 $0x3E8000, s6;
	v35 =	vadd.s32 s9, v16;
	v9 =	vor.u32 s28, v0;
	v10 =	vmov s29  }
0x18: {  	s26 =	sor.u32 $0x30, s12;
	s10 =	sadd.s32 $0x4E2020, s6;
	s13 =	sadd.s32 $0x6, s5;
	v11 =	vor.u32 s31, v0;
	[tilespmem:$0x1FEC0] =	vst v1;
	v1 =	vor.u32 s15, v0;
	v30 =	vmov s25  }
0x19: {  	s23 =	sadd.s32 $0x5DC020, s6;
	s14 =	sadd.s32 $0x7, s5;
	s20 =	sadd.s32 $0x8, s5;
	v42 =	vor.u32 s10, v0;
	v49 =	vadd.s32 s13, v13;
	[tilespmem:$0x1FED0] =	vst v1;
	v1 =	vor.u32 s16, v0  }
0x1a: {  	s18 =	sadd.s32 $0x7D0000, s6;
	s9 =	sadd.s32 $0x5DC00, s4;
	s28 =	simm.s32 $0x800;
	v51 =	vadd.s32 s13, v14;
	v53 =	vadd.s32 s13, v15;
	[tilespmem:$0x1FEE0] =	vst v1;
	v1 =	vadd.s32 s11, v13  }
0x1b: {  	s29 =	simm.s32 $0x880;
	s31 =	simm.s32 $0x980;
	s19 =	sor.u32 $0x10, s0;
	v54 =	vor.u32 s23, v0;
	v55 =	vadd.s32 s13, v16;
	[tilespmem:$0x1FEF0] =	vst v1;
	v1 =	vmov s12  }
0x1c: {  	s21 =	sor.u32 $0x20, s0;
	s22 =	sor.u32 $0x30, s0;
	s25 =	sadd.s32 $0x6D6010, s6;
	v57 =	vadd.s32 s14, v13;
	v61 =	vadd.s32 s14, v14;
	[tilespmem:$0x1FF00] =	vst v1;
	v1 =	vadd.s32 s11, v14  }
0x1d: {  	s15 =	sadd.s32 $0x6D6030, s6;
	[dreg:$0xb] =	wrdreg s9;
	s9 =	sadd.s32 $0x7D000, s4;
	v62 =	vadd.s32 s14, v15;
	v63 =	vadd.s32 s14, v16;
	[tilespmem:$0x1FF10] =	vst v1;
	v1 =	vor.u32 s24, v0  }
0x1e: {  	s10 =	sadd.s32 $0x7DFA0, s4;
	s23 =	sadd.s32 $0x8CA020, s6;
	s13 =	smax.u32 s1, $0x1;
	v5 =	vadd.s32 s20, v13;
	v6 =	vadd.s32 s20, v14;
	[tilespmem:$0x1FF20] =	vst v1;
	v1 =	vadd.s32 s11, v15  }
0x1f: {  	s14 =	simm.s32 $0xD80;
	v7 =	vadd.s32 s20, v15;
	v8 =	vadd.s32 s20, v16;
	s20 =	simm.s32 $0x2;
	[dreg:$0xd] =	wrdreg s9;
	[tilespmem:$0x1FF30] =	vst v1;
	v1 =	vor.u32 s17, v0  }
0x20: {  	v41 =	vadd.s32 s5, v15;
	v43 =	vadd.s32 s5, v16;
	s16 =	sadd.s32 $0x2EE030, s6;
	[dreg:$0xe] =	wrdreg s10;
	s9 =	sadd.s32 $0xFA000, s4;
	[tilespmem:$0x1FF40] =	vst v1;
	v1 =	vadd.s32 s11, v16  }
0x21: {  	v59 =	vor.u32 s25, v0;
	s10 =	sadd.s32 $0xFAFA0, s4;
	v12 =	vor.u32 s23, v0;
	s23 =	simm.s32 $0x600;
	s25 =	simm.s32 $0x700;
	[tilespmem:$0x1FF50] =	vst v1;
	v1 =	vor.u32 s26, v0  }
0x22: {  	v2 =	vmov s18;
	v28 =	vor.u32 s16, v0;
	s16 =	sadd.s32 $0x6D6000, s6;
	s12 =	sadd.s32 $0x5DC000, s6;
	s24 =	sadd.s32 $0x2EE020, s6;
	[tilespmem:$0x1FF60] =	vst v1;
	v1 =	vadd.s32 s8, v13  }
0x23: {  	s1 =	simm.s32 $0x4;
	v50 =	vmov s12;
	s12 =	sadd.s32 $0x11A3A0, s4;
	v26 =	vor.u32 s24, v0;
	s24 =	sadd.s32 $0x5DC030, s6;
	[tilespmem:$0x1FF70] =	vst v1;
	v1 =	vmov s0  }
0x24: {  	v58 =	vmov s16;
	s17 =	sadd.s32 $0x3, s5;
	v56 =	vor.u32 s24, v0;
	s11 =	sadd.s32 $0x9C400, s4;
	s26 =	sadd.s32 $0x3E8030, s6;
	[tilespmem:$0x1FF80] =	vst v1;
	v1 =	vadd.s32 s8, v14  }
0x25: {  	v23 =	vadd.s32 s17, v14;
	v25 =	vadd.s32 s17, v15;
	[dreg:$0xf] =	wrdreg s11;
	s11 =	sadd.s32 $0x119400, s4;
	s0 =	sadd.s32 $0x4E2000, s6;
	[tilespmem:$0x1FF90] =	vst v1;
	v1 =	vor.u32 s19, v0  }
0x26: {  	s24 =	simm.s32 $0x680;
	v36 =	vor.u32 s26, v0;
	s26 =	sadd.s32 $0x7D0010, s6;
	v37 =	vmov s0;
	s0 =	sadd.s32 $0x5EBA0, s4;
	[tilespmem:$0x1FFA0] =	vst v1;
	v1 =	vadd.s32 s8, v15  }
0x27: {  	v27 =	vadd.s32 s17, v16;
	v3 =	vor.u32 s26, v0;
	s19 =	sadd.s32 $0x4E2010, s6;
	[dreg:$0xc] =	wrdreg s0;
	s0 =	sadd.s32 $0x8CA030, s6;
	[tilespmem:$0x1FFB0] =	vst v1;
	v1 =	vor.u32 s21, v0  }
0x28: {  	s16 =	simm.s32 $0x1;
	v39 =	vor.u32 s19, v0;
	s19 =	sadd.s32 $0x7D0020, s6;
	v17 =	vor.u32 s0, v0;
	s21 =	sadd.s32 $0x4E2030, s6;
	[tilespmem:$0x1FFC0] =	vst v1;
	v1 =	vadd.s32 s8, v16  }
0x29: {  	s26 =	simm.s32 $0x780;
	v4 =	vor.u32 s19, v0;
	s19 =	simm.s32 $0xD00;
	s8 =	sadd.s32 $0x5, s5;
	v48 =	vor.u32 s21, v0;
	[tilespmem:$0x1FFD0] =	vst v1;
	v1 =	vor.u32 s22, v0  }
0x2a: {  	s21 =	sadd.s32 $0x9D3A0, s4;
	s5 =	sadd.s32 $0xBB800, s4;
	s22 =	sadd.s32 $0x5DC010, s6;
	v44 =	vadd.s32 s8, v13;
	v45 =	vadd.s32 s8, v14;
	v46 =	vadd.s32 s8, v15  }
0x2b: {  	v47 =	vadd.s32 s8, v16;
	[dreg:$0x10] =	wrdreg s21;
	s8 =	sadd.s32 $0xDBBA0, s4;
	s21 =	simm.s32 $0x580;
	v14 =	vadd.s32 s30, v14;
	v15 =	vadd.s32 s30, v15  }
0x2c: {  	v16 =	vadd.s32 s30, v16;
	[tilespmem:$0x1FFE0] =	vst v1;
	v1 =	vadd.s32 s17, v13;
	s17 =	sadd.s32 $0x6D6020, s6;
	v52 =	vor.u32 s22, v0;
	s6 =	sadd.s32 $0xBC7A0, s4;
	s22 =	simm.s32 $0x3  }
0x2d: {  	v13 =	vadd.s32 s30, v13;
	s30 =	simm.s32 $0x900;
	[tilespmem:$0x1FFF0] =	vst v1;
	v60 =	vor.u32 s17, v0;
	v1 =	vor.u32 s15, v0;
	s15 =	simm.s32 $0x5;
	s17 =	simm.s32 $0x40  }
.LBB2_1:
0x2e: {  	s0 =	rddreg [dreg:$0x4]  }
0x2f: {  	[tilespmem:s14], [sflag:$0x5] =	stream.linear.gather [hbm4b:s0+s3], $0x7D00, $0x38;
	[tilespmem:$0x8A80] =	vst v63  }
0x30: {  	_ =	swait.ge [sflag:s15], $0x7D00  }
0x31: {  	[sflag:s15] =	ssyncset.done $0x0  }
0x32: {  	[sflag:s15] =	ssyncadd.s32 $0xFFFF8300  }
0x33: {  	[hbm4b:s4+s3] =	stream.linear.scatter [tilespmem:s14], [sflag:$0x1], $0x7D00, $0x38;
	[tilespmem:$0x8A80] =	vst v63  }
0x34: {  	s0 =	rddreg [dreg:$0x5]  }
0x35: {  	[hbm4b:s0+s3] =	stream.linear.scatter [tilespmem:s14], [sflag:$0x1], $0x7D00, $0x38;
	[tilespmem:$0x8A80] =	vst v63  }
0x36: {  	s18 =	rddreg [dreg:$0x6]  }
0x37: {  	[hbm4b:s18+s3] =	stream.linear.scatter [tilespmem:s14], [sflag:$0x2], $0x7D00, $0x38;
	[tilespmem:$0x8A80] =	vst v63  }
0x38: {  	s0 =	rddreg [dreg:$0x7]  }
0x39: {  	[hbm4b:s0+s3] =	stream.linear.scatter [tilespmem:s14], [sflag:$0x2], $0x7D00, $0x38;
	[tilespmem:$0x8A80] =	vst v63  }
0x3a: {  	s18 =	rddreg [dreg:$0x8]  }
0x3b: {  	[hbm4b:s18+s3] =	stream.linear.scatter [tilespmem:s14], [sflag:$0x3], $0x7D00, $0x38;
	[tilespmem:$0x8A80] =	vst v63  }
0x3c: {  	s0 =	rddreg [dreg:$0x9]  }
0x3d: {  	[hbm4b:s0+s3] =	stream.linear.scatter [tilespmem:s14], [sflag:$0x3], $0x7D00, $0x38;
	[tilespmem:$0x8A80] =	vst v63  }
0x3e: {  	s18 =	rddreg [dreg:$0xa]  }
0x3f: {  	[tilespmem:s3], [sflag:$0x5] =	stream.linear.gather [hbm4b:s18+s3], $0x500, $0x38;
	[tilespmem:$0x8A80] =	vst v63  }
0x40: {  	_ =	swait.ge [sflag:s15], $0x500  }
0x41: {  	[sflag:s15] =	ssyncset.done $0x0  }
0x42: {  	[sflag:s15] =	ssyncadd.s32 $0xFFFFFB00  }
0x43: {  	[tilespmem:$0xD00] =	vst v18  }
0x44: {  	[tilespmem:$0xD10] =	vst v18  }
0x45: {  	[tilespmem:$0xD20] =	vst v18  }
0x46: {  	[tilespmem:$0xD30] =	vst v18  }
0x47: {  	v19 =	vld.idx.msk [tilespmem:v38+s3+$0x0], $0xffff;
	_ =	sdelay $0x1  }
0x48: {  	v21 =	vld [tilespmem:$0x1FEB0];
	_ =	sdelay $0x2  }
0x49: {  	v20 =	vshll.u32 v19, $0xA  }
0x4a: {  	v19 =	vshll.u32 v19, $0x7;
	v20 =	vand.u32 $0xFFFFE000, v20  }
0x4b: {  	v19 =	vand.u32 $0x380, v19;
	v20 =	vadd.s32 v21, v20  }
0x4c: {  	v19 =	vor.u32 v19, v20  }
0x4d: {  	v19 =	vor.u32 v0, v19  }
0x4e: {  	[tilespmem:$0x500] =	vst v19  }
0x4f: {  	v19 =	vld.idx.msk [tilespmem:v40+s3+$0x0], $0xffff;
	_ =	sdelay $0x1  }
0x50: {  	v21 =	vld [tilespmem:$0x1FEC0];
	_ =	sdelay $0x2  }
0x51: {  	v20 =	vshll.u32 v19, $0x7  }
0x52: {  	v19 =	vshll.u32 v19, $0xA;
	v20 =	vand.u32 $0x380, v20  }
0x53: {  	v19 =	vand.u32 $0xFFFFE000, v19;
	v20 =	vor.u32 v20, v21  }
0x54: {  	v19 =	vadd.s32 v19, v20  }
0x55: {  	[tilespmem:$0x510] =	vst v19  }
0x56: {  	v19 =	vld.idx.msk [tilespmem:v41+s3+$0x0], $0xffff;
	_ =	sdelay $0x1  }
0x57: {  	v21 =	vld [tilespmem:$0x1FED0];
	_ =	sdelay $0x2  }
0x58: {  	v20 =	vshll.u32 v19, $0x7  }
0x59: {  	v19 =	vshll.u32 v19, $0xA;
	v20 =	vand.u32 $0x380, v20  }
0x5a: {  	v19 =	vand.u32 $0xFFFFE000, v19;
	v20 =	vor.u32 v20, v21  }
0x5b: {  	v19 =	vadd.s32 v19, v20  }
0x5c: {  	[tilespmem:$0x520] =	vst v19  }
0x5d: {  	v19 =	vld.idx.msk [tilespmem:v43+s3+$0x0], $0xffff;
	_ =	sdelay $0x1  }
0x5e: {  	v21 =	vld [tilespmem:$0x1FEE0];
	_ =	sdelay $0x2  }
0x5f: {  	v20 =	vshll.u32 v19, $0x7  }
0x60: {  	v19 =	vshll.u32 v19, $0xA;
	v20 =	vand.u32 $0x380, v20  }
0x61: {  	v19 =	vand.u32 $0xFFFFE000, v19;
	v20 =	vor.u32 v20, v21  }
0x62: {  	v19 =	vadd.s32 v19, v20  }
0x63: {  	[tilespmem:$0x530] =	vst v19;
	v19 =	vld [tilespmem:$0x1FEF0];
	_ =	sdelay $0x7  }
0x64: {  	v19 =	vld.idx.msk [tilespmem:v19+s3+$0x0], $0xffff;
	_ =	sdelay $0x1  }
0x65: {  	v21 =	vld [tilespmem:$0x1FF00];
	_ =	sdelay $0x2  }
0x66: {  	v20 =	vshll.u32 v19, $0xA  }
0x67: {  	v19 =	vshll.u32 v19, $0x7;
	v20 =	vand.u32 $0xFFFFE000, v20  }
0x68: {  	v19 =	vand.u32 $0x380, v19;
	v20 =	vadd.s32 v21, v20  }
0x69: {  	v19 =	vor.u32 v19, v20  }
0x6a: {  	v19 =	vor.u32 v0, v19  }
0x6b: {  	[tilespmem:$0x580] =	vst v19;
	v19 =	vld [tilespmem:$0x1FF10];
	_ =	sdelay $0x7  }
0x6c: {  	v19 =	vld.idx.msk [tilespmem:v19+s3+$0x0], $0xffff;
	_ =	sdelay $0x1  }
0x6d: {  	v21 =	vld [tilespmem:$0x1FF20];
	_ =	sdelay $0x2  }
0x6e: {  	v20 =	vshll.u32 v19, $0x7  }
0x6f: {  	v19 =	vshll.u32 v19, $0xA;
	v20 =	vand.u32 $0x380, v20  }
0x70: {  	v19 =	vand.u32 $0xFFFFE000, v19;
	v20 =	vor.u32 v20, v21  }
0x71: {  	v19 =	vadd.s32 v19, v20  }
0x72: {  	[tilespmem:$0x590] =	vst v19;
	v19 =	vld [tilespmem:$0x1FF30];
	_ =	sdelay $0x7  }
0x73: {  	v19 =	vld.idx.msk [tilespmem:v19+s3+$0x0], $0xffff;
	_ =	sdelay $0x1  }
0x74: {  	v21 =	vld [tilespmem:$0x1FF40];
	_ =	sdelay $0x2  }
0x75: {  	v20 =	vshll.u32 v19, $0x7  }
0x76: {  	v19 =	vshll.u32 v19, $0xA;
	v20 =	vand.u32 $0x380, v20  }
0x77: {  	v19 =	vand.u32 $0xFFFFE000, v19;
	v20 =	vor.u32 v20, v21  }
0x78: {  	v19 =	vadd.s32 v19, v20  }
0x79: {  	[tilespmem:$0x5A0] =	vst v19;
	v19 =	vld [tilespmem:$0x1FF50];
	_ =	sdelay $0x7  }
0x7a: {  	v19 =	vld.idx.msk [tilespmem:v19+s3+$0x0], $0xffff;
	_ =	sdelay $0x1  }
0x7b: {  	v21 =	vld [tilespmem:$0x1FF60];
	_ =	sdelay $0x2  }
0x7c: {  	v20 =	vshll.u32 v19, $0x7  }
0x7d: {  	v19 =	vshll.u32 v19, $0xA;
	v20 =	vand.u32 $0x380, v20  }
0x7e: {  	v19 =	vand.u32 $0xFFFFE000, v19;
	v20 =	vor.u32 v20, v21  }
0x7f: {  	v19 =	vadd.s32 v19, v20  }
0x80: {  	[tilespmem:$0x5B0] =	vst v19;
	v19 =	vld [tilespmem:$0x1FF70];
	_ =	sdelay $0x7  }
0x81: {  	v19 =	vld.idx.msk [tilespmem:v19+s3+$0x0], $0xffff;
	_ =	sdelay $0x1  }
0x82: {  	v21 =	vld [tilespmem:$0x1FF80];
	_ =	sdelay $0x2  }
0x83: {  	v20 =	vshll.u32 v19, $0xA  }
0x84: {  	v19 =	vshll.u32 v19, $0x7;
	v20 =	vand.u32 $0xFFFFE000, v20  }
0x85: {  	v19 =	vand.u32 $0x380, v19;
	v20 =	vadd.s32 v21, v20  }
0x86: {  	v19 =	vor.u32 v19, v20  }
0x87: {  	v19 =	vor.u32 v0, v19  }
0x88: {  	[tilespmem:$0x600] =	vst v19;
	v19 =	vld [tilespmem:$0x1FF90];
	_ =	sdelay $0x7  }
0x89: {  	v19 =	vld.idx.msk [tilespmem:v19+s3+$0x0], $0xffff;
	_ =	sdelay $0x1  }
0x8a: {  	v21 =	vld [tilespmem:$0x1FFA0];
	_ =	sdelay $0x2  }
0x8b: {  	v20 =	vshll.u32 v19, $0x7  }
0x8c: {  	v19 =	vshll.u32 v19, $0xA;
	v20 =	vand.u32 $0x380, v20  }
0x8d: {  	v19 =	vand.u32 $0xFFFFE000, v19;
	v20 =	vor.u32 v20, v21  }
0x8e: {  	v19 =	vadd.s32 v19, v20  }
0x8f: {  	[tilespmem:$0x610] =	vst v19;
	v19 =	vld [tilespmem:$0x1FFB0];
	_ =	sdelay $0x7  }
0x90: {  	v19 =	vld.idx.msk [tilespmem:v19+s3+$0x0], $0xffff;
	_ =	sdelay $0x1  }
0x91: {  	v21 =	vld [tilespmem:$0x1FFC0];
	_ =	sdelay $0x2  }
0x92: {  	v20 =	vshll.u32 v19, $0x7  }
0x93: {  	v19 =	vshll.u32 v19, $0xA;
	v20 =	vand.u32 $0x380, v20  }
0x94: {  	v19 =	vand.u32 $0xFFFFE000, v19;
	v20 =	vor.u32 v20, v21  }
0x95: {  	v19 =	vadd.s32 v19, v20  }
0x96: {  	[tilespmem:$0x620] =	vst v19;
	v19 =	vld [tilespmem:$0x1FFD0];
	_ =	sdelay $0x7  }
0x97: {  	v19 =	vld.idx.msk [tilespmem:v19+s3+$0x0], $0xffff;
	_ =	sdelay $0x1  }
0x98: {  	v21 =	vld [tilespmem:$0x1FFE0];
	_ =	sdelay $0x2  }
0x99: {  	v20 =	vshll.u32 v19, $0x7  }
0x9a: {  	v19 =	vshll.u32 v19, $0xA;
	v20 =	vand.u32 $0x380, v20  }
0x9b: {  	v19 =	vand.u32 $0xFFFFE000, v19;
	v20 =	vor.u32 v20, v21  }
0x9c: {  	v19 =	vadd.s32 v19, v20  }
0x9d: {  	[tilespmem:$0x630] =	vst v19;
	v19 =	vld [tilespmem:$0x1FFF0];
	_ =	sdelay $0x7  }
0x9e: {  	v19 =	vld.idx.msk [tilespmem:v19+s3+$0x0], $0xffff;
	_ =	sdelay $0x4  }
0x9f: {  	v20 =	vshll.u32 v19, $0xA  }
0xa0: {  	v19 =	vshll.u32 v19, $0x7;
	v20 =	vand.u32 $0xFFFFE000, v20  }
0xa1: {  	v19 =	vand.u32 $0x380, v19;
	v20 =	vadd.s32 v22, v20  }
0xa2: {  	v19 =	vor.u32 v19, v20  }
0xa3: {  	v19 =	vor.u32 v0, v19  }
0xa4: {  	[tilespmem:$0x680] =	vst v19  }
0xa5: {  	v19 =	vld.idx.msk [tilespmem:v23+s3+$0x0], $0xffff;
	_ =	sdelay $0x4  }
0xa6: {  	v20 =	vshll.u32 v19, $0x7  }
0xa7: {  	v19 =	vshll.u32 v19, $0xA;
	v20 =	vand.u32 $0x380, v20  }
0xa8: {  	v19 =	vand.u32 $0xFFFFE000, v19;
	v20 =	vor.u32 v20, v24  }
0xa9: {  	v19 =	vadd.s32 v19, v20  }
0xaa: {  	[tilespmem:$0x690] =	vst v19  }
0xab: {  	v19 =	vld.idx.msk [tilespmem:v25+s3+$0x0], $0xffff;
	_ =	sdelay $0x4  }
0xac: {  	v20 =	vshll.u32 v19, $0x7  }
0xad: {  	v19 =	vshll.u32 v19, $0xA;
	v20 =	vand.u32 $0x380, v20  }
0xae: {  	v19 =	vand.u32 $0xFFFFE000, v19;
	v20 =	vor.u32 v20, v26  }
0xaf: {  	v19 =	vadd.s32 v19, v20  }
0xb0: {  	[tilespmem:$0x6A0] =	vst v19  }
0xb1: {  	v19 =	vld.idx.msk [tilespmem:v27+s3+$0x0], $0xffff;
	_ =	sdelay $0x4  }
0xb2: {  	v20 =	vshll.u32 v19, $0x7  }
0xb3: {  	v19 =	vshll.u32 v19, $0xA;
	v20 =	vand.u32 $0x380, v20  }
0xb4: {  	v19 =	vand.u32 $0xFFFFE000, v19;
	v20 =	vor.u32 v20, v28  }
0xb5: {  	v19 =	vadd.s32 v19, v20  }
0xb6: {  	[tilespmem:$0x6B0] =	vst v19  }
0xb7: {  	v19 =	vld.idx.msk [tilespmem:v29+s3+$0x0], $0xffff;
	_ =	sdelay $0x4  }
0xb8: {  	v20 =	vshll.u32 v19, $0xA  }
0xb9: {  	v19 =	vshll.u32 v19, $0x7;
	v20 =	vand.u32 $0xFFFFE000, v20  }
0xba: {  	v19 =	vand.u32 $0x380, v19;
	v20 =	vadd.s32 v30, v20  }
0xbb: {  	v19 =	vor.u32 v19, v20  }
0xbc: {  	v19 =	vor.u32 v0, v19  }
0xbd: {  	[tilespmem:$0x700] =	vst v19  }
0xbe: {  	v19 =	vld.idx.msk [tilespmem:v31+s3+$0x0], $0xffff;
	_ =	sdelay $0x4  }
0xbf: {  	v20 =	vshll.u32 v19, $0x7  }
0xc0: {  	v19 =	vshll.u32 v19, $0xA;
	v20 =	vand.u32 $0x380, v20  }
0xc1: {  	v19 =	vand.u32 $0xFFFFE000, v19;
	v20 =	vor.u32 v20, v32  }
0xc2: {  	v19 =	vadd.s32 v19, v20  }
0xc3: {  	[tilespmem:$0x710] =	vst v19  }
0xc4: {  	v19 =	vld.idx.msk [tilespmem:v34+s3+$0x0], $0xffff;
	_ =	sdelay $0x4  }
0xc5: {  	v20 =	vshll.u32 v19, $0x7  }
0xc6: {  	v19 =	vshll.u32 v19, $0xA;
	v20 =	vand.u32 $0x380, v20  }
0xc7: {  	v19 =	vand.u32 $0xFFFFE000, v19;
	v20 =	vor.u32 v20, v33  }
0xc8: {  	v19 =	vadd.s32 v19, v20  }
0xc9: {  	[tilespmem:$0x720] =	vst v19  }
0xca: {  	v19 =	vld.idx.msk [tilespmem:v35+s3+$0x0], $0xffff;
	_ =	sdelay $0x4  }
0xcb: {  	v20 =	vshll.u32 v19, $0x7  }
0xcc: {  	v19 =	vshll.u32 v19, $0xA;
	v20 =	vand.u32 $0x380, v20  }
0xcd: {  	v19 =	vand.u32 $0xFFFFE000, v19;
	v20 =	vor.u32 v20, v36  }
0xce: {  	v19 =	vadd.s32 v19, v20  }
0xcf: {  	[tilespmem:$0x730] =	vst v19  }
0xd0: {  	v19 =	vld.idx.msk [tilespmem:v44+s3+$0x0], $0xffff;
	_ =	sdelay $0x4  }
0xd1: {  	v20 =	vshll.u32 v19, $0xA  }
0xd2: {  	v19 =	vshll.u32 v19, $0x7;
	v20 =	vand.u32 $0xFFFFE000, v20  }
0xd3: {  	v19 =	vand.u32 $0x380, v19;
	v20 =	vadd.s32 v37, v20  }
0xd4: {  	v19 =	vor.u32 v19, v20  }
0xd5: {  	v19 =	vor.u32 v0, v19  }
0xd6: {  	[tilespmem:$0x780] =	vst v19  }
0xd7: {  	v19 =	vld.idx.msk [tilespmem:v45+s3+$0x0], $0xffff;
	_ =	sdelay $0x4  }
0xd8: {  	v20 =	vshll.u32 v19, $0x7  }
0xd9: {  	v19 =	vshll.u32 v19, $0xA;
	v20 =	vand.u32 $0x380, v20  }
0xda: {  	v19 =	vand.u32 $0xFFFFE000, v19;
	v20 =	vor.u32 v20, v39  }
0xdb: {  	v19 =	vadd.s32 v19, v20  }
0xdc: {  	[tilespmem:$0x790] =	vst v19  }
0xdd: {  	v19 =	vld.idx.msk [tilespmem:v46+s3+$0x0], $0xffff;
	_ =	sdelay $0x4  }
0xde: {  	v20 =	vshll.u32 v19, $0x7  }
0xdf: {  	v19 =	vshll.u32 v19, $0xA;
	v20 =	vand.u32 $0x380, v20  }
0xe0: {  	v19 =	vand.u32 $0xFFFFE000, v19;
	v20 =	vor.u32 v20, v42  }
0xe1: {  	v19 =	vadd.s32 v19, v20  }
0xe2: {  	[tilespmem:$0x7A0] =	vst v19  }
0xe3: {  	v19 =	vld.idx.msk [tilespmem:v47+s3+$0x0], $0xffff;
	_ =	sdelay $0x4  }
0xe4: {  	v20 =	vshll.u32 v19, $0x7  }
0xe5: {  	v19 =	vshll.u32 v19, $0xA;
	v20 =	vand.u32 $0x380, v20  }
0xe6: {  	v19 =	vand.u32 $0xFFFFE000, v19;
	v20 =	vor.u32 v20, v48  }
0xe7: {  	v19 =	vadd.s32 v19, v20  }
0xe8: {  	[tilespmem:$0x7B0] =	vst v19  }
0xe9: {  	v19 =	vld.idx.msk [tilespmem:v49+s3+$0x0], $0xffff;
	_ =	sdelay $0x4  }
0xea: {  	v20 =	vshll.u32 v19, $0xA  }
0xeb: {  	v19 =	vshll.u32 v19, $0x7;
	v20 =	vand.u32 $0xFFFFE000, v20  }
0xec: {  	v19 =	vand.u32 $0x380, v19;
	v20 =	vadd.s32 v50, v20  }
0xed: {  	v19 =	vor.u32 v19, v20  }
0xee: {  	v19 =	vor.u32 v0, v19  }
0xef: {  	[tilespmem:$0x800] =	vst v19  }
0xf0: {  	v19 =	vld.idx.msk [tilespmem:v51+s3+$0x0], $0xffff;
	_ =	sdelay $0x4  }
0xf1: {  	v20 =	vshll.u32 v19, $0x7  }
0xf2: {  	v19 =	vshll.u32 v19, $0xA;
	v20 =	vand.u32 $0x380, v20  }
0xf3: {  	v19 =	vand.u32 $0xFFFFE000, v19;
	v20 =	vor.u32 v20, v52  }
0xf4: {  	v19 =	vadd.s32 v19, v20  }
0xf5: {  	[tilespmem:$0x810] =	vst v19  }
0xf6: {  	v19 =	vld.idx.msk [tilespmem:v53+s3+$0x0], $0xffff;
	_ =	sdelay $0x4  }
0xf7: {  	v20 =	vshll.u32 v19, $0x7  }
0xf8: {  	v19 =	vshll.u32 v19, $0xA;
	v20 =	vand.u32 $0x380, v20  }
0xf9: {  	v19 =	vand.u32 $0xFFFFE000, v19;
	v20 =	vor.u32 v20, v54  }
0xfa: {  	v19 =	vadd.s32 v19, v20  }
0xfb: {  	[tilespmem:$0x820] =	vst v19  }
0xfc: {  	v19 =	vld.idx.msk [tilespmem:v55+s3+$0x0], $0xffff;
	_ =	sdelay $0x4  }
0xfd: {  	v20 =	vshll.u32 v19, $0x7  }
0xfe: {  	v19 =	vshll.u32 v19, $0xA;
	v20 =	vand.u32 $0x380, v20  }
0xff: {  	v19 =	vand.u32 $0xFFFFE000, v19;
	v20 =	vor.u32 v20, v56  }
0x100: {  	v19 =	vadd.s32 v19, v20  }
0x101: {  	[tilespmem:$0x830] =	vst v19  }
0x102: {  	v19 =	vld.idx.msk [tilespmem:v57+s3+$0x0], $0xffff;
	_ =	sdelay $0x4  }
0x103: {  	v20 =	vshll.u32 v19, $0xA  }
0x104: {  	v19 =	vshll.u32 v19, $0x7;
	v20 =	vand.u32 $0xFFFFE000, v20  }
0x105: {  	v19 =	vand.u32 $0x380, v19;
	v20 =	vadd.s32 v58, v20  }
0x106: {  	v19 =	vor.u32 v19, v20  }
0x107: {  	v19 =	vor.u32 v0, v19  }
0x108: {  	[tilespmem:$0x880] =	vst v19  }
0x109: {  	v19 =	vld.idx.msk [tilespmem:v61+s3+$0x0], $0xffff;
	_ =	sdelay $0x4  }
0x10a: {  	v20 =	vshll.u32 v19, $0x7  }
0x10b: {  	v19 =	vshll.u32 v19, $0xA;
	v20 =	vand.u32 $0x380, v20  }
0x10c: {  	v19 =	vand.u32 $0xFFFFE000, v19;
	v20 =	vor.u32 v20, v59  }
0x10d: {  	v19 =	vadd.s32 v19, v20  }
0x10e: {  	[tilespmem:$0x890] =	vst v19  }
0x10f: {  	v19 =	vld.idx.msk [tilespmem:v62+s3+$0x0], $0xffff;
	_ =	sdelay $0x4  }
0x110: {  	v20 =	vshll.u32 v19, $0x7  }
0x111: {  	v19 =	vshll.u32 v19, $0xA;
	v20 =	vand.u32 $0x380, v20  }
0x112: {  	v19 =	vand.u32 $0xFFFFE000, v19;
	v20 =	vor.u32 v20, v60  }
0x113: {  	v19 =	vadd.s32 v19, v20  }
0x114: {  	[tilespmem:$0x8A0] =	vst v19  }
0x115: {  	v19 =	vld.idx.msk [tilespmem:v63+s3+$0x0], $0xffff;
	_ =	sdelay $0x4  }
0x116: {  	v20 =	vshll.u32 v19, $0x7  }
0x117: {  	v19 =	vshll.u32 v19, $0xA;
	v20 =	vand.u32 $0x380, v20  }
0x118: {  	v19 =	vand.u32 $0xFFFFE000, v19;
	v20 =	vor.u32 v20, v1  }
0x119: {  	v19 =	vadd.s32 v19, v20  }
0x11a: {  	[tilespmem:$0x8B0] =	vst v19  }
0x11b: {  	v19 =	vld.idx.msk [tilespmem:v5+s3+$0x0], $0xffff;
	_ =	sdelay $0x4  }
0x11c: {  	v20 =	vshll.u32 v19, $0xA  }
0x11d: {  	v19 =	vshll.u32 v19, $0x7;
	v20 =	vand.u32 $0xFFFFE000, v20  }
0x11e: {  	v19 =	vand.u32 $0x380, v19;
	v20 =	vadd.s32 v2, v20  }
0x11f: {  	v19 =	vor.u32 v19, v20  }
0x120: {  	v19 =	vor.u32 v0, v19  }
0x121: {  	[tilespmem:$0x900] =	vst v19  }
0x122: {  	v19 =	vld.idx.msk [tilespmem:v6+s3+$0x0], $0xffff;
	_ =	sdelay $0x4  }
0x123: {  	v20 =	vshll.u32 v19, $0x7  }
0x124: {  	v19 =	vshll.u32 v19, $0xA;
	v20 =	vand.u32 $0x380, v20  }
0x125: {  	v19 =	vand.u32 $0xFFFFE000, v19;
	v20 =	vor.u32 v20, v3  }
0x126: {  	v19 =	vadd.s32 v19, v20  }
0x127: {  	[tilespmem:$0x910] =	vst v19  }
0x128: {  	v19 =	vld.idx.msk [tilespmem:v7+s3+$0x0], $0xffff;
	_ =	sdelay $0x4  }
0x129: {  	v20 =	vshll.u32 v19, $0x7  }
0x12a: {  	v19 =	vshll.u32 v19, $0xA;
	v20 =	vand.u32 $0x380, v20  }
0x12b: {  	v19 =	vand.u32 $0xFFFFE000, v19;
	v20 =	vor.u32 v20, v4  }
0x12c: {  	v19 =	vadd.s32 v19, v20  }
0x12d: {  	[tilespmem:$0x920] =	vst v19  }
0x12e: {  	v19 =	vld.idx.msk [tilespmem:v8+s3+$0x0], $0xffff;
	_ =	sdelay $0x4  }
0x12f: {  	v20 =	vshll.u32 v19, $0x7  }
0x130: {  	v19 =	vshll.u32 v19, $0xA;
	v20 =	vand.u32 $0x380, v20  }
0x131: {  	v19 =	vand.u32 $0xFFFFE000, v19;
	v20 =	vor.u32 v20, v9  }
0x132: {  	v19 =	vadd.s32 v19, v20  }
0x133: {  	[tilespmem:$0x930] =	vst v19  }
0x134: {  	v19 =	vld.idx.msk [tilespmem:v13+s3+$0x0], $0xffff;
	_ =	sdelay $0x4  }
0x135: {  	v20 =	vshll.u32 v19, $0xA  }
0x136: {  	v19 =	vshll.u32 v19, $0x7;
	v20 =	vand.u32 $0xFFFFE000, v20  }
0x137: {  	v19 =	vand.u32 $0x380, v19;
	v20 =	vadd.s32 v10, v20  }
0x138: {  	v19 =	vor.u32 v19, v20  }
0x139: {  	v19 =	vor.u32 v0, v19  }
0x13a: {  	[tilespmem:$0x980] =	vst v19  }
0x13b: {  	v19 =	vld.idx.msk [tilespmem:v14+s3+$0x0], $0xffff;
	_ =	sdelay $0x4  }
0x13c: {  	v20 =	vshll.u32 v19, $0x7  }
0x13d: {  	v19 =	vshll.u32 v19, $0xA;
	v20 =	vand.u32 $0x380, v20  }
0x13e: {  	v19 =	vand.u32 $0xFFFFE000, v19;
	v20 =	vor.u32 v20, v11  }
0x13f: {  	v19 =	vadd.s32 v19, v20  }
0x140: {  	[tilespmem:$0x990] =	vst v19  }
0x141: {  	v19 =	vld.idx.msk [tilespmem:v15+s3+$0x0], $0xffff;
	_ =	sdelay $0x4  }
0x142: {  	v20 =	vshll.u32 v19, $0x7  }
0x143: {  	v19 =	vshll.u32 v19, $0xA;
	v20 =	vand.u32 $0x380, v20  }
0x144: {  	v19 =	vand.u32 $0xFFFFE000, v19;
	v20 =	vor.u32 v20, v12  }
0x145: {  	v19 =	vadd.s32 v19, v20  }
0x146: {  	[tilespmem:$0x9A0] =	vst v19  }
0x147: {  	v19 =	vld.idx.msk [tilespmem:v16+s3+$0x0], $0xffff;
	_ =	sdelay $0x4  }
0x148: {  	v20 =	vshll.u32 v19, $0x7  }
0x149: {  	v19 =	vshll.u32 v19, $0xA;
	v20 =	vand.u32 $0x380, v20  }
0x14a: {  	v19 =	vand.u32 $0xFFFFE000, v19;
	v20 =	vor.u32 v20, v17  }
0x14b: {  	v19 =	vadd.s32 v19, v20  }
0x14c: {  	[tilespmem:$0x9B0] =	vst v19  }
0x14d: {  	_ =	swait.ge [sflag:s16], $0x7D00  }
0x14e: {  	[sflag:s16] =	ssyncset.done $0x0  }
0x14f: {  	[sflag:s16] =	ssyncadd.s32 $0xFFFF8300  }
0x150: {  	_ =	swait.ge [sflag:s16], $0x7D00  }
0x151: {  	[sflag:s16] =	ssyncset.done $0x0  }
0x152: {  	[sflag:s16] =	ssyncadd.s32 $0xFFFF8300  }
0x153: {  	s18 =	simm.s32 $0x500;
	[bflag:$0x0] =	sbarrier.arrive $0xFFFF  }
0x154: {  	[hbm4b:s2+s17] =	stream.indirect.scatter [tilespmem:s19], [sflag:$0x4], $0x1, s18, s17, $0xb8;
	[tilespmem:$0x8A80] =	vst v63  }
0x155: {  	s0 =	rddreg [dreg:$0xb]  }
0x156: {  	[hbm4b:s0+s3] =	stream.linear.scatter [tilespmem:s14], [sflag:$0x1], $0x7D00, $0x38;
	[tilespmem:$0x8A80] =	vst v63  }
0x157: {  	s18 =	rddreg [dreg:$0xc]  }
0x158: {  	[hbm4b:s18+s3] =	stream.linear.scatter [tilespmem:s14], [sflag:$0x1], $0x7D00, $0x38;
	[tilespmem:$0x8A80] =	vst v63  }
0x159: {  	_ =	swait.ge [sflag:s20], $0x7D00  }
0x15a: {  	[sflag:s20] =	ssyncset.done $0x0  }
0x15b: {  	[sflag:s20] =	ssyncadd.s32 $0xFFFF8300  }
0x15c: {  	_ =	swait.ge [sflag:s20], $0x7D00  }
0x15d: {  	[sflag:s20] =	ssyncset.done $0x0  }
0x15e: {  	[sflag:s20] =	ssyncadd.s32 $0xFFFF8300  }
0x15f: {  	[bflag:$0x0] =	sbarrier.arrive $0xFFFF  }
0x160: {  	[hbm4b:s2+s17] =	stream.indirect.scatter [tilespmem:s19], [sflag:$0x4], $0x1, s21, s17, $0xb8;
	[tilespmem:$0x8A80] =	vst v63  }
0x161: {  	s0 =	rddreg [dreg:$0xd]  }
0x162: {  	[hbm4b:s0+s3] =	stream.linear.scatter [tilespmem:s14], [sflag:$0x2], $0x7D00, $0x38;
	[tilespmem:$0x8A80] =	vst v63  }
0x163: {  	s18 =	rddreg [dreg:$0xe]  }
0x164: {  	[hbm4b:s18+s3] =	stream.linear.scatter [tilespmem:s14], [sflag:$0x2], $0x7D00, $0x38;
	[tilespmem:$0x8A80] =	vst v63  }
0x165: {  	_ =	swait.ge [sflag:s22], $0x7D00  }
0x166: {  	[sflag:s22] =	ssyncset.done $0x0  }
0x167: {  	[sflag:s22] =	ssyncadd.s32 $0xFFFF8300  }
0x168: {  	_ =	swait.ge [sflag:s22], $0x7D00  }
0x169: {  	[sflag:s22] =	ssyncset.done $0x0  }
0x16a: {  	[sflag:s22] =	ssyncadd.s32 $0xFFFF8300  }
0x16b: {  	[bflag:$0x0] =	sbarrier.arrive $0xFFFF  }
0x16c: {  	[hbm4b:s2+s17] =	stream.indirect.scatter [tilespmem:s19], [sflag:$0x4], $0x1, s23, s17, $0xb8;
	[tilespmem:$0x8A80] =	vst v63  }
0x16d: {  	s0 =	rddreg [dreg:$0xf]  }
0x16e: {  	[hbm4b:s0+s3] =	stream.linear.scatter [tilespmem:s14], [sflag:$0x3], $0x7D00, $0x38;
	[tilespmem:$0x8A80] =	vst v63  }
0x16f: {  	s18 =	rddreg [dreg:$0x10]  }
0x170: {  	[hbm4b:s18+s3] =	stream.linear.scatter [tilespmem:s14], [sflag:$0x3], $0x7D00, $0x38;
	[tilespmem:$0x8A80] =	vst v63  }
0x171: {  	_ =	swait.ge [sflag:s16], $0x7D00  }
0x172: {  	[sflag:s16] =	ssyncset.done $0x0  }
0x173: {  	[sflag:s16] =	ssyncadd.s32 $0xFFFF8300  }
0x174: {  	_ =	swait.ge [sflag:s16], $0x7D00  }
0x175: {  	[sflag:s16] =	ssyncset.done $0x0  }
0x176: {  	[sflag:s16] =	ssyncadd.s32 $0xFFFF8300  }
0x177: {  	[bflag:$0x0] =	sbarrier.arrive $0xFFFF  }
0x178: {  	[hbm4b:s2+s17] =	stream.indirect.scatter [tilespmem:s19], [sflag:$0x4], $0x1, s24, s17, $0xb8;
	[tilespmem:$0x8A80] =	vst v63  }
0x179: {  	_ = 	snop  }
0x17a: {  	[hbm4b:s5+s3] =	stream.linear.scatter [tilespmem:s14], [sflag:$0x1], $0x7D00, $0x38;
	[tilespmem:$0x8A80] =	vst v63  }
0x17b: {  	_ = 	snop  }
0x17c: {  	[hbm4b:s6+s3] =	stream.linear.scatter [tilespmem:s14], [sflag:$0x1], $0x7D00, $0x38;
	[tilespmem:$0x8A80] =	vst v63  }
0x17d: {  	_ =	swait.ge [sflag:s20], $0x7D00  }
0x17e: {  	[sflag:s20] =	ssyncset.done $0x0  }
0x17f: {  	[sflag:s20] =	ssyncadd.s32 $0xFFFF8300  }
0x180: {  	_ =	swait.ge [sflag:s20], $0x7D00  }
0x181: {  	[sflag:s20] =	ssyncset.done $0x0  }
0x182: {  	[sflag:s20] =	ssyncadd.s32 $0xFFFF8300  }
0x183: {  	[bflag:$0x0] =	sbarrier.arrive $0xFFFF  }
0x184: {  	[hbm4b:s2+s17] =	stream.indirect.scatter [tilespmem:s19], [sflag:$0x4], $0x1, s25, s17, $0xb8;
	[tilespmem:$0x8A80] =	vst v63  }
0x185: {  	_ = 	snop  }
0x186: {  	[hbm4b:s7+s3] =	stream.linear.scatter [tilespmem:s14], [sflag:$0x2], $0x7D00, $0x38;
	[tilespmem:$0x8A80] =	vst v63  }
0x187: {  	_ = 	snop  }
0x188: {  	[hbm4b:s8+s3] =	stream.linear.scatter [tilespmem:s14], [sflag:$0x2], $0x7D00, $0x38;
	[tilespmem:$0x8A80] =	vst v63  }
0x189: {  	_ =	swait.ge [sflag:s22], $0x7D00  }
0x18a: {  	[sflag:s22] =	ssyncset.done $0x0  }
0x18b: {  	[sflag:s22] =	ssyncadd.s32 $0xFFFF8300  }
0x18c: {  	_ =	swait.ge [sflag:s22], $0x7D00  }
0x18d: {  	[sflag:s22] =	ssyncset.done $0x0  }
0x18e: {  	[sflag:s22] =	ssyncadd.s32 $0xFFFF8300  }
0x18f: {  	[bflag:$0x0] =	sbarrier.arrive $0xFFFF  }
0x190: {  	[hbm4b:s2+s17] =	stream.indirect.scatter [tilespmem:s19], [sflag:$0x4], $0x1, s26, s17, $0xb8;
	[tilespmem:$0x8A80] =	vst v63  }
0x191: {  	_ = 	snop  }
0x192: {  	[hbm4b:s9+s3] =	stream.linear.scatter [tilespmem:s14], [sflag:$0x3], $0x7D00, $0x38;
	[tilespmem:$0x8A80] =	vst v63  }
0x193: {  	_ = 	snop  }
0x194: {  	[hbm4b:s10+s3] =	stream.linear.scatter [tilespmem:s14], [sflag:$0x3], $0x7D00, $0x38;
	[tilespmem:$0x8A80] =	vst v63  }
0x195: {  	_ =	swait.ge [sflag:s16], $0x7D00  }
0x196: {  	[sflag:s16] =	ssyncset.done $0x0  }
0x197: {  	[sflag:s16] =	ssyncadd.s32 $0xFFFF8300  }
0x198: {  	_ =	swait.ge [sflag:s16], $0x7D00  }
0x199: {  	[sflag:s16] =	ssyncset.done $0x0  }
0x19a: {  	[sflag:s16] =	ssyncadd.s32 $0xFFFF8300  }
0x19b: {  	[bflag:$0x0] =	sbarrier.arrive $0xFFFF  }
0x19c: {  	[hbm4b:s2+s17] =	stream.indirect.scatter [tilespmem:s19], [sflag:$0x4], $0x1, s28, s17, $0xb8;
	[tilespmem:$0x8A80] =	vst v63  }
0x19d: {  	_ = 	snop  }
0x19e: {  	[hbm4b:s11+s3] =	stream.linear.scatter [tilespmem:s14], [sflag:$0x1], $0x7D00, $0x38;
	[tilespmem:$0x8A80] =	vst v63  }
0x19f: {  	_ = 	snop  }
0x1a0: {  	[hbm4b:s12+s3] =	stream.linear.scatter [tilespmem:s14], [sflag:$0x1], $0x7D00, $0x38;
	[tilespmem:$0x8A80] =	vst v63  }
0x1a1: {  	_ =	swait.ge [sflag:s20], $0x7D00  }
0x1a2: {  	[sflag:s20] =	ssyncset.done $0x0  }
0x1a3: {  	[sflag:s20] =	ssyncadd.s32 $0xFFFF8300  }
0x1a4: {  	_ =	swait.ge [sflag:s20], $0x7D00  }
0x1a5: {  	[sflag:s20] =	ssyncset.done $0x0  }
0x1a6: {  	[sflag:s20] =	ssyncadd.s32 $0xFFFF8300  }
0x1a7: {  	[bflag:$0x0] =	sbarrier.arrive $0xFFFF  }
0x1a8: {  	[hbm4b:s2+s17] =	stream.indirect.scatter [tilespmem:s19], [sflag:$0x4], $0x1, s29, s17, $0xb8;
	[tilespmem:$0x8A80] =	vst v63  }
0x1a9: {  	_ =	swait.ge [sflag:s22], $0x7D00  }
0x1aa: {  	[sflag:s22] =	ssyncset.done $0x0  }
0x1ab: {  	[sflag:s22] =	ssyncadd.s32 $0xFFFF8300  }
0x1ac: {  	_ =	swait.ge [sflag:s22], $0x7D00  }
0x1ad: {  	[sflag:s22] =	ssyncset.done $0x0  }
0x1ae: {  	[sflag:s22] =	ssyncadd.s32 $0xFFFF8300  }
0x1af: {  	[bflag:$0x0] =	sbarrier.arrive $0xFFFF  }
0x1b0: {  	[hbm4b:s2+s17] =	stream.indirect.scatter [tilespmem:s19], [sflag:$0x4], $0x1, s30, s17, $0xb8;
	[tilespmem:$0x8A80] =	vst v63  }
0x1b1: {  	_ =	swait.ge [sflag:s16], $0x7D00  }
0x1b2: {  	[sflag:s16] =	ssyncset.done $0x0  }
0x1b3: {  	[sflag:s16] =	ssyncadd.s32 $0xFFFF8300  }
0x1b4: {  	_ =	swait.ge [sflag:s16], $0x7D00  }
0x1b5: {  	[sflag:s16] =	ssyncset.done $0x0  }
0x1b6: {  	[sflag:s16] =	ssyncadd.s32 $0xFFFF8300  }
0x1b7: {  	[bflag:$0x0] =	sbarrier.arrive $0xFFFF  }
0x1b8: {  	[hbm4b:s2+s17] =	stream.indirect.scatter [tilespmem:s19], [sflag:$0x4], $0x1, s31, s17, $0xb8;
	[tilespmem:$0x8A80] =	vst v63  }
0x1b9: {  	_ =	swait.ge [sflag:s1], $0x40  }
0x1ba: {  	[sflag:s1] =	ssyncset.done $0x0  }
0x1bb: {  	[sflag:s1] =	ssyncadd.s32 $0xFFFFFFC0  }
0x1bc: {  	_ =	swait.ge [sflag:s1], $0x40  }
0x1bd: {  	[sflag:s1] =	ssyncset.done $0x0  }
0x1be: {  	[sflag:s1] =	ssyncadd.s32 $0xFFFFFFC0  }
0x1bf: {  	_ =	swait.ge [sflag:s1], $0x40  }
0x1c0: {  	[sflag:s1] =	ssyncset.done $0x0  }
0x1c1: {  	[sflag:s1] =	ssyncadd.s32 $0xFFFFFFC0  }
0x1c2: {  	_ =	swait.ge [sflag:s1], $0x40  }
0x1c3: {  	[sflag:s1] =	ssyncset.done $0x0  }
0x1c4: {  	[sflag:s1] =	ssyncadd.s32 $0xFFFFFFC0  }
0x1c5: {  	_ =	swait.ge [sflag:s1], $0x40  }
0x1c6: {  	[sflag:s1] =	ssyncset.done $0x0  }
0x1c7: {  	[sflag:s1] =	ssyncadd.s32 $0xFFFFFFC0  }
0x1c8: {  	_ =	swait.ge [sflag:s1], $0x40  }
0x1c9: {  	[sflag:s1] =	ssyncset.done $0x0  }
0x1ca: {  	[sflag:s1] =	ssyncadd.s32 $0xFFFFFFC0  }
0x1cb: {  	_ =	swait.ge [sflag:s1], $0x40  }
0x1cc: {  	[sflag:s1] =	ssyncset.done $0x0  }
0x1cd: {  	[sflag:s1] =	ssyncadd.s32 $0xFFFFFFC0  }
0x1ce: {  	_ =	swait.ge [sflag:s1], $0x40  }
0x1cf: {  	[sflag:s1] =	ssyncset.done $0x0  }
0x1d0: {  	[sflag:s1] =	ssyncadd.s32 $0xFFFFFFC0  }
0x1d1: {  	p0 =	sne.s32 s13, $0x1;
	_ =	swait.ge [sflag:s1], $0x40  }
.Ltmp0:
0x1d2: {  	[sflag:s1] =	ssyncset.done $0x0;
	(pc) =	sbr.rel @p0 .LBB2_1-.Ltmp0, $4  }
0x1d3: {  	[sflag:s1] =	ssyncadd.s32 $0xFFFFFFC0  }
0x1d4: {  	_ =	swait.ge [sflag:s1], $0x40  }
0x1d5: {  	[sflag:s1] =	ssyncset.done $0x0  }
0x1d6: {  	s13 =	sadd.s32 $0xFFFFFFFF, s13;
	[sflag:s1] =	ssyncadd.s32 $0xFFFFFFC0  }
0x1d7: {  	_ =	sfence.sel $0x180000  }
0x1d8: {  	[bflag:$0x0] =	sbarrier.arrive $0xFFFF  }
0x1d9: {  	_ =	strace $0x90000047  }
0x1da: {  	s0 =	stileid.u32;
	[bflag:$0x2] =	sbarrier.arrive $0xFFFF  }
0x1db: {  	p0 =	sne.s32 s0, $0x0;
	s0 =	rddreg [dreg:$0x3]  }
0x1dc: {  	s0 =	sadd.s32 @!p0 $0x100000, s0  }
0x1dd: {  	[sflag:s0] =	ssyncadd.tile.s32 @!p0 $0x1;
	_ =	shalt  }
.Lfunc_end2:
_tile_overlayer_lowered:
.L_overlay_start_2:
0x1de: {  	(tag) =	ssettag $0x2  }
0x1df: {  	s0 =	rddreg [dreg:$0x0];
	s2 =	stileid.u32  }
0x1e0: {  	s1 =	rddreg [dreg:$0x1];
	p0 =	sne.s32 s2, $0x0  }
0x1e1: {  	s3 =	rddreg [dreg:$0x2];
	[bflag:$0x3] =	sbarrier.arrive $0xFFFF;
	s2 =	simm.s32 @!p0 $0x1C05  }
0x1e2: {  	[timem:s3], [sflag:s2] =	dma.local @!p0 [hbm:s0], s1  }
0x1e3: {  	s0 =	simm.s32 @!p0 $0x5  }
0x1e4: {  	_ =	swait.ge @!p0 [sflag:s0], s1  }
0x1e5: {  	s1 =	ssub.s32 @!p0 $0x0, s1;
	[sflag:s0] =	ssyncset.done @!p0 $0x0  }
0x1e6: {  	[sflag:s0] =	ssyncadd.s32 @!p0 s1  }
0x1e7: {  	[bflag:$0x3] =	sbarrier.arrive $0xFFFF  }
0x1e8: {  	_ =	shalt  }

</sc_bundles>
